<compile_context>
chip_gen: v7x
topology: tpu7x:2x2x1
jax: 0.10.2.dev20260603
libtpu: 0.0.44.dev20260713+nightly
codegen_flags: <defaults>
</compile_context>

<pallas_src>
import functools

import jax
import jax.numpy as jnp
from jax import lax
from jax.experimental import pallas as pl
from jax.experimental.pallas import tpu as pltpu
from jax.experimental.pallas import tpu_sc as plsc

D = 256
W = D // 2
E = 160000
NC = 2
NS = 16
NW = NC * NS
L = 16
EW = E // NW
C = 128
NCH = -(-EW // C)
LAST_BASE = EW - C


def _sc_sqdist(zi, ei):
    mesh = plsc.VectorSubcoreMesh(core_axis_name="c", subcore_axis_name="s")

    @functools.partial(
        pl.kernel,
        out_type=jax.ShapeDtypeStruct((E,), jnp.float32),
        mesh=mesh,
        scratch_types=[
            pltpu.VMEM((EW,), jnp.int32),
            pltpu.VMEM((EW,), jnp.int32),
            pltpu.VMEM((C, W), jnp.int32),
            pltpu.VMEM((C, W), jnp.int32),
            pltpu.VMEM((C, W), jnp.int32),
            pltpu.VMEM((C, W), jnp.int32),
            pltpu.VMEM((EW,), jnp.float32),
            pltpu.SemaphoreType.DMA,
            pltpu.SemaphoreType.DMA,
            pltpu.SemaphoreType.DMA,
            pltpu.SemaphoreType.DMA,
        ],
        compiler_params=pltpu.CompilerParams(
            use_tc_tiling_on_sc=False, needs_layout_passes=False),
    )
    def k(z_hbm, ei_hbm, out_hbm,
          sidx, didx, sA, dA, sB, dB, qv, sem_sA, sem_dA, sem_sB, sem_dB):
        wid = lax.axis_index("s") * NC + lax.axis_index("c")
        ebase = wid * EW
        pltpu.sync_copy(ei_hbm.at[0, pl.ds(ebase, EW)], sidx)
        pltpu.sync_copy(ei_hbm.at[1, pl.ds(ebase, EW)], didx)

        def chunk_base(c):
            return jnp.minimum(c * C, LAST_BASE)

        def issue(c, s_buf, d_buf, sem_s, sem_d):
            b = chunk_base(c)
            pltpu.async_copy(z_hbm.at[sidx.at[pl.ds(b, C)]], s_buf, sem_s)
            pltpu.async_copy(z_hbm.at[didx.at[pl.ds(b, C)]], d_buf, sem_d)

        def drain(s_buf, d_buf, sem_s, sem_d):
            pltpu.make_async_copy(z_hbm.at[sidx.at[pl.ds(0, C)]],
                                  s_buf, sem_s).wait()
            pltpu.make_async_copy(z_hbm.at[didx.at[pl.ds(0, C)]],
                                  d_buf, sem_d).wait()

        zero16 = jnp.zeros((L,), jnp.int32)
        epsb = jnp.bfloat16(1e-6)
        rot0 = lax.iota(jnp.int32, L)

        def compute(c, s_buf, d_buf):
            qb = chunk_base(c)

            def eb_body(eb, carry):
                flat0 = (rot0 + eb * L) * W

                def grp(_, gc):
                    acc, flatbase = gc
                    for t in range(L):
                        colr = (rot0 + t) & (L - 1)
                        flat = flatbase + colr
                        a = plsc.bitcast(
                            plsc.load_gather(s_buf, [zero16, flat]),
                            jnp.bfloat16)
                        bb = plsc.bitcast(
                            plsc.load_gather(d_buf, [zero16, flat]),
                            jnp.bfloat16)
                        dlt = a - bb + epsb
                        acc = acc + dlt * dlt
                    return acc, flatbase + L

                acc, _ = lax.fori_loop(
                    0, W // L, grp,
                    (jnp.zeros((2 * L,), jnp.bfloat16), flat0))
                lo, hi = plsc.unpack(acc, format=plsc.PackFormat.INTERLEAVED)
                qv[pl.ds(qb + eb * L, L)] = lo + hi
                return carry

            lax.fori_loop(0, C // L, eb_body, 0)

        issue(0, sA, dA, sem_sA, sem_dA)
        issue(1, sB, dB, sem_sB, sem_dB)

        def body(i2, carry):
            c0 = i2 * 2
            c1 = c0 + 1
            drain(sA, dA, sem_sA, sem_dA)
            compute(c0, sA, dA)
            issue(c0 + 2, sA, dA, sem_sA, sem_dA)
            drain(sB, dB, sem_sB, sem_dB)
            compute(c1, sB, dB)
            issue(c1 + 2, sB, dB, sem_sB, sem_dB)
            return carry

        lax.fori_loop(0, (NCH - 2) // 2, body, 0)
        drain(sA, dA, sem_sA, sem_dA)
        compute(NCH - 2, sA, dA)
        drain(sB, dB, sem_sB, sem_dB)
        compute(NCH - 1, sB, dB)
        pltpu.sync_copy(qv, out_hbm.at[pl.ds(ebase, EW)])

    return k(zi, ei)


def _tc_pack(z):
    def body(z_ref, o_ref):
        a = z_ref[:, :W].astype(jnp.bfloat16)
        b = z_ref[:, W:].astype(jnp.bfloat16)
        au = lax.bitcast_convert_type(a, jnp.uint16).astype(jnp.uint32)
        bu = lax.bitcast_convert_type(b, jnp.uint16).astype(jnp.uint32)
        o_ref[...] = lax.bitcast_convert_type(au | (bu << 16), jnp.int32)

    return pl.pallas_call(
        body,
        out_shape=jax.ShapeDtypeStruct((z.shape[0], W), jnp.int32),
    )(z)


def _tc_finalize(q):
    rows = E // 128

    def body(q_ref, o_ref):
        qv = q_ref[...]
        d = lax.rsqrt(qv)
        m = jnp.max(d)
        o_ref[...] = jnp.exp(d - m)

    out = pl.pallas_call(
        body,
        out_shape=jax.ShapeDtypeStruct((rows, 128), jnp.float32),
    )(q.reshape(rows, 128))
    return out.reshape(E)


def kernel(z, edge_index, p):
    ei = jnp.asarray(edge_index, jnp.int32)
    zi = _tc_pack(z)
    q = _sc_sqdist(zi, ei)
    return _tc_finalize(q)

# --- scband reference (transcript-rebuilt; emitter-appended) ---
"""Pipeline reference for scband-softmax-decoder-34866544509318 (READ-ONLY COPY).

The authoritative reference and input builder live on the scoring server;
editing this copy changes nothing except your own understanding.
"""

import jax, jax.numpy as jnp
import numpy as np


def setup_inputs(seed: int = 0) -> dict:
    key = jax.random.key(seed)
    k1, k2 = jax.random.split(key, 2)
    n_nodes = 10000
    n_edges = 160000
    d_feat = 256
    z = jax.random.normal(k1, (n_nodes, d_feat), dtype=jnp.float32)
    edge_index = jax.random.randint(k2, (2, n_edges), 0, n_nodes, dtype=jnp.int64)
    p = jnp.array(0.5, dtype=jnp.float32)
    return {"z": z, "edge_index": edge_index, "p": p}


def reference(z, edge_index, p):
    # torch F.pairwise_distance(x1, x2, p=2, eps=1e-6) = ||x1 - x2 + eps||_2
    src = jnp.take(z, edge_index[0], axis=0)
    dst = jnp.take(z, edge_index[1], axis=0)
    pdist = jnp.linalg.norm(src - dst + 1e-6, axis=-1)
    dist = 1.0 / pdist
    # F.softmax with implicit dim on a 1-D tensor -> softmax over the whole vector
    scores = jax.nn.sigmoid(p) * jax.nn.softmax(dist)
    # python max(scores) on a 1-D tensor -> max element
    probs = scores * 1.0 / jnp.max(scores)
    return probs

if __name__ == "__main__":
    import jax
    _d = setup_inputs()
    print(jax.jit(kernel)(*tuple(_d.values())))

</pallas_src>

<mosaic_0001>
#map = affine_map<(d0, d1) -> (0, 0)>
#map1 = affine_map<(d0, d1) -> (0)>
module attributes {stable_mosaic.version = 14 : i64} {
  func.func @k(%arg0: i32, %arg1: i32, %arg2: memref<10000x128xi32, #tpu.memory_space<hbm>>, %arg3: memref<2x160000xi32, #tpu.memory_space<hbm>>, %arg4: memref<160000xf32, #tpu.memory_space<hbm>>, %arg5: memref<5000xi32, #tpu.memory_space<vmem>>, %arg6: memref<5000xi32, #tpu.memory_space<vmem>>, %arg7: memref<128x128xi32, #tpu.memory_space<vmem>>, %arg8: memref<128x128xi32, #tpu.memory_space<vmem>>, %arg9: memref<128x128xi32, #tpu.memory_space<vmem>>, %arg10: memref<128x128xi32, #tpu.memory_space<vmem>>, %arg11: memref<5000xf32, #tpu.memory_space<vmem>>, %arg12: memref<!tpu.dma_semaphore, #tpu.memory_space<semaphore_mem>>, %arg13: memref<!tpu.dma_semaphore, #tpu.memory_space<semaphore_mem>>, %arg14: memref<!tpu.dma_semaphore, #tpu.memory_space<semaphore_mem>>, %arg15: memref<!tpu.dma_semaphore, #tpu.memory_space<semaphore_mem>>) attributes {dimension_semantics = [#tpu.dimension_semantics<core_parallel>, #tpu.dimension_semantics<subcore_parallel>], iteration_bounds = array<i64: 2, 16>, scalar_prefetch = 0 : i64, scratch_operands = 11 : i64, tpu.core_type = #tpu.core_type<sc_vector_subcore>, window_params = [{transform_indices = #map}, {transform_indices = #map}, {transform_indices = #map1}]} {
    %mul3A = arith.constant 2 : i32
    %mul3A_0 = arith.muli %arg1, %mul3A : i32
    %add3A = arith.addi %mul3A_0, %arg0 : i32
    %mul3A_1 = arith.constant 5000 : i32
    %mul3A_2 = arith.muli %add3A, %mul3A_1 : i32
    %run_scoped3A = arith.constant 0 : i32
    "tpu.region"() ({
      %run_scoped3A_70 = tpu.sem_alloc : memref<!tpu.dma_semaphore, #tpu.memory_space<semaphore_mem>>
      %dma_start3A_71 = tpu.memref_slice %arg3[%run_scoped3A, %mul3A_2] : memref<2x160000xi32, #tpu.memory_space<hbm>> -> memref<1x5000xi32, #tpu.memory_space<hbm>>
      %dma_start3A_72 = tpu.memref_squeeze %dma_start3A_71 : memref<1x5000xi32, #tpu.memory_space<hbm>> -> memref<5000xi32, #tpu.memory_space<hbm>>
      %dma_start3A_73 = tpu.memref_slice %arg3[%run_scoped3A, %mul3A_2] : memref<2x160000xi32, #tpu.memory_space<hbm>> -> memref<1x5000xi32, #tpu.memory_space<hbm>>
      %dma_start3A_74 = tpu.memref_squeeze %dma_start3A_73 : memref<1x5000xi32, #tpu.memory_space<hbm>> -> memref<5000xi32, #tpu.memory_space<hbm>>
      tpu.enqueue_dma source(%dma_start3A_74 : memref<5000xi32, #tpu.memory_space<hbm>>) target(%arg5 : memref<5000xi32, #tpu.memory_space<vmem>>) target_semaphore(%run_scoped3A_70 : memref<!tpu.dma_semaphore, #tpu.memory_space<semaphore_mem>>)
      %dma_wait3A_75 = tpu.memref_slice %arg3[%run_scoped3A, %mul3A_2] : memref<2x160000xi32, #tpu.memory_space<hbm>> -> memref<1x5000xi32, #tpu.memory_space<hbm>>
      %dma_wait3A_76 = tpu.memref_squeeze %dma_wait3A_75 : memref<1x5000xi32, #tpu.memory_space<hbm>> -> memref<5000xi32, #tpu.memory_space<hbm>>
      %dma_wait3A_77 = tpu.memref_slice %arg3[%run_scoped3A, %mul3A_2] : memref<2x160000xi32, #tpu.memory_space<hbm>> -> memref<1x5000xi32, #tpu.memory_space<hbm>>
      %dma_wait3A_78 = tpu.memref_squeeze %dma_wait3A_77 : memref<1x5000xi32, #tpu.memory_space<hbm>> -> memref<5000xi32, #tpu.memory_space<hbm>>
      tpu.wait_dma2 semaphore(%run_scoped3A_70 : memref<!tpu.dma_semaphore, #tpu.memory_space<semaphore_mem>>) src(%dma_wait3A_78 : memref<5000xi32, #tpu.memory_space<hbm>>) dst(%arg5 : memref<5000xi32, #tpu.memory_space<vmem>>)
      tpu.yield
    }) : () -> ()
    %run_scoped3A_3 = arith.constant 1 : i32
    "tpu.region"() ({
      %run_scoped3A_70 = tpu.sem_alloc : memref<!tpu.dma_semaphore, #tpu.memory_space<semaphore_mem>>
      %dma_start3A_71 = tpu.memref_slice %arg3[%run_scoped3A_3, %mul3A_2] : memref<2x160000xi32, #tpu.memory_space<hbm>> -> memref<1x5000xi32, #tpu.memory_space<hbm>>
      %dma_start3A_72 = tpu.memref_squeeze %dma_start3A_71 : memref<1x5000xi32, #tpu.memory_space<hbm>> -> memref<5000xi32, #tpu.memory_space<hbm>>
      %dma_start3A_73 = tpu.memref_slice %arg3[%run_scoped3A_3, %mul3A_2] : memref<2x160000xi32, #tpu.memory_space<hbm>> -> memref<1x5000xi32, #tpu.memory_space<hbm>>
      %dma_start3A_74 = tpu.memref_squeeze %dma_start3A_73 : memref<1x5000xi32, #tpu.memory_space<hbm>> -> memref<5000xi32, #tpu.memory_space<hbm>>
      tpu.enqueue_dma source(%dma_start3A_74 : memref<5000xi32, #tpu.memory_space<hbm>>) target(%arg6 : memref<5000xi32, #tpu.memory_space<vmem>>) target_semaphore(%run_scoped3A_70 : memref<!tpu.dma_semaphore, #tpu.memory_space<semaphore_mem>>)
      %dma_wait3A_75 = tpu.memref_slice %arg3[%run_scoped3A_3, %mul3A_2] : memref<2x160000xi32, #tpu.memory_space<hbm>> -> memref<1x5000xi32, #tpu.memory_space<hbm>>
      %dma_wait3A_76 = tpu.memref_squeeze %dma_wait3A_75 : memref<1x5000xi32, #tpu.memory_space<hbm>> -> memref<5000xi32, #tpu.memory_space<hbm>>
      %dma_wait3A_77 = tpu.memref_slice %arg3[%run_scoped3A_3, %mul3A_2] : memref<2x160000xi32, #tpu.memory_space<hbm>> -> memref<1x5000xi32, #tpu.memory_space<hbm>>
      %dma_wait3A_78 = tpu.memref_squeeze %dma_wait3A_77 : memref<1x5000xi32, #tpu.memory_space<hbm>> -> memref<5000xi32, #tpu.memory_space<hbm>>
      tpu.wait_dma2 semaphore(%run_scoped3A_70 : memref<!tpu.dma_semaphore, #tpu.memory_space<semaphore_mem>>) src(%dma_wait3A_78 : memref<5000xi32, #tpu.memory_space<hbm>>) dst(%arg6 : memref<5000xi32, #tpu.memory_space<vmem>>)
      tpu.yield
    }) : () -> ()
    %broadcast_in_dim3A = arith.constant 0 : i32
    %broadcast_in_dim3A_4 = vector.broadcast %broadcast_in_dim3A : i32 to vector<16xi32>
    %iota3A = tpu.iota {dimensions = array<i32: 0>} : vector<16xi32>
    %min3A = arith.constant 0 : i32
    %min3A_5 = arith.constant 4872 : i32
    %min3A_6 = arith.minsi %min3A, %min3A_5 : i32
    %dma_start3A = tpu.memref_slice %arg5[%min3A_6] : memref<5000xi32, #tpu.memory_space<vmem>> -> memref<128xi32, #tpu.memory_space<vmem>>
    %dma_start3A_7 = arith.constant 0 : i32
    %dma_start3A_8 = arith.constant 0 : i32
    %dma_start3A_9 = tpu.memref_slice %arg2[%dma_start3A_7, %dma_start3A_8] : memref<10000x128xi32, #tpu.memory_space<hbm>> -> memref<10000x128xi32, #tpu.memory_space<hbm>>
    tpu.enqueue_indirect_dma source(%dma_start3A_9 : memref<10000x128xi32, #tpu.memory_space<hbm>>) target(%arg7 : memref<128x128xi32, #tpu.memory_space<vmem>>) offsets(%dma_start3A : memref<128xi32, #tpu.memory_space<vmem>>) semaphore(%arg12 : memref<!tpu.dma_semaphore, #tpu.memory_space<semaphore_mem>>)
    %dma_start3A_10 = tpu.memref_slice %arg6[%min3A_6] : memref<5000xi32, #tpu.memory_space<vmem>> -> memref<128xi32, #tpu.memory_space<vmem>>
    %dma_start3A_11 = arith.constant 0 : i32
    %dma_start3A_12 = arith.constant 0 : i32
    %dma_start3A_13 = tpu.memref_slice %arg2[%dma_start3A_11, %dma_start3A_12] : memref<10000x128xi32, #tpu.memory_space<hbm>> -> memref<10000x128xi32, #tpu.memory_space<hbm>>
    tpu.enqueue_indirect_dma source(%dma_start3A_13 : memref<10000x128xi32, #tpu.memory_space<hbm>>) target(%arg8 : memref<128x128xi32, #tpu.memory_space<vmem>>) offsets(%dma_start3A_10 : memref<128xi32, #tpu.memory_space<vmem>>) semaphore(%arg13 : memref<!tpu.dma_semaphore, #tpu.memory_space<semaphore_mem>>)
    %min3A_14 = arith.constant 128 : i32
    %min3A_15 = arith.constant 4872 : i32
    %min3A_16 = arith.minsi %min3A_14, %min3A_15 : i32
    %dma_start3A_17 = tpu.memref_slice %arg5[%min3A_16] : memref<5000xi32, #tpu.memory_space<vmem>> -> memref<128xi32, #tpu.memory_space<vmem>>
    %dma_start3A_18 = arith.constant 0 : i32
    %dma_start3A_19 = arith.constant 0 : i32
    %dma_start3A_20 = tpu.memref_slice %arg2[%dma_start3A_18, %dma_start3A_19] : memref<10000x128xi32, #tpu.memory_space<hbm>> -> memref<10000x128xi32, #tpu.memory_space<hbm>>
    tpu.enqueue_indirect_dma source(%dma_start3A_20 : memref<10000x128xi32, #tpu.memory_space<hbm>>) target(%arg9 : memref<128x128xi32, #tpu.memory_space<vmem>>) offsets(%dma_start3A_17 : memref<128xi32, #tpu.memory_space<vmem>>) semaphore(%arg14 : memref<!tpu.dma_semaphore, #tpu.memory_space<semaphore_mem>>)
    %dma_start3A_21 = tpu.memref_slice %arg6[%min3A_16] : memref<5000xi32, #tpu.memory_space<vmem>> -> memref<128xi32, #tpu.memory_space<vmem>>
    %dma_start3A_22 = arith.constant 0 : i32
    %dma_start3A_23 = arith.constant 0 : i32
    %dma_start3A_24 = tpu.memref_slice %arg2[%dma_start3A_22, %dma_start3A_23] : memref<10000x128xi32, #tpu.memory_space<hbm>> -> memref<10000x128xi32, #tpu.memory_space<hbm>>
    tpu.enqueue_indirect_dma source(%dma_start3A_24 : memref<10000x128xi32, #tpu.memory_space<hbm>>) target(%arg10 : memref<128x128xi32, #tpu.memory_space<vmem>>) offsets(%dma_start3A_21 : memref<128xi32, #tpu.memory_space<vmem>>) semaphore(%arg15 : memref<!tpu.dma_semaphore, #tpu.memory_space<semaphore_mem>>)
    %scan3A = arith.constant 0 : i32
    %scan3A_25 = arith.constant 9.983770e-07 : bf16
    %scan3A_26 = arith.constant 0 : i32
    %scan3A_27 = arith.constant 19 : i32
    %scan3A_28 = arith.addi %scan3A_26, %scan3A_27 : i32
    %scan3A_29 = arith.constant 1 : i32
    scf.for %scan3A_70 = %scan3A_26 to %scan3A_28 step %scan3A_29  : i32 {
      %mul3A_71 = arith.constant 2 : i32
      %mul3A_72 = arith.muli %scan3A_70, %mul3A_71 : i32
      %add3A_73 = arith.constant 1 : i32
      %add3A_74 = arith.addi %mul3A_72, %add3A_73 : i32
      %dma_wait3A_75 = arith.constant 0 : i32
      %dma_wait3A_76 = tpu.memref_slice %arg5[%dma_wait3A_75] : memref<5000xi32, #tpu.memory_space<vmem>> -> memref<128xi32, #tpu.memory_space<vmem>>
      %dma_wait3A_77 = arith.constant 0 : i32
      %dma_wait3A_78 = arith.constant 0 : i32
      %dma_wait3A_79 = tpu.memref_slice %arg2[%dma_wait3A_77, %dma_wait3A_78] : memref<10000x128xi32, #tpu.memory_space<hbm>> -> memref<10000x128xi32, #tpu.memory_space<hbm>>
      tpu.wait_indirect_dma semaphore(%arg12 : memref<!tpu.dma_semaphore, #tpu.memory_space<semaphore_mem>>) src(%dma_wait3A_79 : memref<10000x128xi32, #tpu.memory_space<hbm>>) dst(%arg7 : memref<128x128xi32, #tpu.memory_space<vmem>>)
      %dma_wait3A_80 = arith.constant 0 : i32
      %dma_wait3A_81 = tpu.memref_slice %arg6[%dma_wait3A_80] : memref<5000xi32, #tpu.memory_space<vmem>> -> memref<128xi32, #tpu.memory_space<vmem>>
      %dma_wait3A_82 = arith.constant 0 : i32
      %dma_wait3A_83 = arith.constant 0 : i32
      %dma_wait3A_84 = tpu.memref_slice %arg2[%dma_wait3A_82, %dma_wait3A_83] : memref<10000x128xi32, #tpu.memory_space<hbm>> -> memref<10000x128xi32, #tpu.memory_space<hbm>>
      tpu.wait_indirect_dma semaphore(%arg13 : memref<!tpu.dma_semaphore, #tpu.memory_space<semaphore_mem>>) src(%dma_wait3A_84 : memref<10000x128xi32, #tpu.memory_space<hbm>>) dst(%arg8 : memref<128x128xi32, #tpu.memory_space<vmem>>)
      %mul3A_85 = arith.constant 128 : i32
      %mul3A_86 = arith.muli %mul3A_72, %mul3A_85 : i32
      %min3A_87 = arith.constant 4872 : i32
      %min3A_88 = arith.minsi %mul3A_86, %min3A_87 : i32
      %scan3A_89 = arith.constant 0 : i32
      %scan3A_90 = arith.constant 0 : i32
      %scan3A_91 = arith.constant 8 : i32
      %scan3A_92 = arith.addi %scan3A_90, %scan3A_91 : i32
      %scan3A_93 = arith.constant 1 : i32
      scf.for %scan3A_143 = %scan3A_90 to %scan3A_92 step %scan3A_93  : i32 {
        %mul3A_144 = arith.constant 16 : i32
        %mul3A_145 = arith.muli %scan3A_143, %mul3A_144 : i32
        %add3A_146 = vector.broadcast %mul3A_145 : i32 to vector<16xi32>
        %add3A_147 = arith.addi %iota3A, %add3A_146 : vector<16xi32>
        %mul3A_148 = arith.constant 128 : i32
        %mul3A_149 = vector.broadcast %mul3A_148 : i32 to vector<16xi32>
        %mul3A_150 = arith.muli %add3A_147, %mul3A_149 : vector<16xi32>
        %broadcast_in_dim3A_151 = arith.constant 0.000000e+00 : bf16
        %broadcast_in_dim3A_152 = vector.broadcast %broadcast_in_dim3A_151 : bf16 to vector<32xbf16>
        %scan3A_153 = arith.constant 0 : i32
        %scan3A_154 = arith.constant 8 : i32
        %scan3A_155 = arith.addi %scan3A_153, %scan3A_154 : i32
        %scan3A_156 = arith.constant 1 : i32
        %scan3A_157:2 = scf.for %scan3A_165 = %scan3A_153 to %scan3A_155 step %scan3A_156 iter_args(%scan3A_166 = %broadcast_in_dim3A_152, %scan3A_167 = %mul3A_150) -> (vector<32xbf16>, vector<16xi32>)  : i32 {
          %add3A_168 = arith.constant 0 : i32
          %add3A_169 = vector.broadcast %add3A_168 : i32 to vector<16xi32>
          %add3A_170 = arith.addi %iota3A, %add3A_169 : vector<16xi32>
          %and3A = arith.constant 15 : i32
          %and3A_171 = vector.broadcast %and3A : i32 to vector<16xi32>
          %and3A_172 = arith.andi %add3A_170, %and3A_171 : vector<16xi32>
          %add3A_173 = arith.addi %scan3A_167, %and3A_172 : vector<16xi32>
          %gather3A = tpu.vector_load_idx %arg7[%broadcast_in_dim3A_4, %add3A_173] : memref<128x128xi32, #tpu.memory_space<vmem>>[vector<16xi32>, vector<16xi32>], vector<16xi32>,
          %bitcast3A = vector.bitcast %gather3A : vector<16xi32> to vector<32xbf16>
          %gather3A_174 = tpu.vector_load_idx %arg8[%broadcast_in_dim3A_4, %add3A_173] : memref<128x128xi32, #tpu.memory_space<vmem>>[vector<16xi32>, vector<16xi32>], vector<16xi32>,
          %bitcast3A_175 = vector.bitcast %gather3A_174 : vector<16xi32> to vector<32xbf16>
          %sub3A = arith.subf %bitcast3A, %bitcast3A_175 : vector<32xbf16>
          %add3A_176 = vector.broadcast %scan3A_25 : bf16 to vector<32xbf16>
          %add3A_177 = arith.addf %sub3A, %add3A_176 : vector<32xbf16>
          %mul3A_178 = arith.mulf %add3A_177, %add3A_177 : vector<32xbf16>
          %add3A_179 = arith.addf %scan3A_166, %mul3A_178 : vector<32xbf16>
          %add3A_180 = arith.constant 1 : i32
          %add3A_181 = vector.broadcast %add3A_180 : i32 to vector<16xi32>
          %add3A_182 = arith.addi %iota3A, %add3A_181 : vector<16xi32>
          %and3A_183 = arith.constant 15 : i32
          %and3A_184 = vector.broadcast %and3A_183 : i32 to vector<16xi32>
          %and3A_185 = arith.andi %add3A_182, %and3A_184 : vector<16xi32>
          %add3A_186 = arith.addi %scan3A_167, %and3A_185 : vector<16xi32>
          %gather3A_187 = tpu.vector_load_idx %arg7[%broadcast_in_dim3A_4, %add3A_186] : memref<128x128xi32, #tpu.memory_space<vmem>>[vector<16xi32>, vector<16xi32>], vector<16xi32>,
          %bitcast3A_188 = vector.bitcast %gather3A_187 : vector<16xi32> to vector<32xbf16>
          %gather3A_189 = tpu.vector_load_idx %arg8[%broadcast_in_dim3A_4, %add3A_186] : memref<128x128xi32, #tpu.memory_space<vmem>>[vector<16xi32>, vector<16xi32>], vector<16xi32>,
          %bitcast3A_190 = vector.bitcast %gather3A_189 : vector<16xi32> to vector<32xbf16>
          %sub3A_191 = arith.subf %bitcast3A_188, %bitcast3A_190 : vector<32xbf16>
          %add3A_192 = vector.broadcast %scan3A_25 : bf16 to vector<32xbf16>
          %add3A_193 = arith.addf %sub3A_191, %add3A_192 : vector<32xbf16>
          %mul3A_194 = arith.mulf %add3A_193, %add3A_193 : vector<32xbf16>
          %add3A_195 = arith.addf %add3A_179, %mul3A_194 : vector<32xbf16>
          %add3A_196 = arith.constant 2 : i32
          %add3A_197 = vector.broadcast %add3A_196 : i32 to vector<16xi32>
          %add3A_198 = arith.addi %iota3A, %add3A_197 : vector<16xi32>
          %and3A_199 = arith.constant 15 : i32
          %and3A_200 = vector.broadcast %and3A_199 : i32 to vector<16xi32>
          %and3A_201 = arith.andi %add3A_198, %and3A_200 : vector<16xi32>
          %add3A_202 = arith.addi %scan3A_167, %and3A_201 : vector<16xi32>
          %gather3A_203 = tpu.vector_load_idx %arg7[%broadcast_in_dim3A_4, %add3A_202] : memref<128x128xi32, #tpu.memory_space<vmem>>[vector<16xi32>, vector<16xi32>], vector<16xi32>,
          %bitcast3A_204 = vector.bitcast %gather3A_203 : vector<16xi32> to vector<32xbf16>
          %gather3A_205 = tpu.vector_load_idx %arg8[%broadcast_in_dim3A_4, %add3A_202] : memref<128x128xi32, #tpu.memory_space<vmem>>[vector<16xi32>, vector<16xi32>], vector<16xi32>,
          %bitcast3A_206 = vector.bitcast %gather3A_205 : vector<16xi32> to vector<32xbf16>
          %sub3A_207 = arith.subf %bitcast3A_204, %bitcast3A_206 : vector<32xbf16>
          %add3A_208 = vector.broadcast %scan3A_25 : bf16 to vector<32xbf16>
          %add3A_209 = arith.addf %sub3A_207, %add3A_208 : vector<32xbf16>
          %mul3A_210 = arith.mulf %add3A_209, %add3A_209 : vector<32xbf16>
          %add3A_211 = arith.addf %add3A_195, %mul3A_210 : vector<32xbf16>
          %add3A_212 = arith.constant 3 : i32
          %add3A_213 = vector.broadcast %add3A_212 : i32 to vector<16xi32>
          %add3A_214 = arith.addi %iota3A, %add3A_213 : vector<16xi32>
          %and3A_215 = arith.constant 15 : i32
          %and3A_216 = vector.broadcast %and3A_215 : i32 to vector<16xi32>
          %and3A_217 = arith.andi %add3A_214, %and3A_216 : vector<16xi32>
          %add3A_218 = arith.addi %scan3A_167, %and3A_217 : vector<16xi32>
          %gather3A_219 = tpu.vector_load_idx %arg7[%broadcast_in_dim3A_4, %add3A_218] : memref<128x128xi32, #tpu.memory_space<vmem>>[vector<16xi32>, vector<16xi32>], vector<16xi32>,
          %bitcast3A_220 = vector.bitcast %gather3A_219 : vector<16xi32> to vector<32xbf16>
          %gather3A_221 = tpu.vector_load_idx %arg8[%broadcast_in_dim3A_4, %add3A_218] : memref<128x128xi32, #tpu.memory_space<vmem>>[vector<16xi32>, vector<16xi32>], vector<16xi32>,
          %bitcast3A_222 = vector.bitcast %gather3A_221 : vector<16xi32> to vector<32xbf16>
          %sub3A_223 = arith.subf %bitcast3A_220, %bitcast3A_222 : vector<32xbf16>
          %add3A_224 = vector.broadcast %scan3A_25 : bf16 to vector<32xbf16>
          %add3A_225 = arith.addf %sub3A_223, %add3A_224 : vector<32xbf16>
          %mul3A_226 = arith.mulf %add3A_225, %add3A_225 : vector<32xbf16>
          %add3A_227 = arith.addf %add3A_211, %mul3A_226 : vector<32xbf16>
          %add3A_228 = arith.constant 4 : i32
          %add3A_229 = vector.broadcast %add3A_228 : i32 to vector<16xi32>
          %add3A_230 = arith.addi %iota3A, %add3A_229 : vector<16xi32>
          %and3A_231 = arith.constant 15 : i32
          %and3A_232 = vector.broadcast %and3A_231 : i32 to vector<16xi32>
          %and3A_233 = arith.andi %add3A_230, %and3A_232 : vector<16xi32>
          %add3A_234 = arith.addi %scan3A_167, %and3A_233 : vector<16xi32>
          %gather3A_235 = tpu.vector_load_idx %arg7[%broadcast_in_dim3A_4, %add3A_234] : memref<128x128xi32, #tpu.memory_space<vmem>>[vector<16xi32>, vector<16xi32>], vector<16xi32>,
          %bitcast3A_236 = vector.bitcast %gather3A_235 : vector<16xi32> to vector<32xbf16>
          %gather3A_237 = tpu.vector_load_idx %arg8[%broadcast_in_dim3A_4, %add3A_234] : memref<128x128xi32, #tpu.memory_space<vmem>>[vector<16xi32>, vector<16xi32>], vector<16xi32>,
          %bitcast3A_238 = vector.bitcast %gather3A_237 : vector<16xi32> to vector<32xbf16>
          %sub3A_239 = arith.subf %bitcast3A_236, %bitcast3A_238 : vector<32xbf16>
          %add3A_240 = vector.broadcast %scan3A_25 : bf16 to vector<32xbf16>
          %add3A_241 = arith.addf %sub3A_239, %add3A_240 : vector<32xbf16>
          %mul3A_242 = arith.mulf %add3A_241, %add3A_241 : vector<32xbf16>
          %add3A_243 = arith.addf %add3A_227, %mul3A_242 : vector<32xbf16>
          %add3A_244 = arith.constant 5 : i32
          %add3A_245 = vector.broadcast %add3A_244 : i32 to vector<16xi32>
          %add3A_246 = arith.addi %iota3A, %add3A_245 : vector<16xi32>
          %and3A_247 = arith.constant 15 : i32
          %and3A_248 = vector.broadcast %and3A_247 : i32 to vector<16xi32>
          %and3A_249 = arith.andi %add3A_246, %and3A_248 : vector<16xi32>
          %add3A_250 = arith.addi %scan3A_167, %and3A_249 : vector<16xi32>
          %gather3A_251 = tpu.vector_load_idx %arg7[%broadcast_in_dim3A_4, %add3A_250] : memref<128x128xi32, #tpu.memory_space<vmem>>[vector<16xi32>, vector<16xi32>], vector<16xi32>,
          %bitcast3A_252 = vector.bitcast %gather3A_251 : vector<16xi32> to vector<32xbf16>
          %gather3A_253 = tpu.vector_load_idx %arg8[%broadcast_in_dim3A_4, %add3A_250] : memref<128x128xi32, #tpu.memory_space<vmem>>[vector<16xi32>, vector<16xi32>], vector<16xi32>,
          %bitcast3A_254 = vector.bitcast %gather3A_253 : vector<16xi32> to vector<32xbf16>
          %sub3A_255 = arith.subf %bitcast3A_252, %bitcast3A_254 : vector<32xbf16>
          %add3A_256 = vector.broadcast %scan3A_25 : bf16 to vector<32xbf16>
          %add3A_257 = arith.addf %sub3A_255, %add3A_256 : vector<32xbf16>
          %mul3A_258 = arith.mulf %add3A_257, %add3A_257 : vector<32xbf16>
          %add3A_259 = arith.addf %add3A_243, %mul3A_258 : vector<32xbf16>
          %add3A_260 = arith.constant 6 : i32
          %add3A_261 = vector.broadcast %add3A_260 : i32 to vector<16xi32>
          %add3A_262 = arith.addi %iota3A, %add3A_261 : vector<16xi32>
          %and3A_263 = arith.constant 15 : i32
          %and3A_264 = vector.broadcast %and3A_263 : i32 to vector<16xi32>
          %and3A_265 = arith.andi %add3A_262, %and3A_264 : vector<16xi32>
          %add3A_266 = arith.addi %scan3A_167, %and3A_265 : vector<16xi32>
          %gather3A_267 = tpu.vector_load_idx %arg7[%broadcast_in_dim3A_4, %add3A_266] : memref<128x128xi32, #tpu.memory_space<vmem>>[vector<16xi32>, vector<16xi32>], vector<16xi32>,
          %bitcast3A_268 = vector.bitcast %gather3A_267 : vector<16xi32> to vector<32xbf16>
          %gather3A_269 = tpu.vector_load_idx %arg8[%broadcast_in_dim3A_4, %add3A_266] : memref<128x128xi32, #tpu.memory_space<vmem>>[vector<16xi32>, vector<16xi32>], vector<16xi32>,
          %bitcast3A_270 = vector.bitcast %gather3A_269 : vector<16xi32> to vector<32xbf16>
          %sub3A_271 = arith.subf %bitcast3A_268, %bitcast3A_270 : vector<32xbf16>
          %add3A_272 = vector.broadcast %scan3A_25 : bf16 to vector<32xbf16>
          %add3A_273 = arith.addf %sub3A_271, %add3A_272 : vector<32xbf16>
          %mul3A_274 = arith.mulf %add3A_273, %add3A_273 : vector<32xbf16>
          %add3A_275 = arith.addf %add3A_259, %mul3A_274 : vector<32xbf16>
          %add3A_276 = arith.constant 7 : i32
          %add3A_277 = vector.broadcast %add3A_276 : i32 to vector<16xi32>
          %add3A_278 = arith.addi %iota3A, %add3A_277 : vector<16xi32>
          %and3A_279 = arith.constant 15 : i32
          %and3A_280 = vector.broadcast %and3A_279 : i32 to vector<16xi32>
          %and3A_281 = arith.andi %add3A_278, %and3A_280 : vector<16xi32>
          %add3A_282 = arith.addi %scan3A_167, %and3A_281 : vector<16xi32>
          %gather3A_283 = tpu.vector_load_idx %arg7[%broadcast_in_dim3A_4, %add3A_282] : memref<128x128xi32, #tpu.memory_space<vmem>>[vector<16xi32>, vector<16xi32>], vector<16xi32>,
          %bitcast3A_284 = vector.bitcast %gather3A_283 : vector<16xi32> to vector<32xbf16>
          %gather3A_285 = tpu.vector_load_idx %arg8[%broadcast_in_dim3A_4, %add3A_282] : memref<128x128xi32, #tpu.memory_space<vmem>>[vector<16xi32>, vector<16xi32>], vector<16xi32>,
          %bitcast3A_286 = vector.bitcast %gather3A_285 : vector<16xi32> to vector<32xbf16>
          %sub3A_287 = arith.subf %bitcast3A_284, %bitcast3A_286 : vector<32xbf16>
          %add3A_288 = vector.broadcast %scan3A_25 : bf16 to vector<32xbf16>
          %add3A_289 = arith.addf %sub3A_287, %add3A_288 : vector<32xbf16>
          %mul3A_290 = arith.mulf %add3A_289, %add3A_289 : vector<32xbf16>
          %add3A_291 = arith.addf %add3A_275, %mul3A_290 : vector<32xbf16>
          %add3A_292 = arith.constant 8 : i32
          %add3A_293 = vector.broadcast %add3A_292 : i32 to vector<16xi32>
          %add3A_294 = arith.addi %iota3A, %add3A_293 : vector<16xi32>
          %and3A_295 = arith.constant 15 : i32
          %and3A_296 = vector.broadcast %and3A_295 : i32 to vector<16xi32>
          %and3A_297 = arith.andi %add3A_294, %and3A_296 : vector<16xi32>
          %add3A_298 = arith.addi %scan3A_167, %and3A_297 : vector<16xi32>
          %gather3A_299 = tpu.vector_load_idx %arg7[%broadcast_in_dim3A_4, %add3A_298] : memref<128x128xi32, #tpu.memory_space<vmem>>[vector<16xi32>, vector<16xi32>], vector<16xi32>,
          %bitcast3A_300 = vector.bitcast %gather3A_299 : vector<16xi32> to vector<32xbf16>
          %gather3A_301 = tpu.vector_load_idx %arg8[%broadcast_in_dim3A_4, %add3A_298] : memref<128x128xi32, #tpu.memory_space<vmem>>[vector<16xi32>, vector<16xi32>], vector<16xi32>,
          %bitcast3A_302 = vector.bitcast %gather3A_301 : vector<16xi32> to vector<32xbf16>
          %sub3A_303 = arith.subf %bitcast3A_300, %bitcast3A_302 : vector<32xbf16>
          %add3A_304 = vector.broadcast %scan3A_25 : bf16 to vector<32xbf16>
          %add3A_305 = arith.addf %sub3A_303, %add3A_304 : vector<32xbf16>
          %mul3A_306 = arith.mulf %add3A_305, %add3A_305 : vector<32xbf16>
          %add3A_307 = arith.addf %add3A_291, %mul3A_306 : vector<32xbf16>
          %add3A_308 = arith.constant 9 : i32
          %add3A_309 = vector.broadcast %add3A_308 : i32 to vector<16xi32>
          %add3A_310 = arith.addi %iota3A, %add3A_309 : vector<16xi32>
          %and3A_311 = arith.constant 15 : i32
          %and3A_312 = vector.broadcast %and3A_311 : i32 to vector<16xi32>
          %and3A_313 = arith.andi %add3A_310, %and3A_312 : vector<16xi32>
          %add3A_314 = arith.addi %scan3A_167, %and3A_313 : vector<16xi32>
          %gather3A_315 = tpu.vector_load_idx %arg7[%broadcast_in_dim3A_4, %add3A_314] : memref<128x128xi32, #tpu.memory_space<vmem>>[vector<16xi32>, vector<16xi32>], vector<16xi32>,
          %bitcast3A_316 = vector.bitcast %gather3A_315 : vector<16xi32> to vector<32xbf16>
          %gather3A_317 = tpu.vector_load_idx %arg8[%broadcast_in_dim3A_4, %add3A_314] : memref<128x128xi32, #tpu.memory_space<vmem>>[vector<16xi32>, vector<16xi32>], vector<16xi32>,
          %bitcast3A_318 = vector.bitcast %gather3A_317 : vector<16xi32> to vector<32xbf16>
          %sub3A_319 = arith.subf %bitcast3A_316, %bitcast3A_318 : vector<32xbf16>
          %add3A_320 = vector.broadcast %scan3A_25 : bf16 to vector<32xbf16>
          %add3A_321 = arith.addf %sub3A_319, %add3A_320 : vector<32xbf16>
          %mul3A_322 = arith.mulf %add3A_321, %add3A_321 : vector<32xbf16>
          %add3A_323 = arith.addf %add3A_307, %mul3A_322 : vector<32xbf16>
          %add3A_324 = arith.constant 10 : i32
          %add3A_325 = vector.broadcast %add3A_324 : i32 to vector<16xi32>
          %add3A_326 = arith.addi %iota3A, %add3A_325 : vector<16xi32>
          %and3A_327 = arith.constant 15 : i32
          %and3A_328 = vector.broadcast %and3A_327 : i32 to vector<16xi32>
          %and3A_329 = arith.andi %add3A_326, %and3A_328 : vector<16xi32>
          %add3A_330 = arith.addi %scan3A_167, %and3A_329 : vector<16xi32>
          %gather3A_331 = tpu.vector_load_idx %arg7[%broadcast_in_dim3A_4, %add3A_330] : memref<128x128xi32, #tpu.memory_space<vmem>>[vector<16xi32>, vector<16xi32>], vector<16xi32>,
          %bitcast3A_332 = vector.bitcast %gather3A_331 : vector<16xi32> to vector<32xbf16>
          %gather3A_333 = tpu.vector_load_idx %arg8[%broadcast_in_dim3A_4, %add3A_330] : memref<128x128xi32, #tpu.memory_space<vmem>>[vector<16xi32>, vector<16xi32>], vector<16xi32>,
          %bitcast3A_334 = vector.bitcast %gather3A_333 : vector<16xi32> to vector<32xbf16>
          %sub3A_335 = arith.subf %bitcast3A_332, %bitcast3A_334 : vector<32xbf16>
          %add3A_336 = vector.broadcast %scan3A_25 : bf16 to vector<32xbf16>
          %add3A_337 = arith.addf %sub3A_335, %add3A_336 : vector<32xbf16>
          %mul3A_338 = arith.mulf %add3A_337, %add3A_337 : vector<32xbf16>
          %add3A_339 = arith.addf %add3A_323, %mul3A_338 : vector<32xbf16>
          %add3A_340 = arith.constant 11 : i32
          %add3A_341 = vector.broadcast %add3A_340 : i32 to vector<16xi32>
          %add3A_342 = arith.addi %iota3A, %add3A_341 : vector<16xi32>
          %and3A_343 = arith.constant 15 : i32
          %and3A_344 = vector.broadcast %and3A_343 : i32 to vector<16xi32>
          %and3A_345 = arith.andi %add3A_342, %and3A_344 : vector<16xi32>
          %add3A_346 = arith.addi %scan3A_167, %and3A_345 : vector<16xi32>
          %gather3A_347 = tpu.vector_load_idx %arg7[%broadcast_in_dim3A_4, %add3A_346] : memref<128x128xi32, #tpu.memory_space<vmem>>[vector<16xi32>, vector<16xi32>], vector<16xi32>,
          %bitcast3A_348 = vector.bitcast %gather3A_347 : vector<16xi32> to vector<32xbf16>
          %gather3A_349 = tpu.vector_load_idx %arg8[%broadcast_in_dim3A_4, %add3A_346] : memref<128x128xi32, #tpu.memory_space<vmem>>[vector<16xi32>, vector<16xi32>], vector<16xi32>,
          %bitcast3A_350 = vector.bitcast %gather3A_349 : vector<16xi32> to vector<32xbf16>
          %sub3A_351 = arith.subf %bitcast3A_348, %bitcast3A_350 : vector<32xbf16>
          %add3A_352 = vector.broadcast %scan3A_25 : bf16 to vector<32xbf16>
          %add3A_353 = arith.addf %sub3A_351, %add3A_352 : vector<32xbf16>
          %mul3A_354 = arith.mulf %add3A_353, %add3A_353 : vector<32xbf16>
          %add3A_355 = arith.addf %add3A_339, %mul3A_354 : vector<32xbf16>
          %add3A_356 = arith.constant 12 : i32
          %add3A_357 = vector.broadcast %add3A_356 : i32 to vector<16xi32>
          %add3A_358 = arith.addi %iota3A, %add3A_357 : vector<16xi32>
          %and3A_359 = arith.constant 15 : i32
          %and3A_360 = vector.broadcast %and3A_359 : i32 to vector<16xi32>
          %and3A_361 = arith.andi %add3A_358, %and3A_360 : vector<16xi32>
          %add3A_362 = arith.addi %scan3A_167, %and3A_361 : vector<16xi32>
          %gather3A_363 = tpu.vector_load_idx %arg7[%broadcast_in_dim3A_4, %add3A_362] : memref<128x128xi32, #tpu.memory_space<vmem>>[vector<16xi32>, vector<16xi32>], vector<16xi32>,
          %bitcast3A_364 = vector.bitcast %gather3A_363 : vector<16xi32> to vector<32xbf16>
          %gather3A_365 = tpu.vector_load_idx %arg8[%broadcast_in_dim3A_4, %add3A_362] : memref<128x128xi32, #tpu.memory_space<vmem>>[vector<16xi32>, vector<16xi32>], vector<16xi32>,
          %bitcast3A_366 = vector.bitcast %gather3A_365 : vector<16xi32> to vector<32xbf16>
          %sub3A_367 = arith.subf %bitcast3A_364, %bitcast3A_366 : vector<32xbf16>
          %add3A_368 = vector.broadcast %scan3A_25 : bf16 to vector<32xbf16>
          %add3A_369 = arith.addf %sub3A_367, %add3A_368 : vector<32xbf16>
          %mul3A_370 = arith.mulf %add3A_369, %add3A_369 : vector<32xbf16>
          %add3A_371 = arith.addf %add3A_355, %mul3A_370 : vector<32xbf16>
          %add3A_372 = arith.constant 13 : i32
          %add3A_373 = vector.broadcast %add3A_372 : i32 to vector<16xi32>
          %add3A_374 = arith.addi %iota3A, %add3A_373 : vector<16xi32>
          %and3A_375 = arith.constant 15 : i32
          %and3A_376 = vector.broadcast %and3A_375 : i32 to vector<16xi32>
          %and3A_377 = arith.andi %add3A_374, %and3A_376 : vector<16xi32>
          %add3A_378 = arith.addi %scan3A_167, %and3A_377 : vector<16xi32>
          %gather3A_379 = tpu.vector_load_idx %arg7[%broadcast_in_dim3A_4, %add3A_378] : memref<128x128xi32, #tpu.memory_space<vmem>>[vector<16xi32>, vector<16xi32>], vector<16xi32>,
          %bitcast3A_380 = vector.bitcast %gather3A_379 : vector<16xi32> to vector<32xbf16>
          %gather3A_381 = tpu.vector_load_idx %arg8[%broadcast_in_dim3A_4, %add3A_378] : memref<128x128xi32, #tpu.memory_space<vmem>>[vector<16xi32>, vector<16xi32>], vector<16xi32>,
          %bitcast3A_382 = vector.bitcast %gather3A_381 : vector<16xi32> to vector<32xbf16>
          %sub3A_383 = arith.subf %bitcast3A_380, %bitcast3A_382 : vector<32xbf16>
          %add3A_384 = vector.broadcast %scan3A_25 : bf16 to vector<32xbf16>
          %add3A_385 = arith.addf %sub3A_383, %add3A_384 : vector<32xbf16>
          %mul3A_386 = arith.mulf %add3A_385, %add3A_385 : vector<32xbf16>
          %add3A_387 = arith.addf %add3A_371, %mul3A_386 : vector<32xbf16>
          %add3A_388 = arith.constant 14 : i32
          %add3A_389 = vector.broadcast %add3A_388 : i32 to vector<16xi32>
          %add3A_390 = arith.addi %iota3A, %add3A_389 : vector<16xi32>
          %and3A_391 = arith.constant 15 : i32
          %and3A_392 = vector.broadcast %and3A_391 : i32 to vector<16xi32>
          %and3A_393 = arith.andi %add3A_390, %and3A_392 : vector<16xi32>
          %add3A_394 = arith.addi %scan3A_167, %and3A_393 : vector<16xi32>
          %gather3A_395 = tpu.vector_load_idx %arg7[%broadcast_in_dim3A_4, %add3A_394] : memref<128x128xi32, #tpu.memory_space<vmem>>[vector<16xi32>, vector<16xi32>], vector<16xi32>,
          %bitcast3A_396 = vector.bitcast %gather3A_395 : vector<16xi32> to vector<32xbf16>
          %gather3A_397 = tpu.vector_load_idx %arg8[%broadcast_in_dim3A_4, %add3A_394] : memref<128x128xi32, #tpu.memory_space<vmem>>[vector<16xi32>, vector<16xi32>], vector<16xi32>,
          %bitcast3A_398 = vector.bitcast %gather3A_397 : vector<16xi32> to vector<32xbf16>
          %sub3A_399 = arith.subf %bitcast3A_396, %bitcast3A_398 : vector<32xbf16>
          %add3A_400 = vector.broadcast %scan3A_25 : bf16 to vector<32xbf16>
          %add3A_401 = arith.addf %sub3A_399, %add3A_400 : vector<32xbf16>
          %mul3A_402 = arith.mulf %add3A_401, %add3A_401 : vector<32xbf16>
          %add3A_403 = arith.addf %add3A_387, %mul3A_402 : vector<32xbf16>
          %add3A_404 = arith.constant 15 : i32
          %add3A_405 = vector.broadcast %add3A_404 : i32 to vector<16xi32>
          %add3A_406 = arith.addi %iota3A, %add3A_405 : vector<16xi32>
          %and3A_407 = arith.constant 15 : i32
          %and3A_408 = vector.broadcast %and3A_407 : i32 to vector<16xi32>
          %and3A_409 = arith.andi %add3A_406, %and3A_408 : vector<16xi32>
          %add3A_410 = arith.addi %scan3A_167, %and3A_409 : vector<16xi32>
          %gather3A_411 = tpu.vector_load_idx %arg7[%broadcast_in_dim3A_4, %add3A_410] : memref<128x128xi32, #tpu.memory_space<vmem>>[vector<16xi32>, vector<16xi32>], vector<16xi32>,
          %bitcast3A_412 = vector.bitcast %gather3A_411 : vector<16xi32> to vector<32xbf16>
          %gather3A_413 = tpu.vector_load_idx %arg8[%broadcast_in_dim3A_4, %add3A_410] : memref<128x128xi32, #tpu.memory_space<vmem>>[vector<16xi32>, vector<16xi32>], vector<16xi32>,
          %bitcast3A_414 = vector.bitcast %gather3A_413 : vector<16xi32> to vector<32xbf16>
          %sub3A_415 = arith.subf %bitcast3A_412, %bitcast3A_414 : vector<32xbf16>
          %add3A_416 = vector.broadcast %scan3A_25 : bf16 to vector<32xbf16>
          %add3A_417 = arith.addf %sub3A_415, %add3A_416 : vector<32xbf16>
          %mul3A_418 = arith.mulf %add3A_417, %add3A_417 : vector<32xbf16>
          %add3A_419 = arith.addf %add3A_403, %mul3A_418 : vector<32xbf16>
          %add3A_420 = arith.constant 16 : i32
          %add3A_421 = vector.broadcast %add3A_420 : i32 to vector<16xi32>
          %add3A_422 = arith.addi %scan3A_167, %add3A_421 : vector<16xi32>
          scf.yield %add3A_419, %add3A_422 : vector<32xbf16>, vector<16xi32>
        }
        %scan3A_158 = arith.constant 8 : i32
        %unpack3A = tpu.unpack_subelements %scan3A_157#0, 0 {pack_format = #tpu.pack_format<interleaved>} : vector<32xbf16> -> vector<16xf32>
        %unpack3A_159 = tpu.unpack_subelements %scan3A_157#0, 1 {pack_format = #tpu.pack_format<interleaved>} : vector<32xbf16> -> vector<16xf32>
        %add3A_160 = arith.addf %unpack3A, %unpack3A_159 : vector<16xf32>
        %mul3A_161 = arith.constant 16 : i32
        %mul3A_162 = arith.muli %scan3A_143, %mul3A_161 : i32
        %add3A_163 = arith.addi %min3A_88, %mul3A_162 : i32
        %swap3A = arith.index_cast %add3A_163 : i32 to index
        %swap3A_164 = tpu.vector_load %arg11[%swap3A] {strides = array<i32>} : memref<5000xf32, #tpu.memory_space<vmem>>, vector<16xf32>,
        tpu.vector_store %arg11[%swap3A], %add3A_160 {strides = array<i32>} : memref<5000xf32, #tpu.memory_space<vmem>>, vector<16xf32>,
      }
      %scan3A_94 = arith.constant 8 : i32
      %add3A_95 = arith.constant 2 : i32
      %add3A_96 = arith.addi %mul3A_72, %add3A_95 : i32
      %mul3A_97 = arith.constant 128 : i32
      %mul3A_98 = arith.muli %add3A_96, %mul3A_97 : i32
      %min3A_99 = arith.constant 4872 : i32
      %min3A_100 = arith.minsi %mul3A_98, %min3A_99 : i32
      %dma_start3A_101 = tpu.memref_slice %arg5[%min3A_100] : memref<5000xi32, #tpu.memory_space<vmem>> -> memref<128xi32, #tpu.memory_space<vmem>>
      %dma_start3A_102 = arith.constant 0 : i32
      %dma_start3A_103 = arith.constant 0 : i32
      %dma_start3A_104 = tpu.memref_slice %arg2[%dma_start3A_102, %dma_start3A_103] : memref<10000x128xi32, #tpu.memory_space<hbm>> -> memref<10000x128xi32, #tpu.memory_space<hbm>>
      tpu.enqueue_indirect_dma source(%dma_start3A_104 : memref<10000x128xi32, #tpu.memory_space<hbm>>) target(%arg7 : memref<128x128xi32, #tpu.memory_space<vmem>>) offsets(%dma_start3A_101 : memref<128xi32, #tpu.memory_space<vmem>>) semaphore(%arg12 : memref<!tpu.dma_semaphore, #tpu.memory_space<semaphore_mem>>)
      %dma_start3A_105 = tpu.memref_slice %arg6[%min3A_100] : memref<5000xi32, #tpu.memory_space<vmem>> -> memref<128xi32, #tpu.memory_space<vmem>>
      %dma_start3A_106 = arith.constant 0 : i32
      %dma_start3A_107 = arith.constant 0 : i32
      %dma_start3A_108 = tpu.memref_slice %arg2[%dma_start3A_106, %dma_start3A_107] : memref<10000x128xi32, #tpu.memory_space<hbm>> -> memref<10000x128xi32, #tpu.memory_space<hbm>>
      tpu.enqueue_indirect_dma source(%dma_start3A_108 : memref<10000x128xi32, #tpu.memory_space<hbm>>) target(%arg8 : memref<128x128xi32, #tpu.memory_space<vmem>>) offsets(%dma_start3A_105 : memref<128xi32, #tpu.memory_space<vmem>>) semaphore(%arg13 : memref<!tpu.dma_semaphore, #tpu.memory_space<semaphore_mem>>)
      %dma_wait3A_109 = arith.constant 0 : i32
      %dma_wait3A_110 = tpu.memref_slice %arg5[%dma_wait3A_109] : memref<5000xi32, #tpu.memory_space<vmem>> -> memref<128xi32, #tpu.memory_space<vmem>>
      %dma_wait3A_111 = arith.constant 0 : i32
      %dma_wait3A_112 = arith.constant 0 : i32
      %dma_wait3A_113 = tpu.memref_slice %arg2[%dma_wait3A_111, %dma_wait3A_112] : memref<10000x128xi32, #tpu.memory_space<hbm>> -> memref<10000x128xi32, #tpu.memory_space<hbm>>
      tpu.wait_indirect_dma semaphore(%arg14 : memref<!tpu.dma_semaphore, #tpu.memory_space<semaphore_mem>>) src(%dma_wait3A_113 : memref<10000x128xi32, #tpu.memory_space<hbm>>) dst(%arg9 : memref<128x128xi32, #tpu.memory_space<vmem>>)
      %dma_wait3A_114 = arith.constant 0 : i32
      %dma_wait3A_115 = tpu.memref_slice %arg6[%dma_wait3A_114] : memref<5000xi32, #tpu.memory_space<vmem>> -> memref<128xi32, #tpu.memory_space<vmem>>
      %dma_wait3A_116 = arith.constant 0 : i32
      %dma_wait3A_117 = arith.constant 0 : i32
      %dma_wait3A_118 = tpu.memref_slice %arg2[%dma_wait3A_116, %dma_wait3A_117] : memref<10000x128xi32, #tpu.memory_space<hbm>> -> memref<10000x128xi32, #tpu.memory_space<hbm>>
      tpu.wait_indirect_dma semaphore(%arg15 : memref<!tpu.dma_semaphore, #tpu.memory_space<semaphore_mem>>) src(%dma_wait3A_118 : memref<10000x128xi32, #tpu.memory_space<hbm>>) dst(%arg10 : memref<128x128xi32, #tpu.memory_space<vmem>>)
      %mul3A_119 = arith.constant 128 : i32
      %mul3A_120 = arith.muli %add3A_74, %mul3A_119 : i32
      %min3A_121 = arith.constant 4872 : i32
      %min3A_122 = arith.minsi %mul3A_120, %min3A_121 : i32
      %scan3A_123 = arith.constant 0 : i32
      %scan3A_124 = arith.constant 0 : i32
      %scan3A_125 = arith.constant 8 : i32
      %scan3A_126 = arith.addi %scan3A_124, %scan3A_125 : i32
      %scan3A_127 = arith.constant 1 : i32
      scf.for %scan3A_143 = %scan3A_124 to %scan3A_126 step %scan3A_127  : i32 {
        %mul3A_144 = arith.constant 16 : i32
        %mul3A_145 = arith.muli %scan3A_143, %mul3A_144 : i32
        %add3A_146 = vector.broadcast %mul3A_145 : i32 to vector<16xi32>
        %add3A_147 = arith.addi %iota3A, %add3A_146 : vector<16xi32>
        %mul3A_148 = arith.constant 128 : i32
        %mul3A_149 = vector.broadcast %mul3A_148 : i32 to vector<16xi32>
        %mul3A_150 = arith.muli %add3A_147, %mul3A_149 : vector<16xi32>
        %broadcast_in_dim3A_151 = arith.constant 0.000000e+00 : bf16
        %broadcast_in_dim3A_152 = vector.broadcast %broadcast_in_dim3A_151 : bf16 to vector<32xbf16>
        %scan3A_153 = arith.constant 0 : i32
        %scan3A_154 = arith.constant 8 : i32
        %scan3A_155 = arith.addi %scan3A_153, %scan3A_154 : i32
        %scan3A_156 = arith.constant 1 : i32
        %scan3A_157:2 = scf.for %scan3A_165 = %scan3A_153 to %scan3A_155 step %scan3A_156 iter_args(%scan3A_166 = %broadcast_in_dim3A_152, %scan3A_167 = %mul3A_150) -> (vector<32xbf16>, vector<16xi32>)  : i32 {
          %add3A_168 = arith.constant 0 : i32
          %add3A_169 = vector.broadcast %add3A_168 : i32 to vector<16xi32>
          %add3A_170 = arith.addi %iota3A, %add3A_169 : vector<16xi32>
          %and3A = arith.constant 15 : i32
          %and3A_171 = vector.broadcast %and3A : i32 to vector<16xi32>
          %and3A_172 = arith.andi %add3A_170, %and3A_171 : vector<16xi32>
          %add3A_173 = arith.addi %scan3A_167, %and3A_172 : vector<16xi32>
          %gather3A = tpu.vector_load_idx %arg9[%broadcast_in_dim3A_4, %add3A_173] : memref<128x128xi32, #tpu.memory_space<vmem>>[vector<16xi32>, vector<16xi32>], vector<16xi32>,
          %bitcast3A = vector.bitcast %gather3A : vector<16xi32> to vector<32xbf16>
          %gather3A_174 = tpu.vector_load_idx %arg10[%broadcast_in_dim3A_4, %add3A_173] : memref<128x128xi32, #tpu.memory_space<vmem>>[vector<16xi32>, vector<16xi32>], vector<16xi32>,
          %bitcast3A_175 = vector.bitcast %gather3A_174 : vector<16xi32> to vector<32xbf16>
          %sub3A = arith.subf %bitcast3A, %bitcast3A_175 : vector<32xbf16>
          %add3A_176 = vector.broadcast %scan3A_25 : bf16 to vector<32xbf16>
          %add3A_177 = arith.addf %sub3A, %add3A_176 : vector<32xbf16>
          %mul3A_178 = arith.mulf %add3A_177, %add3A_177 : vector<32xbf16>
          %add3A_179 = arith.addf %scan3A_166, %mul3A_178 : vector<32xbf16>
          %add3A_180 = arith.constant 1 : i32
          %add3A_181 = vector.broadcast %add3A_180 : i32 to vector<16xi32>
          %add3A_182 = arith.addi %iota3A, %add3A_181 : vector<16xi32>
          %and3A_183 = arith.constant 15 : i32
          %and3A_184 = vector.broadcast %and3A_183 : i32 to vector<16xi32>
          %and3A_185 = arith.andi %add3A_182, %and3A_184 : vector<16xi32>
          %add3A_186 = arith.addi %scan3A_167, %and3A_185 : vector<16xi32>
          %gather3A_187 = tpu.vector_load_idx %arg9[%broadcast_in_dim3A_4, %add3A_186] : memref<128x128xi32, #tpu.memory_space<vmem>>[vector<16xi32>, vector<16xi32>], vector<16xi32>,
          %bitcast3A_188 = vector.bitcast %gather3A_187 : vector<16xi32> to vector<32xbf16>
          %gather3A_189 = tpu.vector_load_idx %arg10[%broadcast_in_dim3A_4, %add3A_186] : memref<128x128xi32, #tpu.memory_space<vmem>>[vector<16xi32>, vector<16xi32>], vector<16xi32>,
          %bitcast3A_190 = vector.bitcast %gather3A_189 : vector<16xi32> to vector<32xbf16>
          %sub3A_191 = arith.subf %bitcast3A_188, %bitcast3A_190 : vector<32xbf16>
          %add3A_192 = vector.broadcast %scan3A_25 : bf16 to vector<32xbf16>
          %add3A_193 = arith.addf %sub3A_191, %add3A_192 : vector<32xbf16>
          %mul3A_194 = arith.mulf %add3A_193, %add3A_193 : vector<32xbf16>
          %add3A_195 = arith.addf %add3A_179, %mul3A_194 : vector<32xbf16>
          %add3A_196 = arith.constant 2 : i32
          %add3A_197 = vector.broadcast %add3A_196 : i32 to vector<16xi32>
          %add3A_198 = arith.addi %iota3A, %add3A_197 : vector<16xi32>
          %and3A_199 = arith.constant 15 : i32
          %and3A_200 = vector.broadcast %and3A_199 : i32 to vector<16xi32>
          %and3A_201 = arith.andi %add3A_198, %and3A_200 : vector<16xi32>
          %add3A_202 = arith.addi %scan3A_167, %and3A_201 : vector<16xi32>
          %gather3A_203 = tpu.vector_load_idx %arg9[%broadcast_in_dim3A_4, %add3A_202] : memref<128x128xi32, #tpu.memory_space<vmem>>[vector<16xi32>, vector<16xi32>], vector<16xi32>,
          %bitcast3A_204 = vector.bitcast %gather3A_203 : vector<16xi32> to vector<32xbf16>
          %gather3A_205 = tpu.vector_load_idx %arg10[%broadcast_in_dim3A_4, %add3A_202] : memref<128x128xi32, #tpu.memory_space<vmem>>[vector<16xi32>, vector<16xi32>], vector<16xi32>,
          %bitcast3A_206 = vector.bitcast %gather3A_205 : vector<16xi32> to vector<32xbf16>
          %sub3A_207 = arith.subf %bitcast3A_204, %bitcast3A_206 : vector<32xbf16>
          %add3A_208 = vector.broadcast %scan3A_25 : bf16 to vector<32xbf16>
          %add3A_209 = arith.addf %sub3A_207, %add3A_208 : vector<32xbf16>
          %mul3A_210 = arith.mulf %add3A_209, %add3A_209 : vector<32xbf16>
          %add3A_211 = arith.addf %add3A_195, %mul3A_210 : vector<32xbf16>
          %add3A_212 = arith.constant 3 : i32
          %add3A_213 = vector.broadcast %add3A_212 : i32 to vector<16xi32>
          %add3A_214 = arith.addi %iota3A, %add3A_213 : vector<16xi32>
          %and3A_215 = arith.constant 15 : i32
          %and3A_216 = vector.broadcast %and3A_215 : i32 to vector<16xi32>
          %and3A_217 = arith.andi %add3A_214, %and3A_216 : vector<16xi32>
          %add3A_218 = arith.addi %scan3A_167, %and3A_217 : vector<16xi32>
          %gather3A_219 = tpu.vector_load_idx %arg9[%broadcast_in_dim3A_4, %add3A_218] : memref<128x128xi32, #tpu.memory_space<vmem>>[vector<16xi32>, vector<16xi32>], vector<16xi32>,
          %bitcast3A_220 = vector.bitcast %gather3A_219 : vector<16xi32> to vector<32xbf16>
          %gather3A_221 = tpu.vector_load_idx %arg10[%broadcast_in_dim3A_4, %add3A_218] : memref<128x128xi32, #tpu.memory_space<vmem>>[vector<16xi32>, vector<16xi32>], vector<16xi32>,
          %bitcast3A_222 = vector.bitcast %gather3A_221 : vector<16xi32> to vector<32xbf16>
          %sub3A_223 = arith.subf %bitcast3A_220, %bitcast3A_222 : vector<32xbf16>
          %add3A_224 = vector.broadcast %scan3A_25 : bf16 to vector<32xbf16>
          %add3A_225 = arith.addf %sub3A_223, %add3A_224 : vector<32xbf16>
          %mul3A_226 = arith.mulf %add3A_225, %add3A_225 : vector<32xbf16>
          %add3A_227 = arith.addf %add3A_211, %mul3A_226 : vector<32xbf16>
          %add3A_228 = arith.constant 4 : i32
          %add3A_229 = vector.broadcast %add3A_228 : i32 to vector<16xi32>
          %add3A_230 = arith.addi %iota3A, %add3A_229 : vector<16xi32>
          %and3A_231 = arith.constant 15 : i32
          %and3A_232 = vector.broadcast %and3A_231 : i32 to vector<16xi32>
          %and3A_233 = arith.andi %add3A_230, %and3A_232 : vector<16xi32>
          %add3A_234 = arith.addi %scan3A_167, %and3A_233 : vector<16xi32>
          %gather3A_235 = tpu.vector_load_idx %arg9[%broadcast_in_dim3A_4, %add3A_234] : memref<128x128xi32, #tpu.memory_space<vmem>>[vector<16xi32>, vector<16xi32>], vector<16xi32>,
          %bitcast3A_236 = vector.bitcast %gather3A_235 : vector<16xi32> to vector<32xbf16>
          %gather3A_237 = tpu.vector_load_idx %arg10[%broadcast_in_dim3A_4, %add3A_234] : memref<128x128xi32, #tpu.memory_space<vmem>>[vector<16xi32>, vector<16xi32>], vector<16xi32>,
          %bitcast3A_238 = vector.bitcast %gather3A_237 : vector<16xi32> to vector<32xbf16>
          %sub3A_239 = arith.subf %bitcast3A_236, %bitcast3A_238 : vector<32xbf16>
          %add3A_240 = vector.broadcast %scan3A_25 : bf16 to vector<32xbf16>
          %add3A_241 = arith.addf %sub3A_239, %add3A_240 : vector<32xbf16>
          %mul3A_242 = arith.mulf %add3A_241, %add3A_241 : vector<32xbf16>
          %add3A_243 = arith.addf %add3A_227, %mul3A_242 : vector<32xbf16>
          %add3A_244 = arith.constant 5 : i32
          %add3A_245 = vector.broadcast %add3A_244 : i32 to vector<16xi32>
          %add3A_246 = arith.addi %iota3A, %add3A_245 : vector<16xi32>
          %and3A_247 = arith.constant 15 : i32
          %and3A_248 = vector.broadcast %and3A_247 : i32 to vector<16xi32>
          %and3A_249 = arith.andi %add3A_246, %and3A_248 : vector<16xi32>
          %add3A_250 = arith.addi %scan3A_167, %and3A_249 : vector<16xi32>
          %gather3A_251 = tpu.vector_load_idx %arg9[%broadcast_in_dim3A_4, %add3A_250] : memref<128x128xi32, #tpu.memory_space<vmem>>[vector<16xi32>, vector<16xi32>], vector<16xi32>,
          %bitcast3A_252 = vector.bitcast %gather3A_251 : vector<16xi32> to vector<32xbf16>
          %gather3A_253 = tpu.vector_load_idx %arg10[%broadcast_in_dim3A_4, %add3A_250] : memref<128x128xi32, #tpu.memory_space<vmem>>[vector<16xi32>, vector<16xi32>], vector<16xi32>,
          %bitcast3A_254 = vector.bitcast %gather3A_253 : vector<16xi32> to vector<32xbf16>
          %sub3A_255 = arith.subf %bitcast3A_252, %bitcast3A_254 : vector<32xbf16>
          %add3A_256 = vector.broadcast %scan3A_25 : bf16 to vector<32xbf16>
          %add3A_257 = arith.addf %sub3A_255, %add3A_256 : vector<32xbf16>
          %mul3A_258 = arith.mulf %add3A_257, %add3A_257 : vector<32xbf16>
          %add3A_259 = arith.addf %add3A_243, %mul3A_258 : vector<32xbf16>
          %add3A_260 = arith.constant 6 : i32
          %add3A_261 = vector.broadcast %add3A_260 : i32 to vector<16xi32>
          %add3A_262 = arith.addi %iota3A, %add3A_261 : vector<16xi32>
          %and3A_263 = arith.constant 15 : i32
          %and3A_264 = vector.broadcast %and3A_263 : i32 to vector<16xi32>
          %and3A_265 = arith.andi %add3A_262, %and3A_264 : vector<16xi32>
          %add3A_266 = arith.addi %scan3A_167, %and3A_265 : vector<16xi32>
          %gather3A_267 = tpu.vector_load_idx %arg9[%broadcast_in_dim3A_4, %add3A_266] : memref<128x128xi32, #tpu.memory_space<vmem>>[vector<16xi32>, vector<16xi32>], vector<16xi32>,
          %bitcast3A_268 = vector.bitcast %gather3A_267 : vector<16xi32> to vector<32xbf16>
          %gather3A_269 = tpu.vector_load_idx %arg10[%broadcast_in_dim3A_4, %add3A_266] : memref<128x128xi32, #tpu.memory_space<vmem>>[vector<16xi32>, vector<16xi32>], vector<16xi32>,
          %bitcast3A_270 = vector.bitcast %gather3A_269 : vector<16xi32> to vector<32xbf16>
          %sub3A_271 = arith.subf %bitcast3A_268, %bitcast3A_270 : vector<32xbf16>
          %add3A_272 = vector.broadcast %scan3A_25 : bf16 to vector<32xbf16>
          %add3A_273 = arith.addf %sub3A_271, %add3A_272 : vector<32xbf16>
          %mul3A_274 = arith.mulf %add3A_273, %add3A_273 : vector<32xbf16>
          %add3A_275 = arith.addf %add3A_259, %mul3A_274 : vector<32xbf16>
          %add3A_276 = arith.constant 7 : i32
          %add3A_277 = vector.broadcast %add3A_276 : i32 to vector<16xi32>
          %add3A_278 = arith.addi %iota3A, %add3A_277 : vector<16xi32>
          %and3A_279 = arith.constant 15 : i32
          %and3A_280 = vector.broadcast %and3A_279 : i32 to vector<16xi32>
          %and3A_281 = arith.andi %add3A_278, %and3A_280 : vector<16xi32>
          %add3A_282 = arith.addi %scan3A_167, %and3A_281 : vector<16xi32>
          %gather3A_283 = tpu.vector_load_idx %arg9[%broadcast_in_dim3A_4, %add3A_282] : memref<128x128xi32, #tpu.memory_space<vmem>>[vector<16xi32>, vector<16xi32>], vector<16xi32>,
          %bitcast3A_284 = vector.bitcast %gather3A_283 : vector<16xi32> to vector<32xbf16>
          %gather3A_285 = tpu.vector_load_idx %arg10[%broadcast_in_dim3A_4, %add3A_282] : memref<128x128xi32, #tpu.memory_space<vmem>>[vector<16xi32>, vector<16xi32>], vector<16xi32>,
          %bitcast3A_286 = vector.bitcast %gather3A_285 : vector<16xi32> to vector<32xbf16>
          %sub3A_287 = arith.subf %bitcast3A_284, %bitcast3A_286 : vector<32xbf16>
          %add3A_288 = vector.broadcast %scan3A_25 : bf16 to vector<32xbf16>
          %add3A_289 = arith.addf %sub3A_287, %add3A_288 : vector<32xbf16>
          %mul3A_290 = arith.mulf %add3A_289, %add3A_289 : vector<32xbf16>
          %add3A_291 = arith.addf %add3A_275, %mul3A_290 : vector<32xbf16>
          %add3A_292 = arith.constant 8 : i32
          %add3A_293 = vector.broadcast %add3A_292 : i32 to vector<16xi32>
          %add3A_294 = arith.addi %iota3A, %add3A_293 : vector<16xi32>
          %and3A_295 = arith.constant 15 : i32
          %and3A_296 = vector.broadcast %and3A_295 : i32 to vector<16xi32>
          %and3A_297 = arith.andi %add3A_294, %and3A_296 : vector<16xi32>
          %add3A_298 = arith.addi %scan3A_167, %and3A_297 : vector<16xi32>
          %gather3A_299 = tpu.vector_load_idx %arg9[%broadcast_in_dim3A_4, %add3A_298] : memref<128x128xi32, #tpu.memory_space<vmem>>[vector<16xi32>, vector<16xi32>], vector<16xi32>,
          %bitcast3A_300 = vector.bitcast %gather3A_299 : vector<16xi32> to vector<32xbf16>
          %gather3A_301 = tpu.vector_load_idx %arg10[%broadcast_in_dim3A_4, %add3A_298] : memref<128x128xi32, #tpu.memory_space<vmem>>[vector<16xi32>, vector<16xi32>], vector<16xi32>,
          %bitcast3A_302 = vector.bitcast %gather3A_301 : vector<16xi32> to vector<32xbf16>
          %sub3A_303 = arith.subf %bitcast3A_300, %bitcast3A_302 : vector<32xbf16>
          %add3A_304 = vector.broadcast %scan3A_25 : bf16 to vector<32xbf16>
          %add3A_305 = arith.addf %sub3A_303, %add3A_304 : vector<32xbf16>
          %mul3A_306 = arith.mulf %add3A_305, %add3A_305 : vector<32xbf16>
          %add3A_307 = arith.addf %add3A_291, %mul3A_306 : vector<32xbf16>
          %add3A_308 = arith.constant 9 : i32
          %add3A_309 = vector.broadcast %add3A_308 : i32 to vector<16xi32>
          %add3A_310 = arith.addi %iota3A, %add3A_309 : vector<16xi32>
          %and3A_311 = arith.constant 15 : i32
          %and3A_312 = vector.broadcast %and3A_311 : i32 to vector<16xi32>
          %and3A_313 = arith.andi %add3A_310, %and3A_312 : vector<16xi32>
          %add3A_314 = arith.addi %scan3A_167, %and3A_313 : vector<16xi32>
          %gather3A_315 = tpu.vector_load_idx %arg9[%broadcast_in_dim3A_4, %add3A_314] : memref<128x128xi32, #tpu.memory_space<vmem>>[vector<16xi32>, vector<16xi32>], vector<16xi32>,
          %bitcast3A_316 = vector.bitcast %gather3A_315 : vector<16xi32> to vector<32xbf16>
          %gather3A_317 = tpu.vector_load_idx %arg10[%broadcast_in_dim3A_4, %add3A_314] : memref<128x128xi32, #tpu.memory_space<vmem>>[vector<16xi32>, vector<16xi32>], vector<16xi32>,
          %bitcast3A_318 = vector.bitcast %gather3A_317 : vector<16xi32> to vector<32xbf16>
          %sub3A_319 = arith.subf %bitcast3A_316, %bitcast3A_318 : vector<32xbf16>
          %add3A_320 = vector.broadcast %scan3A_25 : bf16 to vector<32xbf16>
          %add3A_321 = arith.addf %sub3A_319, %add3A_320 : vector<32xbf16>
          %mul3A_322 = arith.mulf %add3A_321, %add3A_321 : vector<32xbf16>
          %add3A_323 = arith.addf %add3A_307, %mul3A_322 : vector<32xbf16>
          %add3A_324 = arith.constant 10 : i32
          %add3A_325 = vector.broadcast %add3A_324 : i32 to vector<16xi32>
          %add3A_326 = arith.addi %iota3A, %add3A_325 : vector<16xi32>
          %and3A_327 = arith.constant 15 : i32
          %and3A_328 = vector.broadcast %and3A_327 : i32 to vector<16xi32>
          %and3A_329 = arith.andi %add3A_326, %and3A_328 : vector<16xi32>
          %add3A_330 = arith.addi %scan3A_167, %and3A_329 : vector<16xi32>
          %gather3A_331 = tpu.vector_load_idx %arg9[%broadcast_in_dim3A_4, %add3A_330] : memref<128x128xi32, #tpu.memory_space<vmem>>[vector<16xi32>, vector<16xi32>], vector<16xi32>,
          %bitcast3A_332 = vector.bitcast %gather3A_331 : vector<16xi32> to vector<32xbf16>
          %gather3A_333 = tpu.vector_load_idx %arg10[%broadcast_in_dim3A_4, %add3A_330] : memref<128x128xi32, #tpu.memory_space<vmem>>[vector<16xi32>, vector<16xi32>], vector<16xi32>,
          %bitcast3A_334 = vector.bitcast %gather3A_333 : vector<16xi32> to vector<32xbf16>
          %sub3A_335 = arith.subf %bitcast3A_332, %bitcast3A_334 : vector<32xbf16>
          %add3A_336 = vector.broadcast %scan3A_25 : bf16 to vector<32xbf16>
          %add3A_337 = arith.addf %sub3A_335, %add3A_336 : vector<32xbf16>
          %mul3A_338 = arith.mulf %add3A_337, %add3A_337 : vector<32xbf16>
          %add3A_339 = arith.addf %add3A_323, %mul3A_338 : vector<32xbf16>
          %add3A_340 = arith.constant 11 : i32
          %add3A_341 = vector.broadcast %add3A_340 : i32 to vector<16xi32>
          %add3A_342 = arith.addi %iota3A, %add3A_341 : vector<16xi32>
          %and3A_343 = arith.constant 15 : i32
          %and3A_344 = vector.broadcast %and3A_343 : i32 to vector<16xi32>
          %and3A_345 = arith.andi %add3A_342, %and3A_344 : vector<16xi32>
          %add3A_346 = arith.addi %scan3A_167, %and3A_345 : vector<16xi32>
          %gather3A_347 = tpu.vector_load_idx %arg9[%broadcast_in_dim3A_4, %add3A_346] : memref<128x128xi32, #tpu.memory_space<vmem>>[vector<16xi32>, vector<16xi32>], vector<16xi32>,
          %bitcast3A_348 = vector.bitcast %gather3A_347 : vector<16xi32> to vector<32xbf16>
          %gather3A_349 = tpu.vector_load_idx %arg10[%broadcast_in_dim3A_4, %add3A_346] : memref<128x128xi32, #tpu.memory_space<vmem>>[vector<16xi32>, vector<16xi32>], vector<16xi32>,
          %bitcast3A_350 = vector.bitcast %gather3A_349 : vector<16xi32> to vector<32xbf16>
          %sub3A_351 = arith.subf %bitcast3A_348, %bitcast3A_350 : vector<32xbf16>
          %add3A_352 = vector.broadcast %scan3A_25 : bf16 to vector<32xbf16>
          %add3A_353 = arith.addf %sub3A_351, %add3A_352 : vector<32xbf16>
          %mul3A_354 = arith.mulf %add3A_353, %add3A_353 : vector<32xbf16>
          %add3A_355 = arith.addf %add3A_339, %mul3A_354 : vector<32xbf16>
          %add3A_356 = arith.constant 12 : i32
          %add3A_357 = vector.broadcast %add3A_356 : i32 to vector<16xi32>
          %add3A_358 = arith.addi %iota3A, %add3A_357 : vector<16xi32>
          %and3A_359 = arith.constant 15 : i32
          %and3A_360 = vector.broadcast %and3A_359 : i32 to vector<16xi32>
          %and3A_361 = arith.andi %add3A_358, %and3A_360 : vector<16xi32>
          %add3A_362 = arith.addi %scan3A_167, %and3A_361 : vector<16xi32>
          %gather3A_363 = tpu.vector_load_idx %arg9[%broadcast_in_dim3A_4, %add3A_362] : memref<128x128xi32, #tpu.memory_space<vmem>>[vector<16xi32>, vector<16xi32>], vector<16xi32>,
          %bitcast3A_364 = vector.bitcast %gather3A_363 : vector<16xi32> to vector<32xbf16>
          %gather3A_365 = tpu.vector_load_idx %arg10[%broadcast_in_dim3A_4, %add3A_362] : memref<128x128xi32, #tpu.memory_space<vmem>>[vector<16xi32>, vector<16xi32>], vector<16xi32>,
          %bitcast3A_366 = vector.bitcast %gather3A_365 : vector<16xi32> to vector<32xbf16>
          %sub3A_367 = arith.subf %bitcast3A_364, %bitcast3A_366 : vector<32xbf16>
          %add3A_368 = vector.broadcast %scan3A_25 : bf16 to vector<32xbf16>
          %add3A_369 = arith.addf %sub3A_367, %add3A_368 : vector<32xbf16>
          %mul3A_370 = arith.mulf %add3A_369, %add3A_369 : vector<32xbf16>
          %add3A_371 = arith.addf %add3A_355, %mul3A_370 : vector<32xbf16>
          %add3A_372 = arith.constant 13 : i32
          %add3A_373 = vector.broadcast %add3A_372 : i32 to vector<16xi32>
          %add3A_374 = arith.addi %iota3A, %add3A_373 : vector<16xi32>
          %and3A_375 = arith.constant 15 : i32
          %and3A_376 = vector.broadcast %and3A_375 : i32 to vector<16xi32>
          %and3A_377 = arith.andi %add3A_374, %and3A_376 : vector<16xi32>
          %add3A_378 = arith.addi %scan3A_167, %and3A_377 : vector<16xi32>
          %gather3A_379 = tpu.vector_load_idx %arg9[%broadcast_in_dim3A_4, %add3A_378] : memref<128x128xi32, #tpu.memory_space<vmem>>[vector<16xi32>, vector<16xi32>], vector<16xi32>,
          %bitcast3A_380 = vector.bitcast %gather3A_379 : vector<16xi32> to vector<32xbf16>
          %gather3A_381 = tpu.vector_load_idx %arg10[%broadcast_in_dim3A_4, %add3A_378] : memref<128x128xi32, #tpu.memory_space<vmem>>[vector<16xi32>, vector<16xi32>], vector<16xi32>,
          %bitcast3A_382 = vector.bitcast %gather3A_381 : vector<16xi32> to vector<32xbf16>
          %sub3A_383 = arith.subf %bitcast3A_380, %bitcast3A_382 : vector<32xbf16>
          %add3A_384 = vector.broadcast %scan3A_25 : bf16 to vector<32xbf16>
          %add3A_385 = arith.addf %sub3A_383, %add3A_384 : vector<32xbf16>
          %mul3A_386 = arith.mulf %add3A_385, %add3A_385 : vector<32xbf16>
          %add3A_387 = arith.addf %add3A_371, %mul3A_386 : vector<32xbf16>
          %add3A_388 = arith.constant 14 : i32
          %add3A_389 = vector.broadcast %add3A_388 : i32 to vector<16xi32>
          %add3A_390 = arith.addi %iota3A, %add3A_389 : vector<16xi32>
          %and3A_391 = arith.constant 15 : i32
          %and3A_392 = vector.broadcast %and3A_391 : i32 to vector<16xi32>
          %and3A_393 = arith.andi %add3A_390, %and3A_392 : vector<16xi32>
          %add3A_394 = arith.addi %scan3A_167, %and3A_393 : vector<16xi32>
          %gather3A_395 = tpu.vector_load_idx %arg9[%broadcast_in_dim3A_4, %add3A_394] : memref<128x128xi32, #tpu.memory_space<vmem>>[vector<16xi32>, vector<16xi32>], vector<16xi32>,
          %bitcast3A_396 = vector.bitcast %gather3A_395 : vector<16xi32> to vector<32xbf16>
          %gather3A_397 = tpu.vector_load_idx %arg10[%broadcast_in_dim3A_4, %add3A_394] : memref<128x128xi32, #tpu.memory_space<vmem>>[vector<16xi32>, vector<16xi32>], vector<16xi32>,
          %bitcast3A_398 = vector.bitcast %gather3A_397 : vector<16xi32> to vector<32xbf16>
          %sub3A_399 = arith.subf %bitcast3A_396, %bitcast3A_398 : vector<32xbf16>
          %add3A_400 = vector.broadcast %scan3A_25 : bf16 to vector<32xbf16>
          %add3A_401 = arith.addf %sub3A_399, %add3A_400 : vector<32xbf16>
          %mul3A_402 = arith.mulf %add3A_401, %add3A_401 : vector<32xbf16>
          %add3A_403 = arith.addf %add3A_387, %mul3A_402 : vector<32xbf16>
          %add3A_404 = arith.constant 15 : i32
          %add3A_405 = vector.broadcast %add3A_404 : i32 to vector<16xi32>
          %add3A_406 = arith.addi %iota3A, %add3A_405 : vector<16xi32>
          %and3A_407 = arith.constant 15 : i32
          %and3A_408 = vector.broadcast %and3A_407 : i32 to vector<16xi32>
          %and3A_409 = arith.andi %add3A_406, %and3A_408 : vector<16xi32>
          %add3A_410 = arith.addi %scan3A_167, %and3A_409 : vector<16xi32>
          %gather3A_411 = tpu.vector_load_idx %arg9[%broadcast_in_dim3A_4, %add3A_410] : memref<128x128xi32, #tpu.memory_space<vmem>>[vector<16xi32>, vector<16xi32>], vector<16xi32>,
          %bitcast3A_412 = vector.bitcast %gather3A_411 : vector<16xi32> to vector<32xbf16>
          %gather3A_413 = tpu.vector_load_idx %arg10[%broadcast_in_dim3A_4, %add3A_410] : memref<128x128xi32, #tpu.memory_space<vmem>>[vector<16xi32>, vector<16xi32>], vector<16xi32>,
          %bitcast3A_414 = vector.bitcast %gather3A_413 : vector<16xi32> to vector<32xbf16>
          %sub3A_415 = arith.subf %bitcast3A_412, %bitcast3A_414 : vector<32xbf16>
          %add3A_416 = vector.broadcast %scan3A_25 : bf16 to vector<32xbf16>
          %add3A_417 = arith.addf %sub3A_415, %add3A_416 : vector<32xbf16>
          %mul3A_418 = arith.mulf %add3A_417, %add3A_417 : vector<32xbf16>
          %add3A_419 = arith.addf %add3A_403, %mul3A_418 : vector<32xbf16>
          %add3A_420 = arith.constant 16 : i32
          %add3A_421 = vector.broadcast %add3A_420 : i32 to vector<16xi32>
          %add3A_422 = arith.addi %scan3A_167, %add3A_421 : vector<16xi32>
          scf.yield %add3A_419, %add3A_422 : vector<32xbf16>, vector<16xi32>
        }
        %scan3A_158 = arith.constant 8 : i32
        %unpack3A = tpu.unpack_subelements %scan3A_157#0, 0 {pack_format = #tpu.pack_format<interleaved>} : vector<32xbf16> -> vector<16xf32>
        %unpack3A_159 = tpu.unpack_subelements %scan3A_157#0, 1 {pack_format = #tpu.pack_format<interleaved>} : vector<32xbf16> -> vector<16xf32>
        %add3A_160 = arith.addf %unpack3A, %unpack3A_159 : vector<16xf32>
        %mul3A_161 = arith.constant 16 : i32
        %mul3A_162 = arith.muli %scan3A_143, %mul3A_161 : i32
        %add3A_163 = arith.addi %min3A_122, %mul3A_162 : i32
        %swap3A = arith.index_cast %add3A_163 : i32 to index
        %swap3A_164 = tpu.vector_load %arg11[%swap3A] {strides = array<i32>} : memref<5000xf32, #tpu.memory_space<vmem>>, vector<16xf32>,
        tpu.vector_store %arg11[%swap3A], %add3A_160 {strides = array<i32>} : memref<5000xf32, #tpu.memory_space<vmem>>, vector<16xf32>,
      }
      %scan3A_128 = arith.constant 8 : i32
      %add3A_129 = arith.constant 2 : i32
      %add3A_130 = arith.addi %add3A_74, %add3A_129 : i32
      %mul3A_131 = arith.constant 128 : i32
      %mul3A_132 = arith.muli %add3A_130, %mul3A_131 : i32
      %min3A_133 = arith.constant 4872 : i32
      %min3A_134 = arith.minsi %mul3A_132, %min3A_133 : i32
      %dma_start3A_135 = tpu.memref_slice %arg5[%min3A_134] : memref<5000xi32, #tpu.memory_space<vmem>> -> memref<128xi32, #tpu.memory_space<vmem>>
      %dma_start3A_136 = arith.constant 0 : i32
      %dma_start3A_137 = arith.constant 0 : i32
      %dma_start3A_138 = tpu.memref_slice %arg2[%dma_start3A_136, %dma_start3A_137] : memref<10000x128xi32, #tpu.memory_space<hbm>> -> memref<10000x128xi32, #tpu.memory_space<hbm>>
      tpu.enqueue_indirect_dma source(%dma_start3A_138 : memref<10000x128xi32, #tpu.memory_space<hbm>>) target(%arg9 : memref<128x128xi32, #tpu.memory_space<vmem>>) offsets(%dma_start3A_135 : memref<128xi32, #tpu.memory_space<vmem>>) semaphore(%arg14 : memref<!tpu.dma_semaphore, #tpu.memory_space<semaphore_mem>>)
      %dma_start3A_139 = tpu.memref_slice %arg6[%min3A_134] : memref<5000xi32, #tpu.memory_space<vmem>> -> memref<128xi32, #tpu.memory_space<vmem>>
      %dma_start3A_140 = arith.constant 0 : i32
      %dma_start3A_141 = arith.constant 0 : i32
      %dma_start3A_142 = tpu.memref_slice %arg2[%dma_start3A_140, %dma_start3A_141] : memref<10000x128xi32, #tpu.memory_space<hbm>> -> memref<10000x128xi32, #tpu.memory_space<hbm>>
      tpu.enqueue_indirect_dma source(%dma_start3A_142 : memref<10000x128xi32, #tpu.memory_space<hbm>>) target(%arg10 : memref<128x128xi32, #tpu.memory_space<vmem>>) offsets(%dma_start3A_139 : memref<128xi32, #tpu.memory_space<vmem>>) semaphore(%arg15 : memref<!tpu.dma_semaphore, #tpu.memory_space<semaphore_mem>>)
    }
    %scan3A_30 = arith.constant 19 : i32
    %dma_wait3A = arith.constant 0 : i32
    %dma_wait3A_31 = tpu.memref_slice %arg5[%dma_wait3A] : memref<5000xi32, #tpu.memory_space<vmem>> -> memref<128xi32, #tpu.memory_space<vmem>>
    %dma_wait3A_32 = arith.constant 0 : i32
    %dma_wait3A_33 = arith.constant 0 : i32
    %dma_wait3A_34 = tpu.memref_slice %arg2[%dma_wait3A_32, %dma_wait3A_33] : memref<10000x128xi32, #tpu.memory_space<hbm>> -> memref<10000x128xi32, #tpu.memory_space<hbm>>
    tpu.wait_indirect_dma semaphore(%arg12 : memref<!tpu.dma_semaphore, #tpu.memory_space<semaphore_mem>>) src(%dma_wait3A_34 : memref<10000x128xi32, #tpu.memory_space<hbm>>) dst(%arg7 : memref<128x128xi32, #tpu.memory_space<vmem>>)
    %dma_wait3A_35 = arith.constant 0 : i32
    %dma_wait3A_36 = tpu.memref_slice %arg6[%dma_wait3A_35] : memref<5000xi32, #tpu.memory_space<vmem>> -> memref<128xi32, #tpu.memory_space<vmem>>
    %dma_wait3A_37 = arith.constant 0 : i32
    %dma_wait3A_38 = arith.constant 0 : i32
    %dma_wait3A_39 = tpu.memref_slice %arg2[%dma_wait3A_37, %dma_wait3A_38] : memref<10000x128xi32, #tpu.memory_space<hbm>> -> memref<10000x128xi32, #tpu.memory_space<hbm>>
    tpu.wait_indirect_dma semaphore(%arg13 : memref<!tpu.dma_semaphore, #tpu.memory_space<semaphore_mem>>) src(%dma_wait3A_39 : memref<10000x128xi32, #tpu.memory_space<hbm>>) dst(%arg8 : memref<128x128xi32, #tpu.memory_space<vmem>>)
    %min3A_40 = arith.constant 4864 : i32
    %min3A_41 = arith.constant 4872 : i32
    %min3A_42 = arith.minsi %min3A_40, %min3A_41 : i32
    %scan3A_43 = arith.constant 0 : i32
    %scan3A_44 = arith.constant 9.983770e-07 : bf16
    %scan3A_45 = arith.constant 0 : i32
    %scan3A_46 = arith.constant 8 : i32
    %scan3A_47 = arith.addi %scan3A_45, %scan3A_46 : i32
    %scan3A_48 = arith.constant 1 : i32
    scf.for %scan3A_70 = %scan3A_45 to %scan3A_47 step %scan3A_48  : i32 {
      %mul3A_71 = arith.constant 16 : i32
      %mul3A_72 = arith.muli %scan3A_70, %mul3A_71 : i32
      %add3A_73 = vector.broadcast %mul3A_72 : i32 to vector<16xi32>
      %add3A_74 = arith.addi %iota3A, %add3A_73 : vector<16xi32>
      %mul3A_75 = arith.constant 128 : i32
      %mul3A_76 = vector.broadcast %mul3A_75 : i32 to vector<16xi32>
      %mul3A_77 = arith.muli %add3A_74, %mul3A_76 : vector<16xi32>
      %broadcast_in_dim3A_78 = arith.constant 0.000000e+00 : bf16
      %broadcast_in_dim3A_79 = vector.broadcast %broadcast_in_dim3A_78 : bf16 to vector<32xbf16>
      %scan3A_80 = arith.constant 0 : i32
      %scan3A_81 = arith.constant 8 : i32
      %scan3A_82 = arith.addi %scan3A_80, %scan3A_81 : i32
      %scan3A_83 = arith.constant 1 : i32
      %scan3A_84:2 = scf.for %scan3A_92 = %scan3A_80 to %scan3A_82 step %scan3A_83 iter_args(%scan3A_93 = %broadcast_in_dim3A_79, %scan3A_94 = %mul3A_77) -> (vector<32xbf16>, vector<16xi32>)  : i32 {
        %add3A_95 = arith.constant 0 : i32
        %add3A_96 = vector.broadcast %add3A_95 : i32 to vector<16xi32>
        %add3A_97 = arith.addi %iota3A, %add3A_96 : vector<16xi32>
        %and3A = arith.constant 15 : i32
        %and3A_98 = vector.broadcast %and3A : i32 to vector<16xi32>
        %and3A_99 = arith.andi %add3A_97, %and3A_98 : vector<16xi32>
        %add3A_100 = arith.addi %scan3A_94, %and3A_99 : vector<16xi32>
        %gather3A = tpu.vector_load_idx %arg7[%broadcast_in_dim3A_4, %add3A_100] : memref<128x128xi32, #tpu.memory_space<vmem>>[vector<16xi32>, vector<16xi32>], vector<16xi32>,
        %bitcast3A = vector.bitcast %gather3A : vector<16xi32> to vector<32xbf16>
        %gather3A_101 = tpu.vector_load_idx %arg8[%broadcast_in_dim3A_4, %add3A_100] : memref<128x128xi32, #tpu.memory_space<vmem>>[vector<16xi32>, vector<16xi32>], vector<16xi32>,
        %bitcast3A_102 = vector.bitcast %gather3A_101 : vector<16xi32> to vector<32xbf16>
        %sub3A = arith.subf %bitcast3A, %bitcast3A_102 : vector<32xbf16>
        %add3A_103 = vector.broadcast %scan3A_44 : bf16 to vector<32xbf16>
        %add3A_104 = arith.addf %sub3A, %add3A_103 : vector<32xbf16>
        %mul3A_105 = arith.mulf %add3A_104, %add3A_104 : vector<32xbf16>
        %add3A_106 = arith.addf %scan3A_93, %mul3A_105 : vector<32xbf16>
        %add3A_107 = arith.constant 1 : i32
        %add3A_108 = vector.broadcast %add3A_107 : i32 to vector<16xi32>
        %add3A_109 = arith.addi %iota3A, %add3A_108 : vector<16xi32>
        %and3A_110 = arith.constant 15 : i32
        %and3A_111 = vector.broadcast %and3A_110 : i32 to vector<16xi32>
        %and3A_112 = arith.andi %add3A_109, %and3A_111 : vector<16xi32>
        %add3A_113 = arith.addi %scan3A_94, %and3A_112 : vector<16xi32>
        %gather3A_114 = tpu.vector_load_idx %arg7[%broadcast_in_dim3A_4, %add3A_113] : memref<128x128xi32, #tpu.memory_space<vmem>>[vector<16xi32>, vector<16xi32>], vector<16xi32>,
        %bitcast3A_115 = vector.bitcast %gather3A_114 : vector<16xi32> to vector<32xbf16>
        %gather3A_116 = tpu.vector_load_idx %arg8[%broadcast_in_dim3A_4, %add3A_113] : memref<128x128xi32, #tpu.memory_space<vmem>>[vector<16xi32>, vector<16xi32>], vector<16xi32>,
        %bitcast3A_117 = vector.bitcast %gather3A_116 : vector<16xi32> to vector<32xbf16>
        %sub3A_118 = arith.subf %bitcast3A_115, %bitcast3A_117 : vector<32xbf16>
        %add3A_119 = vector.broadcast %scan3A_44 : bf16 to vector<32xbf16>
        %add3A_120 = arith.addf %sub3A_118, %add3A_119 : vector<32xbf16>
        %mul3A_121 = arith.mulf %add3A_120, %add3A_120 : vector<32xbf16>
        %add3A_122 = arith.addf %add3A_106, %mul3A_121 : vector<32xbf16>
        %add3A_123 = arith.constant 2 : i32
        %add3A_124 = vector.broadcast %add3A_123 : i32 to vector<16xi32>
        %add3A_125 = arith.addi %iota3A, %add3A_124 : vector<16xi32>
        %and3A_126 = arith.constant 15 : i32
        %and3A_127 = vector.broadcast %and3A_126 : i32 to vector<16xi32>
        %and3A_128 = arith.andi %add3A_125, %and3A_127 : vector<16xi32>
        %add3A_129 = arith.addi %scan3A_94, %and3A_128 : vector<16xi32>
        %gather3A_130 = tpu.vector_load_idx %arg7[%broadcast_in_dim3A_4, %add3A_129] : memref<128x128xi32, #tpu.memory_space<vmem>>[vector<16xi32>, vector<16xi32>], vector<16xi32>,
        %bitcast3A_131 = vector.bitcast %gather3A_130 : vector<16xi32> to vector<32xbf16>
        %gather3A_132 = tpu.vector_load_idx %arg8[%broadcast_in_dim3A_4, %add3A_129] : memref<128x128xi32, #tpu.memory_space<vmem>>[vector<16xi32>, vector<16xi32>], vector<16xi32>,
        %bitcast3A_133 = vector.bitcast %gather3A_132 : vector<16xi32> to vector<32xbf16>
        %sub3A_134 = arith.subf %bitcast3A_131, %bitcast3A_133 : vector<32xbf16>
        %add3A_135 = vector.broadcast %scan3A_44 : bf16 to vector<32xbf16>
        %add3A_136 = arith.addf %sub3A_134, %add3A_135 : vector<32xbf16>
        %mul3A_137 = arith.mulf %add3A_136, %add3A_136 : vector<32xbf16>
        %add3A_138 = arith.addf %add3A_122, %mul3A_137 : vector<32xbf16>
        %add3A_139 = arith.constant 3 : i32
        %add3A_140 = vector.broadcast %add3A_139 : i32 to vector<16xi32>
        %add3A_141 = arith.addi %iota3A, %add3A_140 : vector<16xi32>
        %and3A_142 = arith.constant 15 : i32
        %and3A_143 = vector.broadcast %and3A_142 : i32 to vector<16xi32>
        %and3A_144 = arith.andi %add3A_141, %and3A_143 : vector<16xi32>
        %add3A_145 = arith.addi %scan3A_94, %and3A_144 : vector<16xi32>
        %gather3A_146 = tpu.vector_load_idx %arg7[%broadcast_in_dim3A_4, %add3A_145] : memref<128x128xi32, #tpu.memory_space<vmem>>[vector<16xi32>, vector<16xi32>], vector<16xi32>,
        %bitcast3A_147 = vector.bitcast %gather3A_146 : vector<16xi32> to vector<32xbf16>
        %gather3A_148 = tpu.vector_load_idx %arg8[%broadcast_in_dim3A_4, %add3A_145] : memref<128x128xi32, #tpu.memory_space<vmem>>[vector<16xi32>, vector<16xi32>], vector<16xi32>,
        %bitcast3A_149 = vector.bitcast %gather3A_148 : vector<16xi32> to vector<32xbf16>
        %sub3A_150 = arith.subf %bitcast3A_147, %bitcast3A_149 : vector<32xbf16>
        %add3A_151 = vector.broadcast %scan3A_44 : bf16 to vector<32xbf16>
        %add3A_152 = arith.addf %sub3A_150, %add3A_151 : vector<32xbf16>
        %mul3A_153 = arith.mulf %add3A_152, %add3A_152 : vector<32xbf16>
        %add3A_154 = arith.addf %add3A_138, %mul3A_153 : vector<32xbf16>
        %add3A_155 = arith.constant 4 : i32
        %add3A_156 = vector.broadcast %add3A_155 : i32 to vector<16xi32>
        %add3A_157 = arith.addi %iota3A, %add3A_156 : vector<16xi32>
        %and3A_158 = arith.constant 15 : i32
        %and3A_159 = vector.broadcast %and3A_158 : i32 to vector<16xi32>
        %and3A_160 = arith.andi %add3A_157, %and3A_159 : vector<16xi32>
        %add3A_161 = arith.addi %scan3A_94, %and3A_160 : vector<16xi32>
        %gather3A_162 = tpu.vector_load_idx %arg7[%broadcast_in_dim3A_4, %add3A_161] : memref<128x128xi32, #tpu.memory_space<vmem>>[vector<16xi32>, vector<16xi32>], vector<16xi32>,
        %bitcast3A_163 = vector.bitcast %gather3A_162 : vector<16xi32> to vector<32xbf16>
        %gather3A_164 = tpu.vector_load_idx %arg8[%broadcast_in_dim3A_4, %add3A_161] : memref<128x128xi32, #tpu.memory_space<vmem>>[vector<16xi32>, vector<16xi32>], vector<16xi32>,
        %bitcast3A_165 = vector.bitcast %gather3A_164 : vector<16xi32> to vector<32xbf16>
        %sub3A_166 = arith.subf %bitcast3A_163, %bitcast3A_165 : vector<32xbf16>
        %add3A_167 = vector.broadcast %scan3A_44 : bf16 to vector<32xbf16>
        %add3A_168 = arith.addf %sub3A_166, %add3A_167 : vector<32xbf16>
        %mul3A_169 = arith.mulf %add3A_168, %add3A_168 : vector<32xbf16>
        %add3A_170 = arith.addf %add3A_154, %mul3A_169 : vector<32xbf16>
        %add3A_171 = arith.constant 5 : i32
        %add3A_172 = vector.broadcast %add3A_171 : i32 to vector<16xi32>
        %add3A_173 = arith.addi %iota3A, %add3A_172 : vector<16xi32>
        %and3A_174 = arith.constant 15 : i32
        %and3A_175 = vector.broadcast %and3A_174 : i32 to vector<16xi32>
        %and3A_176 = arith.andi %add3A_173, %and3A_175 : vector<16xi32>
        %add3A_177 = arith.addi %scan3A_94, %and3A_176 : vector<16xi32>
        %gather3A_178 = tpu.vector_load_idx %arg7[%broadcast_in_dim3A_4, %add3A_177] : memref<128x128xi32, #tpu.memory_space<vmem>>[vector<16xi32>, vector<16xi32>], vector<16xi32>,
        %bitcast3A_179 = vector.bitcast %gather3A_178 : vector<16xi32> to vector<32xbf16>
        %gather3A_180 = tpu.vector_load_idx %arg8[%broadcast_in_dim3A_4, %add3A_177] : memref<128x128xi32, #tpu.memory_space<vmem>>[vector<16xi32>, vector<16xi32>], vector<16xi32>,
        %bitcast3A_181 = vector.bitcast %gather3A_180 : vector<16xi32> to vector<32xbf16>
        %sub3A_182 = arith.subf %bitcast3A_179, %bitcast3A_181 : vector<32xbf16>
        %add3A_183 = vector.broadcast %scan3A_44 : bf16 to vector<32xbf16>
        %add3A_184 = arith.addf %sub3A_182, %add3A_183 : vector<32xbf16>
        %mul3A_185 = arith.mulf %add3A_184, %add3A_184 : vector<32xbf16>
        %add3A_186 = arith.addf %add3A_170, %mul3A_185 : vector<32xbf16>
        %add3A_187 = arith.constant 6 : i32
        %add3A_188 = vector.broadcast %add3A_187 : i32 to vector<16xi32>
        %add3A_189 = arith.addi %iota3A, %add3A_188 : vector<16xi32>
        %and3A_190 = arith.constant 15 : i32
        %and3A_191 = vector.broadcast %and3A_190 : i32 to vector<16xi32>
        %and3A_192 = arith.andi %add3A_189, %and3A_191 : vector<16xi32>
        %add3A_193 = arith.addi %scan3A_94, %and3A_192 : vector<16xi32>
        %gather3A_194 = tpu.vector_load_idx %arg7[%broadcast_in_dim3A_4, %add3A_193] : memref<128x128xi32, #tpu.memory_space<vmem>>[vector<16xi32>, vector<16xi32>], vector<16xi32>,
        %bitcast3A_195 = vector.bitcast %gather3A_194 : vector<16xi32> to vector<32xbf16>
        %gather3A_196 = tpu.vector_load_idx %arg8[%broadcast_in_dim3A_4, %add3A_193] : memref<128x128xi32, #tpu.memory_space<vmem>>[vector<16xi32>, vector<16xi32>], vector<16xi32>,
        %bitcast3A_197 = vector.bitcast %gather3A_196 : vector<16xi32> to vector<32xbf16>
        %sub3A_198 = arith.subf %bitcast3A_195, %bitcast3A_197 : vector<32xbf16>
        %add3A_199 = vector.broadcast %scan3A_44 : bf16 to vector<32xbf16>
        %add3A_200 = arith.addf %sub3A_198, %add3A_199 : vector<32xbf16>
        %mul3A_201 = arith.mulf %add3A_200, %add3A_200 : vector<32xbf16>
        %add3A_202 = arith.addf %add3A_186, %mul3A_201 : vector<32xbf16>
        %add3A_203 = arith.constant 7 : i32
        %add3A_204 = vector.broadcast %add3A_203 : i32 to vector<16xi32>
        %add3A_205 = arith.addi %iota3A, %add3A_204 : vector<16xi32>
        %and3A_206 = arith.constant 15 : i32
        %and3A_207 = vector.broadcast %and3A_206 : i32 to vector<16xi32>
        %and3A_208 = arith.andi %add3A_205, %and3A_207 : vector<16xi32>
        %add3A_209 = arith.addi %scan3A_94, %and3A_208 : vector<16xi32>
        %gather3A_210 = tpu.vector_load_idx %arg7[%broadcast_in_dim3A_4, %add3A_209] : memref<128x128xi32, #tpu.memory_space<vmem>>[vector<16xi32>, vector<16xi32>], vector<16xi32>,
        %bitcast3A_211 = vector.bitcast %gather3A_210 : vector<16xi32> to vector<32xbf16>
        %gather3A_212 = tpu.vector_load_idx %arg8[%broadcast_in_dim3A_4, %add3A_209] : memref<128x128xi32, #tpu.memory_space<vmem>>[vector<16xi32>, vector<16xi32>], vector<16xi32>,
        %bitcast3A_213 = vector.bitcast %gather3A_212 : vector<16xi32> to vector<32xbf16>
        %sub3A_214 = arith.subf %bitcast3A_211, %bitcast3A_213 : vector<32xbf16>
        %add3A_215 = vector.broadcast %scan3A_44 : bf16 to vector<32xbf16>
        %add3A_216 = arith.addf %sub3A_214, %add3A_215 : vector<32xbf16>
        %mul3A_217 = arith.mulf %add3A_216, %add3A_216 : vector<32xbf16>
        %add3A_218 = arith.addf %add3A_202, %mul3A_217 : vector<32xbf16>
        %add3A_219 = arith.constant 8 : i32
        %add3A_220 = vector.broadcast %add3A_219 : i32 to vector<16xi32>
        %add3A_221 = arith.addi %iota3A, %add3A_220 : vector<16xi32>
        %and3A_222 = arith.constant 15 : i32
        %and3A_223 = vector.broadcast %and3A_222 : i32 to vector<16xi32>
        %and3A_224 = arith.andi %add3A_221, %and3A_223 : vector<16xi32>
        %add3A_225 = arith.addi %scan3A_94, %and3A_224 : vector<16xi32>
        %gather3A_226 = tpu.vector_load_idx %arg7[%broadcast_in_dim3A_4, %add3A_225] : memref<128x128xi32, #tpu.memory_space<vmem>>[vector<16xi32>, vector<16xi32>], vector<16xi32>,
        %bitcast3A_227 = vector.bitcast %gather3A_226 : vector<16xi32> to vector<32xbf16>
        %gather3A_228 = tpu.vector_load_idx %arg8[%broadcast_in_dim3A_4, %add3A_225] : memref<128x128xi32, #tpu.memory_space<vmem>>[vector<16xi32>, vector<16xi32>], vector<16xi32>,
        %bitcast3A_229 = vector.bitcast %gather3A_228 : vector<16xi32> to vector<32xbf16>
        %sub3A_230 = arith.subf %bitcast3A_227, %bitcast3A_229 : vector<32xbf16>
        %add3A_231 = vector.broadcast %scan3A_44 : bf16 to vector<32xbf16>
        %add3A_232 = arith.addf %sub3A_230, %add3A_231 : vector<32xbf16>
        %mul3A_233 = arith.mulf %add3A_232, %add3A_232 : vector<32xbf16>
        %add3A_234 = arith.addf %add3A_218, %mul3A_233 : vector<32xbf16>
        %add3A_235 = arith.constant 9 : i32
        %add3A_236 = vector.broadcast %add3A_235 : i32 to vector<16xi32>
        %add3A_237 = arith.addi %iota3A, %add3A_236 : vector<16xi32>
        %and3A_238 = arith.constant 15 : i32
        %and3A_239 = vector.broadcast %and3A_238 : i32 to vector<16xi32>
        %and3A_240 = arith.andi %add3A_237, %and3A_239 : vector<16xi32>
        %add3A_241 = arith.addi %scan3A_94, %and3A_240 : vector<16xi32>
        %gather3A_242 = tpu.vector_load_idx %arg7[%broadcast_in_dim3A_4, %add3A_241] : memref<128x128xi32, #tpu.memory_space<vmem>>[vector<16xi32>, vector<16xi32>], vector<16xi32>,
        %bitcast3A_243 = vector.bitcast %gather3A_242 : vector<16xi32> to vector<32xbf16>
        %gather3A_244 = tpu.vector_load_idx %arg8[%broadcast_in_dim3A_4, %add3A_241] : memref<128x128xi32, #tpu.memory_space<vmem>>[vector<16xi32>, vector<16xi32>], vector<16xi32>,
        %bitcast3A_245 = vector.bitcast %gather3A_244 : vector<16xi32> to vector<32xbf16>
        %sub3A_246 = arith.subf %bitcast3A_243, %bitcast3A_245 : vector<32xbf16>
        %add3A_247 = vector.broadcast %scan3A_44 : bf16 to vector<32xbf16>
        %add3A_248 = arith.addf %sub3A_246, %add3A_247 : vector<32xbf16>
        %mul3A_249 = arith.mulf %add3A_248, %add3A_248 : vector<32xbf16>
        %add3A_250 = arith.addf %add3A_234, %mul3A_249 : vector<32xbf16>
        %add3A_251 = arith.constant 10 : i32
        %add3A_252 = vector.broadcast %add3A_251 : i32 to vector<16xi32>
        %add3A_253 = arith.addi %iota3A, %add3A_252 : vector<16xi32>
        %and3A_254 = arith.constant 15 : i32
        %and3A_255 = vector.broadcast %and3A_254 : i32 to vector<16xi32>
        %and3A_256 = arith.andi %add3A_253, %and3A_255 : vector<16xi32>
        %add3A_257 = arith.addi %scan3A_94, %and3A_256 : vector<16xi32>
        %gather3A_258 = tpu.vector_load_idx %arg7[%broadcast_in_dim3A_4, %add3A_257] : memref<128x128xi32, #tpu.memory_space<vmem>>[vector<16xi32>, vector<16xi32>], vector<16xi32>,
        %bitcast3A_259 = vector.bitcast %gather3A_258 : vector<16xi32> to vector<32xbf16>
        %gather3A_260 = tpu.vector_load_idx %arg8[%broadcast_in_dim3A_4, %add3A_257] : memref<128x128xi32, #tpu.memory_space<vmem>>[vector<16xi32>, vector<16xi32>], vector<16xi32>,
        %bitcast3A_261 = vector.bitcast %gather3A_260 : vector<16xi32> to vector<32xbf16>
        %sub3A_262 = arith.subf %bitcast3A_259, %bitcast3A_261 : vector<32xbf16>
        %add3A_263 = vector.broadcast %scan3A_44 : bf16 to vector<32xbf16>
        %add3A_264 = arith.addf %sub3A_262, %add3A_263 : vector<32xbf16>
        %mul3A_265 = arith.mulf %add3A_264, %add3A_264 : vector<32xbf16>
        %add3A_266 = arith.addf %add3A_250, %mul3A_265 : vector<32xbf16>
        %add3A_267 = arith.constant 11 : i32
        %add3A_268 = vector.broadcast %add3A_267 : i32 to vector<16xi32>
        %add3A_269 = arith.addi %iota3A, %add3A_268 : vector<16xi32>
        %and3A_270 = arith.constant 15 : i32
        %and3A_271 = vector.broadcast %and3A_270 : i32 to vector<16xi32>
        %and3A_272 = arith.andi %add3A_269, %and3A_271 : vector<16xi32>
        %add3A_273 = arith.addi %scan3A_94, %and3A_272 : vector<16xi32>
        %gather3A_274 = tpu.vector_load_idx %arg7[%broadcast_in_dim3A_4, %add3A_273] : memref<128x128xi32, #tpu.memory_space<vmem>>[vector<16xi32>, vector<16xi32>], vector<16xi32>,
        %bitcast3A_275 = vector.bitcast %gather3A_274 : vector<16xi32> to vector<32xbf16>
        %gather3A_276 = tpu.vector_load_idx %arg8[%broadcast_in_dim3A_4, %add3A_273] : memref<128x128xi32, #tpu.memory_space<vmem>>[vector<16xi32>, vector<16xi32>], vector<16xi32>,
        %bitcast3A_277 = vector.bitcast %gather3A_276 : vector<16xi32> to vector<32xbf16>
        %sub3A_278 = arith.subf %bitcast3A_275, %bitcast3A_277 : vector<32xbf16>
        %add3A_279 = vector.broadcast %scan3A_44 : bf16 to vector<32xbf16>
        %add3A_280 = arith.addf %sub3A_278, %add3A_279 : vector<32xbf16>
        %mul3A_281 = arith.mulf %add3A_280, %add3A_280 : vector<32xbf16>
        %add3A_282 = arith.addf %add3A_266, %mul3A_281 : vector<32xbf16>
        %add3A_283 = arith.constant 12 : i32
        %add3A_284 = vector.broadcast %add3A_283 : i32 to vector<16xi32>
        %add3A_285 = arith.addi %iota3A, %add3A_284 : vector<16xi32>
        %and3A_286 = arith.constant 15 : i32
        %and3A_287 = vector.broadcast %and3A_286 : i32 to vector<16xi32>
        %and3A_288 = arith.andi %add3A_285, %and3A_287 : vector<16xi32>
        %add3A_289 = arith.addi %scan3A_94, %and3A_288 : vector<16xi32>
        %gather3A_290 = tpu.vector_load_idx %arg7[%broadcast_in_dim3A_4, %add3A_289] : memref<128x128xi32, #tpu.memory_space<vmem>>[vector<16xi32>, vector<16xi32>], vector<16xi32>,
        %bitcast3A_291 = vector.bitcast %gather3A_290 : vector<16xi32> to vector<32xbf16>
        %gather3A_292 = tpu.vector_load_idx %arg8[%broadcast_in_dim3A_4, %add3A_289] : memref<128x128xi32, #tpu.memory_space<vmem>>[vector<16xi32>, vector<16xi32>], vector<16xi32>,
        %bitcast3A_293 = vector.bitcast %gather3A_292 : vector<16xi32> to vector<32xbf16>
        %sub3A_294 = arith.subf %bitcast3A_291, %bitcast3A_293 : vector<32xbf16>
        %add3A_295 = vector.broadcast %scan3A_44 : bf16 to vector<32xbf16>
        %add3A_296 = arith.addf %sub3A_294, %add3A_295 : vector<32xbf16>
        %mul3A_297 = arith.mulf %add3A_296, %add3A_296 : vector<32xbf16>
        %add3A_298 = arith.addf %add3A_282, %mul3A_297 : vector<32xbf16>
        %add3A_299 = arith.constant 13 : i32
        %add3A_300 = vector.broadcast %add3A_299 : i32 to vector<16xi32>
        %add3A_301 = arith.addi %iota3A, %add3A_300 : vector<16xi32>
        %and3A_302 = arith.constant 15 : i32
        %and3A_303 = vector.broadcast %and3A_302 : i32 to vector<16xi32>
        %and3A_304 = arith.andi %add3A_301, %and3A_303 : vector<16xi32>
        %add3A_305 = arith.addi %scan3A_94, %and3A_304 : vector<16xi32>
        %gather3A_306 = tpu.vector_load_idx %arg7[%broadcast_in_dim3A_4, %add3A_305] : memref<128x128xi32, #tpu.memory_space<vmem>>[vector<16xi32>, vector<16xi32>], vector<16xi32>,
        %bitcast3A_307 = vector.bitcast %gather3A_306 : vector<16xi32> to vector<32xbf16>
        %gather3A_308 = tpu.vector_load_idx %arg8[%broadcast_in_dim3A_4, %add3A_305] : memref<128x128xi32, #tpu.memory_space<vmem>>[vector<16xi32>, vector<16xi32>], vector<16xi32>,
        %bitcast3A_309 = vector.bitcast %gather3A_308 : vector<16xi32> to vector<32xbf16>
        %sub3A_310 = arith.subf %bitcast3A_307, %bitcast3A_309 : vector<32xbf16>
        %add3A_311 = vector.broadcast %scan3A_44 : bf16 to vector<32xbf16>
        %add3A_312 = arith.addf %sub3A_310, %add3A_311 : vector<32xbf16>
        %mul3A_313 = arith.mulf %add3A_312, %add3A_312 : vector<32xbf16>
        %add3A_314 = arith.addf %add3A_298, %mul3A_313 : vector<32xbf16>
        %add3A_315 = arith.constant 14 : i32
        %add3A_316 = vector.broadcast %add3A_315 : i32 to vector<16xi32>
        %add3A_317 = arith.addi %iota3A, %add3A_316 : vector<16xi32>
        %and3A_318 = arith.constant 15 : i32
        %and3A_319 = vector.broadcast %and3A_318 : i32 to vector<16xi32>
        %and3A_320 = arith.andi %add3A_317, %and3A_319 : vector<16xi32>
        %add3A_321 = arith.addi %scan3A_94, %and3A_320 : vector<16xi32>
        %gather3A_322 = tpu.vector_load_idx %arg7[%broadcast_in_dim3A_4, %add3A_321] : memref<128x128xi32, #tpu.memory_space<vmem>>[vector<16xi32>, vector<16xi32>], vector<16xi32>,
        %bitcast3A_323 = vector.bitcast %gather3A_322 : vector<16xi32> to vector<32xbf16>
        %gather3A_324 = tpu.vector_load_idx %arg8[%broadcast_in_dim3A_4, %add3A_321] : memref<128x128xi32, #tpu.memory_space<vmem>>[vector<16xi32>, vector<16xi32>], vector<16xi32>,
        %bitcast3A_325 = vector.bitcast %gather3A_324 : vector<16xi32> to vector<32xbf16>
        %sub3A_326 = arith.subf %bitcast3A_323, %bitcast3A_325 : vector<32xbf16>
        %add3A_327 = vector.broadcast %scan3A_44 : bf16 to vector<32xbf16>
        %add3A_328 = arith.addf %sub3A_326, %add3A_327 : vector<32xbf16>
        %mul3A_329 = arith.mulf %add3A_328, %add3A_328 : vector<32xbf16>
        %add3A_330 = arith.addf %add3A_314, %mul3A_329 : vector<32xbf16>
        %add3A_331 = arith.constant 15 : i32
        %add3A_332 = vector.broadcast %add3A_331 : i32 to vector<16xi32>
        %add3A_333 = arith.addi %iota3A, %add3A_332 : vector<16xi32>
        %and3A_334 = arith.constant 15 : i32
        %and3A_335 = vector.broadcast %and3A_334 : i32 to vector<16xi32>
        %and3A_336 = arith.andi %add3A_333, %and3A_335 : vector<16xi32>
        %add3A_337 = arith.addi %scan3A_94, %and3A_336 : vector<16xi32>
        %gather3A_338 = tpu.vector_load_idx %arg7[%broadcast_in_dim3A_4, %add3A_337] : memref<128x128xi32, #tpu.memory_space<vmem>>[vector<16xi32>, vector<16xi32>], vector<16xi32>,
        %bitcast3A_339 = vector.bitcast %gather3A_338 : vector<16xi32> to vector<32xbf16>
        %gather3A_340 = tpu.vector_load_idx %arg8[%broadcast_in_dim3A_4, %add3A_337] : memref<128x128xi32, #tpu.memory_space<vmem>>[vector<16xi32>, vector<16xi32>], vector<16xi32>,
        %bitcast3A_341 = vector.bitcast %gather3A_340 : vector<16xi32> to vector<32xbf16>
        %sub3A_342 = arith.subf %bitcast3A_339, %bitcast3A_341 : vector<32xbf16>
        %add3A_343 = vector.broadcast %scan3A_44 : bf16 to vector<32xbf16>
        %add3A_344 = arith.addf %sub3A_342, %add3A_343 : vector<32xbf16>
        %mul3A_345 = arith.mulf %add3A_344, %add3A_344 : vector<32xbf16>
        %add3A_346 = arith.addf %add3A_330, %mul3A_345 : vector<32xbf16>
        %add3A_347 = arith.constant 16 : i32
        %add3A_348 = vector.broadcast %add3A_347 : i32 to vector<16xi32>
        %add3A_349 = arith.addi %scan3A_94, %add3A_348 : vector<16xi32>
        scf.yield %add3A_346, %add3A_349 : vector<32xbf16>, vector<16xi32>
      }
      %scan3A_85 = arith.constant 8 : i32
      %unpack3A = tpu.unpack_subelements %scan3A_84#0, 0 {pack_format = #tpu.pack_format<interleaved>} : vector<32xbf16> -> vector<16xf32>
      %unpack3A_86 = tpu.unpack_subelements %scan3A_84#0, 1 {pack_format = #tpu.pack_format<interleaved>} : vector<32xbf16> -> vector<16xf32>
      %add3A_87 = arith.addf %unpack3A, %unpack3A_86 : vector<16xf32>
      %mul3A_88 = arith.constant 16 : i32
      %mul3A_89 = arith.muli %scan3A_70, %mul3A_88 : i32
      %add3A_90 = arith.addi %min3A_42, %mul3A_89 : i32
      %swap3A = arith.index_cast %add3A_90 : i32 to index
      %swap3A_91 = tpu.vector_load %arg11[%swap3A] {strides = array<i32>} : memref<5000xf32, #tpu.memory_space<vmem>>, vector<16xf32>,
      tpu.vector_store %arg11[%swap3A], %add3A_87 {strides = array<i32>} : memref<5000xf32, #tpu.memory_space<vmem>>, vector<16xf32>,
    }
    %scan3A_49 = arith.constant 8 : i32
    %dma_wait3A_50 = arith.constant 0 : i32
    %dma_wait3A_51 = tpu.memref_slice %arg5[%dma_wait3A_50] : memref<5000xi32, #tpu.memory_space<vmem>> -> memref<128xi32, #tpu.memory_space<vmem>>
    %dma_wait3A_52 = arith.constant 0 : i32
    %dma_wait3A_53 = arith.constant 0 : i32
    %dma_wait3A_54 = tpu.memref_slice %arg2[%dma_wait3A_52, %dma_wait3A_53] : memref<10000x128xi32, #tpu.memory_space<hbm>> -> memref<10000x128xi32, #tpu.memory_space<hbm>>
    tpu.wait_indirect_dma semaphore(%arg14 : memref<!tpu.dma_semaphore, #tpu.memory_space<semaphore_mem>>) src(%dma_wait3A_54 : memref<10000x128xi32, #tpu.memory_space<hbm>>) dst(%arg9 : memref<128x128xi32, #tpu.memory_space<vmem>>)
    %dma_wait3A_55 = arith.constant 0 : i32
    %dma_wait3A_56 = tpu.memref_slice %arg6[%dma_wait3A_55] : memref<5000xi32, #tpu.memory_space<vmem>> -> memref<128xi32, #tpu.memory_space<vmem>>
    %dma_wait3A_57 = arith.constant 0 : i32
    %dma_wait3A_58 = arith.constant 0 : i32
    %dma_wait3A_59 = tpu.memref_slice %arg2[%dma_wait3A_57, %dma_wait3A_58] : memref<10000x128xi32, #tpu.memory_space<hbm>> -> memref<10000x128xi32, #tpu.memory_space<hbm>>
    tpu.wait_indirect_dma semaphore(%arg15 : memref<!tpu.dma_semaphore, #tpu.memory_space<semaphore_mem>>) src(%dma_wait3A_59 : memref<10000x128xi32, #tpu.memory_space<hbm>>) dst(%arg10 : memref<128x128xi32, #tpu.memory_space<vmem>>)
    %min3A_60 = arith.constant 4992 : i32
    %min3A_61 = arith.constant 4872 : i32
    %min3A_62 = arith.minsi %min3A_60, %min3A_61 : i32
    %scan3A_63 = arith.constant 0 : i32
    %scan3A_64 = arith.constant 9.983770e-07 : bf16
    %scan3A_65 = arith.constant 0 : i32
    %scan3A_66 = arith.constant 8 : i32
    %scan3A_67 = arith.addi %scan3A_65, %scan3A_66 : i32
    %scan3A_68 = arith.constant 1 : i32
    scf.for %scan3A_70 = %scan3A_65 to %scan3A_67 step %scan3A_68  : i32 {
      %mul3A_71 = arith.constant 16 : i32
      %mul3A_72 = arith.muli %scan3A_70, %mul3A_71 : i32
      %add3A_73 = vector.broadcast %mul3A_72 : i32 to vector<16xi32>
      %add3A_74 = arith.addi %iota3A, %add3A_73 : vector<16xi32>
      %mul3A_75 = arith.constant 128 : i32
      %mul3A_76 = vector.broadcast %mul3A_75 : i32 to vector<16xi32>
      %mul3A_77 = arith.muli %add3A_74, %mul3A_76 : vector<16xi32>
      %broadcast_in_dim3A_78 = arith.constant 0.000000e+00 : bf16
      %broadcast_in_dim3A_79 = vector.broadcast %broadcast_in_dim3A_78 : bf16 to vector<32xbf16>
      %scan3A_80 = arith.constant 0 : i32
      %scan3A_81 = arith.constant 8 : i32
      %scan3A_82 = arith.addi %scan3A_80, %scan3A_81 : i32
      %scan3A_83 = arith.constant 1 : i32
      %scan3A_84:2 = scf.for %scan3A_92 = %scan3A_80 to %scan3A_82 step %scan3A_83 iter_args(%scan3A_93 = %broadcast_in_dim3A_79, %scan3A_94 = %mul3A_77) -> (vector<32xbf16>, vector<16xi32>)  : i32 {
        %add3A_95 = arith.constant 0 : i32
        %add3A_96 = vector.broadcast %add3A_95 : i32 to vector<16xi32>
        %add3A_97 = arith.addi %iota3A, %add3A_96 : vector<16xi32>
        %and3A = arith.constant 15 : i32
        %and3A_98 = vector.broadcast %and3A : i32 to vector<16xi32>
        %and3A_99 = arith.andi %add3A_97, %and3A_98 : vector<16xi32>
        %add3A_100 = arith.addi %scan3A_94, %and3A_99 : vector<16xi32>
        %gather3A = tpu.vector_load_idx %arg9[%broadcast_in_dim3A_4, %add3A_100] : memref<128x128xi32, #tpu.memory_space<vmem>>[vector<16xi32>, vector<16xi32>], vector<16xi32>,
        %bitcast3A = vector.bitcast %gather3A : vector<16xi32> to vector<32xbf16>
        %gather3A_101 = tpu.vector_load_idx %arg10[%broadcast_in_dim3A_4, %add3A_100] : memref<128x128xi32, #tpu.memory_space<vmem>>[vector<16xi32>, vector<16xi32>], vector<16xi32>,
        %bitcast3A_102 = vector.bitcast %gather3A_101 : vector<16xi32> to vector<32xbf16>
        %sub3A = arith.subf %bitcast3A, %bitcast3A_102 : vector<32xbf16>
        %add3A_103 = vector.broadcast %scan3A_64 : bf16 to vector<32xbf16>
        %add3A_104 = arith.addf %sub3A, %add3A_103 : vector<32xbf16>
        %mul3A_105 = arith.mulf %add3A_104, %add3A_104 : vector<32xbf16>
        %add3A_106 = arith.addf %scan3A_93, %mul3A_105 : vector<32xbf16>
        %add3A_107 = arith.constant 1 : i32
        %add3A_108 = vector.broadcast %add3A_107 : i32 to vector<16xi32>
        %add3A_109 = arith.addi %iota3A, %add3A_108 : vector<16xi32>
        %and3A_110 = arith.constant 15 : i32
        %and3A_111 = vector.broadcast %and3A_110 : i32 to vector<16xi32>
        %and3A_112 = arith.andi %add3A_109, %and3A_111 : vector<16xi32>
        %add3A_113 = arith.addi %scan3A_94, %and3A_112 : vector<16xi32>
        %gather3A_114 = tpu.vector_load_idx %arg9[%broadcast_in_dim3A_4, %add3A_113] : memref<128x128xi32, #tpu.memory_space<vmem>>[vector<16xi32>, vector<16xi32>], vector<16xi32>,
        %bitcast3A_115 = vector.bitcast %gather3A_114 : vector<16xi32> to vector<32xbf16>
        %gather3A_116 = tpu.vector_load_idx %arg10[%broadcast_in_dim3A_4, %add3A_113] : memref<128x128xi32, #tpu.memory_space<vmem>>[vector<16xi32>, vector<16xi32>], vector<16xi32>,
        %bitcast3A_117 = vector.bitcast %gather3A_116 : vector<16xi32> to vector<32xbf16>
        %sub3A_118 = arith.subf %bitcast3A_115, %bitcast3A_117 : vector<32xbf16>
        %add3A_119 = vector.broadcast %scan3A_64 : bf16 to vector<32xbf16>
        %add3A_120 = arith.addf %sub3A_118, %add3A_119 : vector<32xbf16>
        %mul3A_121 = arith.mulf %add3A_120, %add3A_120 : vector<32xbf16>
        %add3A_122 = arith.addf %add3A_106, %mul3A_121 : vector<32xbf16>
        %add3A_123 = arith.constant 2 : i32
        %add3A_124 = vector.broadcast %add3A_123 : i32 to vector<16xi32>
        %add3A_125 = arith.addi %iota3A, %add3A_124 : vector<16xi32>
        %and3A_126 = arith.constant 15 : i32
        %and3A_127 = vector.broadcast %and3A_126 : i32 to vector<16xi32>
        %and3A_128 = arith.andi %add3A_125, %and3A_127 : vector<16xi32>
        %add3A_129 = arith.addi %scan3A_94, %and3A_128 : vector<16xi32>
        %gather3A_130 = tpu.vector_load_idx %arg9[%broadcast_in_dim3A_4, %add3A_129] : memref<128x128xi32, #tpu.memory_space<vmem>>[vector<16xi32>, vector<16xi32>], vector<16xi32>,
        %bitcast3A_131 = vector.bitcast %gather3A_130 : vector<16xi32> to vector<32xbf16>
        %gather3A_132 = tpu.vector_load_idx %arg10[%broadcast_in_dim3A_4, %add3A_129] : memref<128x128xi32, #tpu.memory_space<vmem>>[vector<16xi32>, vector<16xi32>], vector<16xi32>,
        %bitcast3A_133 = vector.bitcast %gather3A_132 : vector<16xi32> to vector<32xbf16>
        %sub3A_134 = arith.subf %bitcast3A_131, %bitcast3A_133 : vector<32xbf16>
        %add3A_135 = vector.broadcast %scan3A_64 : bf16 to vector<32xbf16>
        %add3A_136 = arith.addf %sub3A_134, %add3A_135 : vector<32xbf16>
        %mul3A_137 = arith.mulf %add3A_136, %add3A_136 : vector<32xbf16>
        %add3A_138 = arith.addf %add3A_122, %mul3A_137 : vector<32xbf16>
        %add3A_139 = arith.constant 3 : i32
        %add3A_140 = vector.broadcast %add3A_139 : i32 to vector<16xi32>
        %add3A_141 = arith.addi %iota3A, %add3A_140 : vector<16xi32>
        %and3A_142 = arith.constant 15 : i32
        %and3A_143 = vector.broadcast %and3A_142 : i32 to vector<16xi32>
        %and3A_144 = arith.andi %add3A_141, %and3A_143 : vector<16xi32>
        %add3A_145 = arith.addi %scan3A_94, %and3A_144 : vector<16xi32>
        %gather3A_146 = tpu.vector_load_idx %arg9[%broadcast_in_dim3A_4, %add3A_145] : memref<128x128xi32, #tpu.memory_space<vmem>>[vector<16xi32>, vector<16xi32>], vector<16xi32>,
        %bitcast3A_147 = vector.bitcast %gather3A_146 : vector<16xi32> to vector<32xbf16>
        %gather3A_148 = tpu.vector_load_idx %arg10[%broadcast_in_dim3A_4, %add3A_145] : memref<128x128xi32, #tpu.memory_space<vmem>>[vector<16xi32>, vector<16xi32>], vector<16xi32>,
        %bitcast3A_149 = vector.bitcast %gather3A_148 : vector<16xi32> to vector<32xbf16>
        %sub3A_150 = arith.subf %bitcast3A_147, %bitcast3A_149 : vector<32xbf16>
        %add3A_151 = vector.broadcast %scan3A_64 : bf16 to vector<32xbf16>
        %add3A_152 = arith.addf %sub3A_150, %add3A_151 : vector<32xbf16>
        %mul3A_153 = arith.mulf %add3A_152, %add3A_152 : vector<32xbf16>
        %add3A_154 = arith.addf %add3A_138, %mul3A_153 : vector<32xbf16>
        %add3A_155 = arith.constant 4 : i32
        %add3A_156 = vector.broadcast %add3A_155 : i32 to vector<16xi32>
        %add3A_157 = arith.addi %iota3A, %add3A_156 : vector<16xi32>
        %and3A_158 = arith.constant 15 : i32
        %and3A_159 = vector.broadcast %and3A_158 : i32 to vector<16xi32>
        %and3A_160 = arith.andi %add3A_157, %and3A_159 : vector<16xi32>
        %add3A_161 = arith.addi %scan3A_94, %and3A_160 : vector<16xi32>
        %gather3A_162 = tpu.vector_load_idx %arg9[%broadcast_in_dim3A_4, %add3A_161] : memref<128x128xi32, #tpu.memory_space<vmem>>[vector<16xi32>, vector<16xi32>], vector<16xi32>,
        %bitcast3A_163 = vector.bitcast %gather3A_162 : vector<16xi32> to vector<32xbf16>
        %gather3A_164 = tpu.vector_load_idx %arg10[%broadcast_in_dim3A_4, %add3A_161] : memref<128x128xi32, #tpu.memory_space<vmem>>[vector<16xi32>, vector<16xi32>], vector<16xi32>,
        %bitcast3A_165 = vector.bitcast %gather3A_164 : vector<16xi32> to vector<32xbf16>
        %sub3A_166 = arith.subf %bitcast3A_163, %bitcast3A_165 : vector<32xbf16>
        %add3A_167 = vector.broadcast %scan3A_64 : bf16 to vector<32xbf16>
        %add3A_168 = arith.addf %sub3A_166, %add3A_167 : vector<32xbf16>
        %mul3A_169 = arith.mulf %add3A_168, %add3A_168 : vector<32xbf16>
        %add3A_170 = arith.addf %add3A_154, %mul3A_169 : vector<32xbf16>
        %add3A_171 = arith.constant 5 : i32
        %add3A_172 = vector.broadcast %add3A_171 : i32 to vector<16xi32>
        %add3A_173 = arith.addi %iota3A, %add3A_172 : vector<16xi32>
        %and3A_174 = arith.constant 15 : i32
        %and3A_175 = vector.broadcast %and3A_174 : i32 to vector<16xi32>
        %and3A_176 = arith.andi %add3A_173, %and3A_175 : vector<16xi32>
        %add3A_177 = arith.addi %scan3A_94, %and3A_176 : vector<16xi32>
        %gather3A_178 = tpu.vector_load_idx %arg9[%broadcast_in_dim3A_4, %add3A_177] : memref<128x128xi32, #tpu.memory_space<vmem>>[vector<16xi32>, vector<16xi32>], vector<16xi32>,
        %bitcast3A_179 = vector.bitcast %gather3A_178 : vector<16xi32> to vector<32xbf16>
        %gather3A_180 = tpu.vector_load_idx %arg10[%broadcast_in_dim3A_4, %add3A_177] : memref<128x128xi32, #tpu.memory_space<vmem>>[vector<16xi32>, vector<16xi32>], vector<16xi32>,
        %bitcast3A_181 = vector.bitcast %gather3A_180 : vector<16xi32> to vector<32xbf16>
        %sub3A_182 = arith.subf %bitcast3A_179, %bitcast3A_181 : vector<32xbf16>
        %add3A_183 = vector.broadcast %scan3A_64 : bf16 to vector<32xbf16>
        %add3A_184 = arith.addf %sub3A_182, %add3A_183 : vector<32xbf16>
        %mul3A_185 = arith.mulf %add3A_184, %add3A_184 : vector<32xbf16>
        %add3A_186 = arith.addf %add3A_170, %mul3A_185 : vector<32xbf16>
        %add3A_187 = arith.constant 6 : i32
        %add3A_188 = vector.broadcast %add3A_187 : i32 to vector<16xi32>
        %add3A_189 = arith.addi %iota3A, %add3A_188 : vector<16xi32>
        %and3A_190 = arith.constant 15 : i32
        %and3A_191 = vector.broadcast %and3A_190 : i32 to vector<16xi32>
        %and3A_192 = arith.andi %add3A_189, %and3A_191 : vector<16xi32>
        %add3A_193 = arith.addi %scan3A_94, %and3A_192 : vector<16xi32>
        %gather3A_194 = tpu.vector_load_idx %arg9[%broadcast_in_dim3A_4, %add3A_193] : memref<128x128xi32, #tpu.memory_space<vmem>>[vector<16xi32>, vector<16xi32>], vector<16xi32>,
        %bitcast3A_195 = vector.bitcast %gather3A_194 : vector<16xi32> to vector<32xbf16>
        %gather3A_196 = tpu.vector_load_idx %arg10[%broadcast_in_dim3A_4, %add3A_193] : memref<128x128xi32, #tpu.memory_space<vmem>>[vector<16xi32>, vector<16xi32>], vector<16xi32>,
        %bitcast3A_197 = vector.bitcast %gather3A_196 : vector<16xi32> to vector<32xbf16>
        %sub3A_198 = arith.subf %bitcast3A_195, %bitcast3A_197 : vector<32xbf16>
        %add3A_199 = vector.broadcast %scan3A_64 : bf16 to vector<32xbf16>
        %add3A_200 = arith.addf %sub3A_198, %add3A_199 : vector<32xbf16>
        %mul3A_201 = arith.mulf %add3A_200, %add3A_200 : vector<32xbf16>
        %add3A_202 = arith.addf %add3A_186, %mul3A_201 : vector<32xbf16>
        %add3A_203 = arith.constant 7 : i32
        %add3A_204 = vector.broadcast %add3A_203 : i32 to vector<16xi32>
        %add3A_205 = arith.addi %iota3A, %add3A_204 : vector<16xi32>
        %and3A_206 = arith.constant 15 : i32
        %and3A_207 = vector.broadcast %and3A_206 : i32 to vector<16xi32>
        %and3A_208 = arith.andi %add3A_205, %and3A_207 : vector<16xi32>
        %add3A_209 = arith.addi %scan3A_94, %and3A_208 : vector<16xi32>
        %gather3A_210 = tpu.vector_load_idx %arg9[%broadcast_in_dim3A_4, %add3A_209] : memref<128x128xi32, #tpu.memory_space<vmem>>[vector<16xi32>, vector<16xi32>], vector<16xi32>,
        %bitcast3A_211 = vector.bitcast %gather3A_210 : vector<16xi32> to vector<32xbf16>
        %gather3A_212 = tpu.vector_load_idx %arg10[%broadcast_in_dim3A_4, %add3A_209] : memref<128x128xi32, #tpu.memory_space<vmem>>[vector<16xi32>, vector<16xi32>], vector<16xi32>,
        %bitcast3A_213 = vector.bitcast %gather3A_212 : vector<16xi32> to vector<32xbf16>
        %sub3A_214 = arith.subf %bitcast3A_211, %bitcast3A_213 : vector<32xbf16>
        %add3A_215 = vector.broadcast %scan3A_64 : bf16 to vector<32xbf16>
        %add3A_216 = arith.addf %sub3A_214, %add3A_215 : vector<32xbf16>
        %mul3A_217 = arith.mulf %add3A_216, %add3A_216 : vector<32xbf16>
        %add3A_218 = arith.addf %add3A_202, %mul3A_217 : vector<32xbf16>
        %add3A_219 = arith.constant 8 : i32
        %add3A_220 = vector.broadcast %add3A_219 : i32 to vector<16xi32>
        %add3A_221 = arith.addi %iota3A, %add3A_220 : vector<16xi32>
        %and3A_222 = arith.constant 15 : i32
        %and3A_223 = vector.broadcast %and3A_222 : i32 to vector<16xi32>
        %and3A_224 = arith.andi %add3A_221, %and3A_223 : vector<16xi32>
        %add3A_225 = arith.addi %scan3A_94, %and3A_224 : vector<16xi32>
        %gather3A_226 = tpu.vector_load_idx %arg9[%broadcast_in_dim3A_4, %add3A_225] : memref<128x128xi32, #tpu.memory_space<vmem>>[vector<16xi32>, vector<16xi32>], vector<16xi32>,
        %bitcast3A_227 = vector.bitcast %gather3A_226 : vector<16xi32> to vector<32xbf16>
        %gather3A_228 = tpu.vector_load_idx %arg10[%broadcast_in_dim3A_4, %add3A_225] : memref<128x128xi32, #tpu.memory_space<vmem>>[vector<16xi32>, vector<16xi32>], vector<16xi32>,
        %bitcast3A_229 = vector.bitcast %gather3A_228 : vector<16xi32> to vector<32xbf16>
        %sub3A_230 = arith.subf %bitcast3A_227, %bitcast3A_229 : vector<32xbf16>
        %add3A_231 = vector.broadcast %scan3A_64 : bf16 to vector<32xbf16>
        %add3A_232 = arith.addf %sub3A_230, %add3A_231 : vector<32xbf16>
        %mul3A_233 = arith.mulf %add3A_232, %add3A_232 : vector<32xbf16>
        %add3A_234 = arith.addf %add3A_218, %mul3A_233 : vector<32xbf16>
        %add3A_235 = arith.constant 9 : i32
        %add3A_236 = vector.broadcast %add3A_235 : i32 to vector<16xi32>
        %add3A_237 = arith.addi %iota3A, %add3A_236 : vector<16xi32>
        %and3A_238 = arith.constant 15 : i32
        %and3A_239 = vector.broadcast %and3A_238 : i32 to vector<16xi32>
        %and3A_240 = arith.andi %add3A_237, %and3A_239 : vector<16xi32>
        %add3A_241 = arith.addi %scan3A_94, %and3A_240 : vector<16xi32>
        %gather3A_242 = tpu.vector_load_idx %arg9[%broadcast_in_dim3A_4, %add3A_241] : memref<128x128xi32, #tpu.memory_space<vmem>>[vector<16xi32>, vector<16xi32>], vector<16xi32>,
        %bitcast3A_243 = vector.bitcast %gather3A_242 : vector<16xi32> to vector<32xbf16>
        %gather3A_244 = tpu.vector_load_idx %arg10[%broadcast_in_dim3A_4, %add3A_241] : memref<128x128xi32, #tpu.memory_space<vmem>>[vector<16xi32>, vector<16xi32>], vector<16xi32>,
        %bitcast3A_245 = vector.bitcast %gather3A_244 : vector<16xi32> to vector<32xbf16>
        %sub3A_246 = arith.subf %bitcast3A_243, %bitcast3A_245 : vector<32xbf16>
        %add3A_247 = vector.broadcast %scan3A_64 : bf16 to vector<32xbf16>
        %add3A_248 = arith.addf %sub3A_246, %add3A_247 : vector<32xbf16>
        %mul3A_249 = arith.mulf %add3A_248, %add3A_248 : vector<32xbf16>
        %add3A_250 = arith.addf %add3A_234, %mul3A_249 : vector<32xbf16>
        %add3A_251 = arith.constant 10 : i32
        %add3A_252 = vector.broadcast %add3A_251 : i32 to vector<16xi32>
        %add3A_253 = arith.addi %iota3A, %add3A_252 : vector<16xi32>
        %and3A_254 = arith.constant 15 : i32
        %and3A_255 = vector.broadcast %and3A_254 : i32 to vector<16xi32>
        %and3A_256 = arith.andi %add3A_253, %and3A_255 : vector<16xi32>
        %add3A_257 = arith.addi %scan3A_94, %and3A_256 : vector<16xi32>
        %gather3A_258 = tpu.vector_load_idx %arg9[%broadcast_in_dim3A_4, %add3A_257] : memref<128x128xi32, #tpu.memory_space<vmem>>[vector<16xi32>, vector<16xi32>], vector<16xi32>,
        %bitcast3A_259 = vector.bitcast %gather3A_258 : vector<16xi32> to vector<32xbf16>
        %gather3A_260 = tpu.vector_load_idx %arg10[%broadcast_in_dim3A_4, %add3A_257] : memref<128x128xi32, #tpu.memory_space<vmem>>[vector<16xi32>, vector<16xi32>], vector<16xi32>,
        %bitcast3A_261 = vector.bitcast %gather3A_260 : vector<16xi32> to vector<32xbf16>
        %sub3A_262 = arith.subf %bitcast3A_259, %bitcast3A_261 : vector<32xbf16>
        %add3A_263 = vector.broadcast %scan3A_64 : bf16 to vector<32xbf16>
        %add3A_264 = arith.addf %sub3A_262, %add3A_263 : vector<32xbf16>
        %mul3A_265 = arith.mulf %add3A_264, %add3A_264 : vector<32xbf16>
        %add3A_266 = arith.addf %add3A_250, %mul3A_265 : vector<32xbf16>
        %add3A_267 = arith.constant 11 : i32
        %add3A_268 = vector.broadcast %add3A_267 : i32 to vector<16xi32>
        %add3A_269 = arith.addi %iota3A, %add3A_268 : vector<16xi32>
        %and3A_270 = arith.constant 15 : i32
        %and3A_271 = vector.broadcast %and3A_270 : i32 to vector<16xi32>
        %and3A_272 = arith.andi %add3A_269, %and3A_271 : vector<16xi32>
        %add3A_273 = arith.addi %scan3A_94, %and3A_272 : vector<16xi32>
        %gather3A_274 = tpu.vector_load_idx %arg9[%broadcast_in_dim3A_4, %add3A_273] : memref<128x128xi32, #tpu.memory_space<vmem>>[vector<16xi32>, vector<16xi32>], vector<16xi32>,
        %bitcast3A_275 = vector.bitcast %gather3A_274 : vector<16xi32> to vector<32xbf16>
        %gather3A_276 = tpu.vector_load_idx %arg10[%broadcast_in_dim3A_4, %add3A_273] : memref<128x128xi32, #tpu.memory_space<vmem>>[vector<16xi32>, vector<16xi32>], vector<16xi32>,
        %bitcast3A_277 = vector.bitcast %gather3A_276 : vector<16xi32> to vector<32xbf16>
        %sub3A_278 = arith.subf %bitcast3A_275, %bitcast3A_277 : vector<32xbf16>
        %add3A_279 = vector.broadcast %scan3A_64 : bf16 to vector<32xbf16>
        %add3A_280 = arith.addf %sub3A_278, %add3A_279 : vector<32xbf16>
        %mul3A_281 = arith.mulf %add3A_280, %add3A_280 : vector<32xbf16>
        %add3A_282 = arith.addf %add3A_266, %mul3A_281 : vector<32xbf16>
        %add3A_283 = arith.constant 12 : i32
        %add3A_284 = vector.broadcast %add3A_283 : i32 to vector<16xi32>
        %add3A_285 = arith.addi %iota3A, %add3A_284 : vector<16xi32>
        %and3A_286 = arith.constant 15 : i32
        %and3A_287 = vector.broadcast %and3A_286 : i32 to vector<16xi32>
        %and3A_288 = arith.andi %add3A_285, %and3A_287 : vector<16xi32>
        %add3A_289 = arith.addi %scan3A_94, %and3A_288 : vector<16xi32>
        %gather3A_290 = tpu.vector_load_idx %arg9[%broadcast_in_dim3A_4, %add3A_289] : memref<128x128xi32, #tpu.memory_space<vmem>>[vector<16xi32>, vector<16xi32>], vector<16xi32>,
        %bitcast3A_291 = vector.bitcast %gather3A_290 : vector<16xi32> to vector<32xbf16>
        %gather3A_292 = tpu.vector_load_idx %arg10[%broadcast_in_dim3A_4, %add3A_289] : memref<128x128xi32, #tpu.memory_space<vmem>>[vector<16xi32>, vector<16xi32>], vector<16xi32>,
        %bitcast3A_293 = vector.bitcast %gather3A_292 : vector<16xi32> to vector<32xbf16>
        %sub3A_294 = arith.subf %bitcast3A_291, %bitcast3A_293 : vector<32xbf16>
        %add3A_295 = vector.broadcast %scan3A_64 : bf16 to vector<32xbf16>
        %add3A_296 = arith.addf %sub3A_294, %add3A_295 : vector<32xbf16>
        %mul3A_297 = arith.mulf %add3A_296, %add3A_296 : vector<32xbf16>
        %add3A_298 = arith.addf %add3A_282, %mul3A_297 : vector<32xbf16>
        %add3A_299 = arith.constant 13 : i32
        %add3A_300 = vector.broadcast %add3A_299 : i32 to vector<16xi32>
        %add3A_301 = arith.addi %iota3A, %add3A_300 : vector<16xi32>
        %and3A_302 = arith.constant 15 : i32
        %and3A_303 = vector.broadcast %and3A_302 : i32 to vector<16xi32>
        %and3A_304 = arith.andi %add3A_301, %and3A_303 : vector<16xi32>
        %add3A_305 = arith.addi %scan3A_94, %and3A_304 : vector<16xi32>
        %gather3A_306 = tpu.vector_load_idx %arg9[%broadcast_in_dim3A_4, %add3A_305] : memref<128x128xi32, #tpu.memory_space<vmem>>[vector<16xi32>, vector<16xi32>], vector<16xi32>,
        %bitcast3A_307 = vector.bitcast %gather3A_306 : vector<16xi32> to vector<32xbf16>
        %gather3A_308 = tpu.vector_load_idx %arg10[%broadcast_in_dim3A_4, %add3A_305] : memref<128x128xi32, #tpu.memory_space<vmem>>[vector<16xi32>, vector<16xi32>], vector<16xi32>,
        %bitcast3A_309 = vector.bitcast %gather3A_308 : vector<16xi32> to vector<32xbf16>
        %sub3A_310 = arith.subf %bitcast3A_307, %bitcast3A_309 : vector<32xbf16>
        %add3A_311 = vector.broadcast %scan3A_64 : bf16 to vector<32xbf16>
        %add3A_312 = arith.addf %sub3A_310, %add3A_311 : vector<32xbf16>
        %mul3A_313 = arith.mulf %add3A_312, %add3A_312 : vector<32xbf16>
        %add3A_314 = arith.addf %add3A_298, %mul3A_313 : vector<32xbf16>
        %add3A_315 = arith.constant 14 : i32
        %add3A_316 = vector.broadcast %add3A_315 : i32 to vector<16xi32>
        %add3A_317 = arith.addi %iota3A, %add3A_316 : vector<16xi32>
        %and3A_318 = arith.constant 15 : i32
        %and3A_319 = vector.broadcast %and3A_318 : i32 to vector<16xi32>
        %and3A_320 = arith.andi %add3A_317, %and3A_319 : vector<16xi32>
        %add3A_321 = arith.addi %scan3A_94, %and3A_320 : vector<16xi32>
        %gather3A_322 = tpu.vector_load_idx %arg9[%broadcast_in_dim3A_4, %add3A_321] : memref<128x128xi32, #tpu.memory_space<vmem>>[vector<16xi32>, vector<16xi32>], vector<16xi32>,
        %bitcast3A_323 = vector.bitcast %gather3A_322 : vector<16xi32> to vector<32xbf16>
        %gather3A_324 = tpu.vector_load_idx %arg10[%broadcast_in_dim3A_4, %add3A_321] : memref<128x128xi32, #tpu.memory_space<vmem>>[vector<16xi32>, vector<16xi32>], vector<16xi32>,
        %bitcast3A_325 = vector.bitcast %gather3A_324 : vector<16xi32> to vector<32xbf16>
        %sub3A_326 = arith.subf %bitcast3A_323, %bitcast3A_325 : vector<32xbf16>
        %add3A_327 = vector.broadcast %scan3A_64 : bf16 to vector<32xbf16>
        %add3A_328 = arith.addf %sub3A_326, %add3A_327 : vector<32xbf16>
        %mul3A_329 = arith.mulf %add3A_328, %add3A_328 : vector<32xbf16>
        %add3A_330 = arith.addf %add3A_314, %mul3A_329 : vector<32xbf16>
        %add3A_331 = arith.constant 15 : i32
        %add3A_332 = vector.broadcast %add3A_331 : i32 to vector<16xi32>
        %add3A_333 = arith.addi %iota3A, %add3A_332 : vector<16xi32>
        %and3A_334 = arith.constant 15 : i32
        %and3A_335 = vector.broadcast %and3A_334 : i32 to vector<16xi32>
        %and3A_336 = arith.andi %add3A_333, %and3A_335 : vector<16xi32>
        %add3A_337 = arith.addi %scan3A_94, %and3A_336 : vector<16xi32>
        %gather3A_338 = tpu.vector_load_idx %arg9[%broadcast_in_dim3A_4, %add3A_337] : memref<128x128xi32, #tpu.memory_space<vmem>>[vector<16xi32>, vector<16xi32>], vector<16xi32>,
        %bitcast3A_339 = vector.bitcast %gather3A_338 : vector<16xi32> to vector<32xbf16>
        %gather3A_340 = tpu.vector_load_idx %arg10[%broadcast_in_dim3A_4, %add3A_337] : memref<128x128xi32, #tpu.memory_space<vmem>>[vector<16xi32>, vector<16xi32>], vector<16xi32>,
        %bitcast3A_341 = vector.bitcast %gather3A_340 : vector<16xi32> to vector<32xbf16>
        %sub3A_342 = arith.subf %bitcast3A_339, %bitcast3A_341 : vector<32xbf16>
        %add3A_343 = vector.broadcast %scan3A_64 : bf16 to vector<32xbf16>
        %add3A_344 = arith.addf %sub3A_342, %add3A_343 : vector<32xbf16>
        %mul3A_345 = arith.mulf %add3A_344, %add3A_344 : vector<32xbf16>
        %add3A_346 = arith.addf %add3A_330, %mul3A_345 : vector<32xbf16>
        %add3A_347 = arith.constant 16 : i32
        %add3A_348 = vector.broadcast %add3A_347 : i32 to vector<16xi32>
        %add3A_349 = arith.addi %scan3A_94, %add3A_348 : vector<16xi32>
        scf.yield %add3A_346, %add3A_349 : vector<32xbf16>, vector<16xi32>
      }
      %scan3A_85 = arith.constant 8 : i32
      %unpack3A = tpu.unpack_subelements %scan3A_84#0, 0 {pack_format = #tpu.pack_format<interleaved>} : vector<32xbf16> -> vector<16xf32>
      %unpack3A_86 = tpu.unpack_subelements %scan3A_84#0, 1 {pack_format = #tpu.pack_format<interleaved>} : vector<32xbf16> -> vector<16xf32>
      %add3A_87 = arith.addf %unpack3A, %unpack3A_86 : vector<16xf32>
      %mul3A_88 = arith.constant 16 : i32
      %mul3A_89 = arith.muli %scan3A_70, %mul3A_88 : i32
      %add3A_90 = arith.addi %min3A_62, %mul3A_89 : i32
      %swap3A = arith.index_cast %add3A_90 : i32 to index
      %swap3A_91 = tpu.vector_load %arg11[%swap3A] {strides = array<i32>} : memref<5000xf32, #tpu.memory_space<vmem>>, vector<16xf32>,
      tpu.vector_store %arg11[%swap3A], %add3A_87 {strides = array<i32>} : memref<5000xf32, #tpu.memory_space<vmem>>, vector<16xf32>,
    }
    %scan3A_69 = arith.constant 8 : i32
    "tpu.region"() ({
      %run_scoped3A_70 = tpu.sem_alloc : memref<!tpu.dma_semaphore, #tpu.memory_space<semaphore_mem>>
      %dma_start3A_71 = tpu.memref_slice %arg4[%mul3A_2] : memref<160000xf32, #tpu.memory_space<hbm>> -> memref<5000xf32, #tpu.memory_space<hbm>>
      %dma_start3A_72 = tpu.memref_slice %arg4[%mul3A_2] : memref<160000xf32, #tpu.memory_space<hbm>> -> memref<5000xf32, #tpu.memory_space<hbm>>
      tpu.enqueue_dma source(%arg11 : memref<5000xf32, #tpu.memory_space<vmem>>) target(%dma_start3A_72 : memref<5000xf32, #tpu.memory_space<hbm>>) target_semaphore(%run_scoped3A_70 : memref<!tpu.dma_semaphore, #tpu.memory_space<semaphore_mem>>)
      %dma_wait3A_73 = tpu.memref_slice %arg4[%mul3A_2] : memref<160000xf32, #tpu.memory_space<hbm>> -> memref<5000xf32, #tpu.memory_space<hbm>>
      %dma_wait3A_74 = tpu.memref_slice %arg4[%mul3A_2] : memref<160000xf32, #tpu.memory_space<hbm>> -> memref<5000xf32, #tpu.memory_space<hbm>>
      tpu.wait_dma2 semaphore(%run_scoped3A_70 : memref<!tpu.dma_semaphore, #tpu.memory_space<semaphore_mem>>) src(%arg11 : memref<5000xf32, #tpu.memory_space<vmem>>) dst(%dma_wait3A_74 : memref<5000xf32, #tpu.memory_space<hbm>>)
      tpu.yield
    }) : () -> ()
    return
  }
}

module attributes {stable_mosaic.version = 14 : i64} {
  func.func @body(%arg0: memref<10000x256xf32, #tpu.memory_space<vmem>>, %arg1: memref<10000x128xi32, #tpu.memory_space<vmem>>) attributes {dimension_semantics = [], scalar_prefetch = 0 : i64, scratch_operands = 0 : i64, tpu.core_type = #tpu.core_type<tc>} {
    %get3A = arith.constant 0 : index
    %get3A_0 = arith.constant 0 : index
    %get3A_1 = vector.load %arg0[%get3A, %get3A_0] : memref<10000x256xf32, #tpu.memory_space<vmem>>, vector<10000x128xf32>
    %convert_element_type3A = arith.truncf %get3A_1 : vector<10000x128xf32> to vector<10000x128xbf16>
    %get3A_2 = arith.constant 0 : index
    %get3A_3 = arith.constant 128 : index
    %get3A_4 = vector.load %arg0[%get3A_2, %get3A_3] : memref<10000x256xf32, #tpu.memory_space<vmem>>, vector<10000x128xf32>
    %convert_element_type3A_5 = arith.truncf %get3A_4 : vector<10000x128xf32> to vector<10000x128xbf16>
    %bitcast_convert_type3A = tpu.bitcast %convert_element_type3A : vector<10000x128xbf16> -> vector<10000x128xi16>
    %convert_element_type3A_6 = arith.extui %bitcast_convert_type3A : vector<10000x128xi16> to vector<10000x128xi32>
    %bitcast_convert_type3A_7 = tpu.bitcast %convert_element_type3A_5 : vector<10000x128xbf16> -> vector<10000x128xi16>
    %convert_element_type3A_8 = arith.extui %bitcast_convert_type3A_7 : vector<10000x128xi16> to vector<10000x128xi32>
    %shift_left3A = arith.constant 16 : i32
    %shift_left3A_9 = vector.broadcast %shift_left3A : i32 to vector<10000x128xi32>
    %shift_left3A_10 = arith.shli %convert_element_type3A_8, %shift_left3A_9 : vector<10000x128xi32>
    %or3A = arith.ori %convert_element_type3A_6, %shift_left3A_10 : vector<10000x128xi32>
    %bitcast_convert_type3A_11 = tpu.bitcast %or3A : vector<10000x128xi32> -> vector<10000x128xi32>
    %swap3A = arith.constant 0 : index
    %swap3A_12 = arith.constant 0 : index
    %swap3A_13 = vector.load %arg1[%swap3A, %swap3A_12] : memref<10000x128xi32, #tpu.memory_space<vmem>>, vector<10000x128xi32>
    tpu.vector_store %arg1[%swap3A, %swap3A_12], %bitcast_convert_type3A_11 {strides = array<i32>} : memref<10000x128xi32, #tpu.memory_space<vmem>>, vector<10000x128xi32>,
    return
  }
}

module attributes {stable_mosaic.version = 14 : i64} {
  func.func @body(%arg0: memref<1250x128xf32, #tpu.memory_space<vmem>>, %arg1: memref<1250x128xf32, #tpu.memory_space<vmem>>) attributes {dimension_semantics = [], scalar_prefetch = 0 : i64, scratch_operands = 0 : i64, tpu.core_type = #tpu.core_type<tc>} {
    %get3A = arith.constant 0 : index
    %get3A_0 = arith.constant 0 : index
    %get3A_1 = vector.load %arg0[%get3A, %get3A_0] : memref<1250x128xf32, #tpu.memory_space<vmem>>, vector<1250x128xf32>
    %rsqrt3A = math.rsqrt %get3A_1 : vector<1250x128xf32>
    %reduce_max3A = vector.shape_cast %rsqrt3A : vector<1250x128xf32> to vector<1x1250x128xf32>
    %reduce_max3A_2 = arith.constant dense<0xFF800000> : vector<1xf32>
    %reduce_max3A_3 = vector.multi_reduction <maximumf>, %reduce_max3A, %reduce_max3A_2 [1, 2] : vector<1x1250x128xf32> to vector<1xf32>
    %reduce_max3A_4 = vector.shape_cast %reduce_max3A_3 : vector<1xf32> to vector<1x1x1xf32>
    %reduce_max3A_5 = vector.extract %reduce_max3A_4[0, 0, 0] : f32 from vector<1x1x1xf32>
    %sub3A = vector.broadcast %reduce_max3A_5 : f32 to vector<1250x128xf32>
    %sub3A_6 = arith.subf %rsqrt3A, %sub3A : vector<1250x128xf32>
    %exp3A = math.exp %sub3A_6 : vector<1250x128xf32>
    %swap3A = arith.constant 0 : index
    %swap3A_7 = arith.constant 0 : index
    %swap3A_8 = vector.load %arg1[%swap3A, %swap3A_7] : memref<1250x128xf32, #tpu.memory_space<vmem>>, vector<1250x128xf32>
    tpu.vector_store %arg1[%swap3A, %swap3A_7], %exp3A {strides = array<i32>} : memref<1250x128xf32, #tpu.memory_space<vmem>>, vector<1250x128xf32>,
    return
  }
}

</mosaic_0001>

<sc_bundles>
// kernel: kernel.5.cloned.1.call-start
scs
__scs_entry_jumppad:
0x0: {  	(pc) =	sbr.rel $0x88, $3  }
0x1: {  	(tag) =	ssettag $0x0;
	lr =	simm.s32 $0x1  }
0x2: {  	[smem:$0x3F9F] =	sst lr;
	_ =	strace $0xD0000000  }
0x3: {  	_ = 	snop  }
0x4: {  	_ = 	snop  }
0x5: {  	_ = 	snop  }
0x6: {  	_ = 	snop  }
0x7: {  	_ = 	snop  }
__scs_overlays_trampoline_lowered:
0x8: {  	[smem:$0x3FAE] =	sst s0  }
0x9: {  	[smem:$0x3FAF] =	sst s1  }
0xa: {  	[smem:$0x3FB0] =	sst s2  }
0xb: {  	[smem:$0x3FB1] =	sst s3  }
0xc: {  	[smem:$0x3FB2] =	sst s4  }
0xd: {  	[smem:$0x3FB3] =	sst s5  }
0xe: {  	[smem:$0x3FB4] =	sst s6  }
0xf: {  	[smem:$0x3FB5] =	sst s7  }
0x10: {  	[smem:$0x3FB6] =	sst s8  }
0x11: {  	[smem:$0x3FB7] =	sst s9;
	s0 =	simm.s32 @!p0 $0x0  }
0x12: {  	s1 =	sld [smem:$0x3F9D];
	s0 =	simm.s32 @p0 $0x1  }
0x13: {  	[smem:$0x3FB8] =	sst s0;
	s0 =	simm.s32 @!p1 $0x0  }
0x14: {  	s2 =	sld [smem:$0x3F9C];
	s0 =	simm.s32 @p1 $0x1  }
0x15: {  	[smem:$0x3FB9] =	sst s0;
	s0 =	simm.s32 @!p2 $0x0  }
0x16: {  	s3 =	sld [smem:$0x3FDB];
	s0 =	simm.s32 @p2 $0x1  }
0x17: {  	s4 =	simm.s32 $0x1BF5;
	[smem:$0x3FBB] =	sst s0  }
0x18: {  	s0 =	sld [smem:$0x3F9E];
	_ =	swait.ge [sflag:s4], $0x0  }
0x19: {  	s7 =	sld [smem:$0x3F9F]  }
0x1a: {  	s8 =	sadd.s32 $0xFFFFE003, lr  }
0x1b: {  	s9 =	sadd.s32 $0xFFFFFEF7, lr;
	s5 =	simm.s32 $0xFFFFFFFF;
	p2 =	slt.u32 s8, $0xFFFFF086  }
0x1c: {  	p1 =	slt.u32 s9, $0xF7A;
	s5 =	simm.s32 @!p2 $0x0  }
0x1d: {  	s5 =	simm.s32 @p1 $0x1;
	p0 =	seq.s32 s7, s2  }
0x1e: {  	s7 =	smul.u32 @!p0 $0xF7A, s2;
	p2 =	seq.s32 @!p0 s5, $0x0  }
0x1f: {  	s9 =	smul.u32 $0xF7A, s1;
	s8 =	simm.s32 @!p0 $0x1BF5;
	p2 =	por !p2, p0  }
0x20: {  	[sflag:s8] =	ssyncset.s32 @!p0 $0xFFFFF086;
	s6 =	sadd.s32 @!p0 s3, s7;
	s7 =	simm.s32 @!p0 $0x108  }
0x21: {  	s3 =	sadd.s32 s3, s9;
	s6 =	sadd.s32 @!p0 $0x88, s6;
	s7 =	simm.s32 @p2 $0x1082  }
0x22: {  	[simem:s7], [sflag:s8] =	dma.local @!p0 [hbm:s6], $0xF7A  }
0x23: {  	s9 =	sor.u32 $0xD0000000, s2;
	s6 =	simm.s32 $0x108;
	_ =	swait.ge @!p0 [sflag:s8], $0x0  }
0x24: {  	s3 =	sadd.s32 $0x88, s3;
	s6 =	simm.s32 @!p1 $0x1082;
	[sflag:s4] =	ssyncset.s32 $0xFFFFF086  }
0x25: {  	[simem:s6], [sflag:s4] =	dma.local [hbm:s3], $0xF7A  }
0x26: {  	[smem:$0x3F9F] =	sst s1;
	(tag) =	ssettag s2;
	_ =	strace s9  }
0x27: {  	s1 =	sld [smem:$0x3FAF]  }
0x28: {  	s2 =	sld [smem:$0x3FB0]  }
0x29: {  	s4 =	sld [smem:$0x3FB2]  }
0x2a: {  	p0 =	seq.s32 s5, $0x0;
	s5 =	sld [smem:$0x3FB3]  }
0x2b: {  	s6 =	sld [smem:$0x3FB4]  }
0x2c: {  	s7 =	sld [smem:$0x3FB5]  }
0x2d: {  	s3 =	simm.s32 $0x108;
	s8 =	sld [smem:$0x3FB6]  }
0x2e: {  	s3 =	simm.s32 @!p0 $0x1082;
	s9 =	sld [smem:$0x3FB7]  }
0x2f: {  	lr =	sadd.s32 s0, s3;
	s0 =	sld [smem:$0x3FAE]  }
0x30: {  	s3 =	sld [smem:$0x3FB1]  }
0x31: {  	[smem:$0x3FBA] =	sst s10  }
0x32: {  	s10 =	sld [smem:$0x3FB8];
	_ =	sdelay $0x3  }
0x33: {  	p0 =	seq.s32 s10, $0x1;
	s10 =	sld [smem:$0x3FBA];
	_ =	sdelay $0x3  }
0x34: {  	[smem:$0x3FBA] =	sst s10  }
0x35: {  	s10 =	sld [smem:$0x3FB9];
	_ =	sdelay $0x3  }
0x36: {  	p1 =	seq.s32 s10, $0x1;
	s10 =	sld [smem:$0x3FBA];
	_ =	sdelay $0x3  }
0x37: {  	[smem:$0x3FBA] =	sst s10  }
0x38: {  	s10 =	sld [smem:$0x3FBB]  }
0x39: {  	_ = 	snop;
	(pc) =	sbr.ind lr, $3  }
0x3a: {  	_ = 	snop  }
0x3b: {  	_ = 	snop  }
0x3c: {  	p2 =	seq.s32 s10, $0x1;
	s10 =	sld [smem:$0x3FBA]  }
0x3d: {  	_ =	shalt  }
0x3e: {  	_ =	shalt  }
0x3f: {  	_ =	shalt  }
0x40: {  	_ =	shalt  }
0x41: {  	_ =	shalt  }
0x42: {  	_ =	shalt  }
0x43: {  	_ =	shalt  }
0x44: {  	_ =	shalt  }
0x45: {  	_ =	shalt  }
0x46: {  	_ =	shalt  }
0x47: {  	_ =	shalt  }
0x48: {  	_ =	shalt  }
0x49: {  	_ =	shalt  }
0x4a: {  	_ =	shalt  }
0x4b: {  	_ =	shalt  }
0x4c: {  	_ =	shalt  }
0x4d: {  	_ =	shalt  }
0x4e: {  	_ =	shalt  }
0x4f: {  	_ =	shalt  }
0x50: {  	_ =	shalt  }
0x51: {  	_ =	shalt  }
0x52: {  	_ =	shalt  }
0x53: {  	_ =	shalt  }
0x54: {  	_ =	shalt  }
0x55: {  	_ =	shalt  }
0x56: {  	_ =	shalt  }
0x57: {  	_ =	shalt  }
0x58: {  	_ =	shalt  }
0x59: {  	_ =	shalt  }
0x5a: {  	_ =	shalt  }
0x5b: {  	_ =	shalt  }
0x5c: {  	_ =	shalt  }
0x5d: {  	_ =	shalt  }
0x5e: {  	_ =	shalt  }
0x5f: {  	_ =	shalt  }
0x60: {  	_ =	shalt  }
0x61: {  	_ =	shalt  }
0x62: {  	_ =	shalt  }
0x63: {  	_ =	shalt  }
0x64: {  	_ =	shalt  }
0x65: {  	_ =	shalt  }
0x66: {  	_ =	shalt  }
0x67: {  	_ =	shalt  }
0x68: {  	_ =	shalt  }
0x69: {  	_ =	shalt  }
0x6a: {  	_ =	shalt  }
0x6b: {  	_ =	shalt  }
0x6c: {  	_ =	shalt  }
0x6d: {  	_ =	shalt  }
0x6e: {  	_ =	shalt  }
0x6f: {  	_ =	shalt  }
0x70: {  	_ =	shalt  }
0x71: {  	_ =	shalt  }
0x72: {  	_ =	shalt  }
0x73: {  	_ =	shalt  }
0x74: {  	_ =	shalt  }
0x75: {  	_ =	shalt  }
0x76: {  	_ =	shalt  }
0x77: {  	_ =	shalt  }
0x78: {  	_ =	shalt  }
0x79: {  	_ =	shalt  }
0x7a: {  	_ =	shalt  }
0x7b: {  	_ =	shalt  }
0x7c: {  	_ =	shalt  }
0x7d: {  	_ =	shalt  }
0x7e: {  	_ =	shalt  }
0x7f: {  	_ =	shalt  }
0x80: {  	_ =	shalt  }
0x81: {  	_ =	shalt  }
0x82: {  	_ =	shalt  }
0x83: {  	_ =	shalt  }
0x84: {  	_ =	shalt  }
0x85: {  	_ =	shalt  }
0x86: {  	_ =	shalt  }
0x87: {  	_ =	shalt  }
.Lfunc_end0:
.L_simem_size_0:
called_computation_lowered:
.L_overlay_start_0:
0x88: {  	s2 =	sld [smem:$0x3FD9]  }
0x89: {  	s3 =	sld [smem:$0x3FFE];
	_ =	sdelay $0x1  }
0x8a: {  	s1 =	srdreg.scid  }
0x8b: {  	s0 =	sand.u32 $0x1, s1  }
0x8c: {  	s17 =	sshll.u32 s0, $0xA;
	s2 =	sadd.s32 s3, s2  }
0x8d: {  	s2 =	sadd.s32 s2, s17  }
0x8e: {  	[smem:$0x3FC6] =	sst s2  }
0x8f: {  	_ = 	snop  }
0x90: {  	s2 =	sld [smem:$0x3FD0];
	(tm) =	ssettm $0x1  }
0x91: {  	s18 =	sld [smem:$0x3FFB];
	_ =	sdelay $0x3  }
0x92: {  	_ =	strace s18  }
0x93: {  	s3 =	sld [smem:$0x3FFC];
	_ =	sdelay $0x3  }
0x94: {  	_ =	strace s3  }
0x95: {  	s3 =	sld [smem:$0x3FFD];
	_ =	sdelay $0x3  }
0x96: {  	_ =	strace s3  }
0x97: {  	_ =	strace $0x8FFFFFFF  }
0x98: {  	s19 =	sld [smem:$0x3FDB];
	_ =	sdelay $0x1  }
0x99: {  	s4 =	simm.s32 $_scs_section_size  }
0x9a: {  	s5 =	simm.s32 $_size__tile_overlayer_lowered;
	s6 =	simm.s32 $_tile_overlayer_lowered  }
0x9b: {  	s22 =	simm.s32 $0x1BFF;
	s21 =	sshll.u32 s6, $0x1;
	s3 =	sadd.s32 s4, s19  }
0x9c: {  	s7 =	simm.s32 $0x0;
	s20 =	sshll.u32 s5, $0x1;
	s5 =	sadd.s32 s21, s3  }
0x9d: {  	[timem:s7], [sflag:s22] =	dma.local [hbm:s5], s20  }
0x9e: {  	_ =	swait.ge [sflag:s22], s20  }
0x9f: {  	s4 =	ssub.s32 $0x0, s20;
	[sflag:s22] =	ssyncset.done $0x0  }
0xa0: {  	[sflag:s22] =	ssyncadd.s32 s4;
	_ =	sdelay $0x1  }
0xa1: {  	s23 =	simm.s32 $0x1B8B  }
0xa2: {  	_ =	swait.ge [sflag:s23], $0x1  }
0xa3: {  	[sflag:s23] =	ssyncset.done $0x0  }
0xa4: {  	s25 =	simm.s32 $0x1B8E;
	s24 =	sld [smem:$0x3FFE];
	[sflag:s23] =	ssyncadd.s32 $0xFFFFFFFF  }
0xa5: {  	s26 =	simm.s32 $execute0_lowered;
	[smem:$0x3FD2] =	sst s25  }
0xa6: {  	s5 =	sshll.u32 s26, $0x1;
	_ =	strace $0x80000046;
	[dreg:$0x1] =	wrdreg $0xFFFFFFFF  }
0xa7: {  	s28 =	simm.s32 $_size_execute0_lowered;
	s3 =	sadd.s32 s3, s5;
	[dreg:$0x0] =	wrdreg $0x0  }
0xa8: {  	s5 =	sshll.u32 s28, $0x1;
	[dreg:$0x2] =	wrdreg s3  }
0xa9: {  	[dreg:$0x3] =	wrdreg s5  }
0xaa: {  	[dreg:$0x4] =	wrdreg $0xC0  }
0xab: {  	_ =	task [dreg:s7], $0x5FFFF  }
0xac: {  	[dreg:$0x1] =	wrdreg $0xFFFFFFFF  }
0xad: {  	[dreg:$0x0] =	wrdreg $0x60  }
0xae: {  	[dreg:$0x2] =	wrdreg s24  }
0xaf: {  	[dreg:$0x3] =	wrdreg s2  }
0xb0: {  	[dreg:$0x4] =	wrdreg $0x9  }
0xb1: {  	_ =	task.clear_ibuf [dreg:s7], $0x5FFFF;
	_ =	strace $0x90000046  }
0xb2: {  	s29 =	simm.s32 $0x9;
	_ =	strace $0x80000048  }
0xb3: {  	_ =	swait.ge [sflag:s29], $0x1  }
0xb4: {  	[sflag:s29] =	ssyncadd.s32 $0xFFFFFFFF  }
0xb5: {  	_ =	strace $0x90000048  }
0xb6: {  	_ =	sfence  }
0xb7: {  	s30 =	sld [smem:$0x0];
	_ =	sdelay $0x2  }
0xb8: {  	s31 =	sshll.u32 s1, $0xD;
	s1 =	sshrl.u32 s1, $0x2  }
0xb9: {  	s3 =	sand.u32 $0x4000, s31;
	s1 =	sadd.s32 s1, s30  }
0xba: {  	s0 =	sor.u32 s3, s0;
	s1 =	sshll.u32 s1, $0x11  }
0xbb: {  	s0 =	sor.u32 s1, s0  }
0xbc: {  	s0 =	sadd.s32 $0x8F2B, s0  }
0xbd: {  	[sflag:s0] =	ssyncadd.remote.s32 $0x1  }
0xbe: {  	_ =	sfence.sel $0xFFFF  }
0xbf: {  	[dreg:$0x0] =	wrdreg $0xFFFFFFFF;
	(pc) =	sbr.abs _section_cstart, $3  }
0xc0: {  	[dreg:$0x1] =	wrdreg $0xFFFFFFFF  }
0xc1: {  	_ =	task.clear_ibuf [dreg:s7], $0x2FFFF;
	_ =	strace $0x9FFFFFFF  }
0xc2: {  	(tm) =	ssettm $0x7FFFFFFF  }
0xc3: {  	_ =	shalt  }
tec
execute0_lowered:
.L_overlay_start_1:
0x0: {  	(tag) =	ssettag $0x1  }
0x1: {  	v1 =	vimm.s32 $0xFEDCBA9;
	v0 =	vlaneseq.u32;
	v2 =	vimm.bf16 $9.9840e-07  }
0x2: {  	v4 =	vimm.s32 $0x87654321;
	v5 =	vimm.s32 $0x98765432;
	v6 =	vimm.s32 $0x210FEDCB  }
0x3: {  	v7 =	vimm.s32 $0xA9876543;
	v17 =	vimm.s32 $0xCBA98765;
	v19 =	vimm.s32 $0x6543210F  }
0x4: {  	v20 =	vimm.s32 $0xEDCBA987;
	v21 =	vimm.s32 $0xFEDCBA98;
	v22 =	vimm.s32 $0x76543210  }
0x5: {  	v3 =	vunpack.c.l.s4.s8 v1;
	v1 =	vmul.u32 $0x80, v0;
	v5 =	vunpack.c.l.s4.s8 v5  }
0x6: {  	v6 =	vunpack.c.l.s4.s8 v6;
	v19 =	vunpack.c.l.s4.s8 v19;
	v20 =	vunpack.c.l.s4.s8 v20  }
0x7: {  	v21 =	vunpack.c.l.s4.s8 v21;
	v9 =	vunpack.c.0.s8.s32 v3;
	v3 =	vunpack.c.l.s4.s8 v4  }
0x8: {  	v4 =	vimm.s32 $0x10FEDCBA;
	v12 =	vunpack.c.0.s8.s32 v5;
	v13 =	vunpack.c.0.s8.s32 v6  }
0x9: {  	v19 =	vunpack.c.0.s8.s32 v19;
	v20 =	vunpack.c.0.s8.s32 v20;
	v4 =	vunpack.c.l.s4.s8 v4  }
0xa: {  	v21 =	vunpack.c.0.s8.s32 v21;
	v10 =	vunpack.c.0.s8.s32 v3;
	v3 =	vunpack.c.l.s4.s8 v7  }
0xb: {  	v25 =	vcombine.low v20, v19;
	v11 =	vunpack.c.0.s8.s32 v4;
	v4 =	vimm.s32 $0x3210FEDC  }
0xc: {  	v21 =	vand.u32 $0xF, v21;
	v14 =	vunpack.c.0.s8.s32 v3;
	v3 =	vunpack.c.l.s4.s8 v4  }
0xd: {  	v4 =	vimm.s32 $0xBA987654;
	v5 =	vcombine.low v10, v9;
	v63 =	vcombine.low v9, v10  }
0xe: {  	v10 =	vand.u32 $0xF, v25;
	v6 =	vcombine.low v12, v11;
	v4 =	vunpack.c.l.s4.s8 v4  }
0xf: {  	s1 =	srdreg.scid;
	v12 =	vcombine.low v11, v12;
	v7 =	vcombine.low v14, v13;
	v15 =	vunpack.c.0.s8.s32 v3  }
0x10: {  	s0 =	stileid.u32;
	s4 =	rddreg [dreg:$0x0];
	v3 =	vimm.s32 $0x43210FED;
	v13 =	vcombine.low v13, v14;
	v16 =	vunpack.c.0.s8.s32 v4  }
0x11: {  	s6 =	rddreg [dreg:$0x1];
	s2 =	simm.s32 $0x0;
	s10 =	simm.s32 $0x80;
	v8 =	vunpack.c.l.s4.s8 v3;
	v4 =	vand.u32 $0xF, v6;
	v6 =	vunpack.c.l.s4.s8 v17  }
0x12: {  	s11 =	simm.s32 $0x2710;
	s12 =	simm.s32 $0x6710;
	s13 =	simm.s32 $0xA710;
	v11 =	vand.u32 $0xF, v63;
	v3 =	vand.u32 $0xF, v5;
	v12 =	vand.u32 $0xF, v12  }
0x13: {  	s14 =	simm.s32 $0x1408;
	s15 =	simm.s32 $0xE710;
	s16 =	simm.s32 $0x1;
	v5 =	vand.u32 $0xF, v7;
	v17 =	vunpack.c.0.s8.s32 v8;
	v18 =	vunpack.c.0.s8.s32 v6  }
0x14: {  	s17 =	simm.s32 $0x2;
	s18 =	simm.s32 $0x3;
	s19 =	simm.s32 $0x4;
	v6 =	vimm.s32 $0x543210FE;
	v8 =	vimm.s32 $0xDCBA9876;
	v14 =	vcombine.low v15, v16  }
0x15: {  	s20 =	simm.s32 $0x12710;
	s3 =	sand.u32 $0x1, s1;
	s30 =	sshll.u32 s0, $0x1;
	v13 =	vand.u32 $0xF, v13;
	v6 =	vunpack.c.l.s4.s8 v6;
	v8 =	vunpack.c.l.s4.s8 v8  }
0x16: {  	s21 =	simm.s32 $0x0;
	s5 =	sor.u32 s3, s30;
	s7 =	ssub.s32 $0x2, s3;
	v7 =	vcombine.low v16, v15;
	v15 =	vcombine.low v17, v18;
	v14 =	vand.u32 $0xF, v14  }
0x17: {  	[smem:$0x7FF] =	sst s2;
	s5 =	smul.u32 $0x1388, s5;
	s31 =	sshrl.u32 s7, $0x1;
	v23 =	vunpack.c.0.s8.s32 v6;
	v24 =	vunpack.c.0.s8.s32 v8;
	v8 =	vunpack.c.l.s4.s8 v22  }
0x18: {  	s1 =	rddreg [dreg:$0x2];
	_ =	strace $0x80000047;
	s7 =	ssub.s32 s7, s31;
	v6 =	vand.u32 $0xF, v7;
	v7 =	vcombine.low v18, v17;
	v17 =	vcombine.low v19, v20  }
0x19: {  	s3 =	sadd.s32 $0xA800, s4;
	s8 =	sshrl.u32 s5, $0x3;
	s7 =	smax.u32 s7, $0x1;
	v8 =	vunpack.c.0.s8.s32 v8;
	v62 =	vcombine.low v24, v23;
	v16 =	vcombine.low v23, v24  }
0x1a: {  	s9 =	sadd.s32 s8, s4;
	s6 =	sadd.s32 s6, s8;
	s8 =	simm.s32 $0x5;
	v15 =	vand.u32 $0xF, v15;
	v7 =	vand.u32 $0xF, v7;
	v17 =	vand.u32 $0xF, v17  }
0x1b: {  	s4 =	sadd.s32 $0xA00, s9;
	s5 =	sadd.s32 $0x5820, s9;
	s9 =	simm.s32 $0x1388;
	v8 =	vcombine.low v21, v8;
	v9 =	vand.u32 $0xF, v62;
	v16 =	vand.u32 $0xF, v16  }
.LBB2_1:
0x1c: {  	[tilespmem:s2], [sflag:$0x5] =	stream.linear.gather [hbm4b:s4+s2], $0x1388, $0x38;
	[tilespmem:$0x13A98] =	vst v63  }
0x1d: {  	_ =	swait.ge [sflag:s8], $0x1388  }
0x1e: {  	[sflag:s8] =	ssyncset.done $0x0  }
0x1f: {  	[sflag:s8] =	ssyncadd.s32 $0xFFFFEC78  }
0x20: {  	[tilespmem:s9], [sflag:$0x5] =	stream.linear.gather [hbm4b:s5+s2], $0x1388, $0x38;
	[tilespmem:$0x13A98] =	vst v63  }
0x21: {  	_ =	swait.ge [sflag:s8], $0x1388  }
0x22: {  	[sflag:s8] =	ssyncset.done $0x0  }
0x23: {  	[sflag:s8] =	ssyncadd.s32 $0xFFFFEC78  }
0x24: {  	[tilespmem:s11], [sflag:$0x1] =	stream.indirect.gather [hbm4b:s3+s10], $0x80, s2, s10, $0xb8;
	[tilespmem:$0x13A98] =	vst v63  }
0x25: {  	_ = 	snop  }
0x26: {  	[tilespmem:s12], [sflag:$0x2] =	stream.indirect.gather [hbm4b:s3+s10], $0x80, s9, s10, $0xb8;
	[tilespmem:$0x13A98] =	vst v63  }
0x27: {  	_ = 	snop  }
0x28: {  	[tilespmem:s13], [sflag:$0x3] =	stream.indirect.gather [hbm4b:s3+s10], $0x80, s10, s10, $0xb8;
	[tilespmem:$0x13A98] =	vst v63  }
0x29: {  	s22 =	simm.s32 $0x0  }
0x2a: {  	[tilespmem:s15], [sflag:$0x4] =	stream.indirect.gather [hbm4b:s3+s10], $0x80, s14, s10, $0xb8;
	[tilespmem:$0x13A98] =	vst v63  }
.LBB2_2:
0x2b: {  	_ =	swait.ge [sflag:s16], $0x4000  }
0x2c: {  	[sflag:s16] =	ssyncset.done $0x0  }
0x2d: {  	[sflag:s16] =	ssyncadd.s32 $0xFFFFC000  }
0x2e: {  	s23 =	sshll.u32 s22, $0x8;
	_ =	swait.ge [sflag:s17], $0x4000  }
0x2f: {  	s25 =	sadd.s32 $0x12710, s23;
	[sflag:s17] =	ssyncset.done $0x0  }
0x30: {  	s24 =	simm.s32 $0x0;
	v18 =	vmov s25;
	[sflag:s17] =	ssyncadd.s32 $0xFFFFC000  }
.LBB2_3:
0x31: {  	s25 =	sshll.u32 s24, $0x4  }
0x32: {  	v19 =	vmov s25  }
0x33: {  	v19 =	vshll.u32 v19, $0x7  }
0x34: {  	v22 =	vor.u32 v1, v19  }
0x35: {  	v19 =	vor.u32 v0, v22;
	_ =	sdelay $0x1  }
0x36: {  	v20 =	vor.u32 v3, v22;
	_ =	sdelay $0x1  }
0x37: {  	v21 =	vor.u32 v4, v22  }
0x38: {  	v23 =	vld.idx.msk [tilespmem:v19+s11+$0x0], $0xffff  }
0x39: {  	v24 =	vor.u32 v5, v22;
	v19 =	vld.idx.msk [tilespmem:v19+s12+$0x0], $0xffff  }
0x3a: {  	v25 =	vld.idx.msk [tilespmem:v20+s11+$0x0], $0xffff  }
0x3b: {  	v26 =	vor.u32 v6, v22;
	v20 =	vld.idx.msk [tilespmem:v20+s12+$0x0], $0xffff  }
0x3c: {  	v27 =	vld.idx.msk [tilespmem:v21+s11+$0x0], $0xffff  }
0x3d: {  	v28 =	vor.u32 v7, v22;
	v21 =	vld.idx.msk [tilespmem:v21+s12+$0x0], $0xffff  }
0x3e: {  	v29 =	vld.idx.msk [tilespmem:v24+s11+$0x0], $0xffff  }
0x3f: {  	v30 =	vor.u32 v9, v22;
	v24 =	vld.idx.msk [tilespmem:v24+s12+$0x0], $0xffff  }
0x40: {  	v19 =	vsub.bf16 v23, v19;
	v23 =	vld.idx.msk [tilespmem:v26+s11+$0x0], $0xffff  }
0x41: {  	v26 =	vld.idx.msk [tilespmem:v26+s12+$0x0], $0xffff  }
0x42: {  	v31 =	vor.u32 v10, v22;
	v20 =	vsub.bf16 v25, v20;
	v25 =	vld.idx.msk [tilespmem:v28+s11+$0x0], $0xffff  }
0x43: {  	v28 =	vld.idx.msk [tilespmem:v28+s12+$0x0], $0xffff;
	v19 =	vadd.bf16 v2, v19  }
0x44: {  	v32 =	vor.u32 v8, v22;
	v21 =	vsub.bf16 v27, v21;
	v27 =	vld.idx.msk [tilespmem:v30+s11+$0x0], $0xffff;
	v24 =	vsub.bf16 v29, v24  }
0x45: {  	v29 =	vld.idx.msk [tilespmem:v30+s12+$0x0], $0xffff;
	v30 =	vor.u32 v11, v22;
	v20 =	vadd.bf16 v2, v20;
	v19 =	vmul.bf16 v19, v19  }
0x46: {  	v33 =	vimm.bf16 $0.0e+00  }
0x47: {  	v60 =	vld.idx.msk [tilespmem:v31+s11+$0x0], $0xffff;
	v21 =	vadd.bf16 v2, v21;
	v20 =	vmul.bf16 v20, v20;
	v19 =	vadd.bf16 v19, v33  }
0x48: {  	v23 =	vsub.bf16 v23, v26;
	v26 =	vld.idx.msk [tilespmem:v31+s12+$0x0], $0xffff;
	v31 =	vor.u32 v12, v22;
	v25 =	vsub.bf16 v25, v28  }
0x49: {  	v28 =	vld.idx.msk [tilespmem:v32+s12+$0x0], $0xffff;
	v19 =	vadd.bf16 v20, v19;
	v20 =	vmul.bf16 v21, v21;
	v21 =	vadd.bf16 v2, v24  }
0x4a: {  	v61 =	vor.u32 v13, v22;
	v34 =	vld.idx.msk [tilespmem:v30+s11+$0x0], $0xffff  }
0x4b: {  	v24 =	vld.idx.msk [tilespmem:v32+s11+$0x0], $0xffff;
	v19 =	vadd.bf16 v20, v19;
	v20 =	vmul.bf16 v21, v21;
	v21 =	vadd.bf16 v2, v23  }
0x4c: {  	v23 =	vsub.bf16 v27, v29;
	v27 =	vld.idx.msk [tilespmem:v30+s12+$0x0], $0xffff;
	v29 =	vor.u32 v14, v22  }
0x4d: {  	v30 =	vld.idx.msk [tilespmem:v31+s12+$0x0], $0xffff;
	v19 =	vadd.bf16 v20, v19;
	v20 =	vmul.bf16 v21, v21;
	v21 =	vadd.bf16 v2, v25  }
0x4e: {  	v36 =	vor.u32 v16, v22;
	v26 =	vsub.bf16 v60, v26;
	v25 =	vld.idx.msk [tilespmem:v31+s11+$0x0], $0xffff;
	v31 =	vor.u32 v15, v22  }
0x4f: {  	v35 =	vld.idx.msk [tilespmem:v61+s11+$0x0], $0xffff;
	v19 =	vadd.bf16 v20, v19;
	v20 =	vmul.bf16 v21, v21;
	v21 =	vadd.bf16 v2, v23  }
0x50: {  	v26 =	vadd.bf16 v2, v26;
	v24 =	vsub.bf16 v24, v28;
	v28 =	vld.idx.msk [tilespmem:v61+s12+$0x0], $0xffff  }
0x51: {  	v23 =	vld.idx.msk [tilespmem:v29+s12+$0x0], $0xffff;
	v20 =	vadd.bf16 v20, v19;
	v62 =	vmul.bf16 v21, v21  }
0x52: {  	v63 =	vmul.bf16 v26, v26;
	v34 =	vsub.bf16 v34, v27;
	v27 =	vor.u32 v17, v22;
	v21 =	vld.idx.msk [tilespmem:v29+s11+$0x0], $0xffff  }
0x53: {  	v37 =	vadd.bf16 v2, v24;
	v19 =	vadd.s32 $0x10, v22;
	v22 =	vld.idx.msk [tilespmem:v36+s11+$0x0], $0xffff;
	v32 =	vadd.bf16 v62, v20  }
0x54: {  	v24 =	vor.u32 v0, v19;
	v26 =	vld.idx.msk [tilespmem:v31+s12+$0x0], $0xffff;
	v29 =	vsub.bf16 v25, v30  }
0x55: {  	v33 =	vadd.bf16 v2, v34;
	v20 =	vld.idx.msk [tilespmem:v31+s11+$0x0], $0xffff;
	v31 =	vadd.bf16 v63, v32;
	v32 =	vmul.bf16 v37, v37  }
0x56: {  	s26 =	simm.s32 $0x6;
	v25 =	vor.u32 v3, v19;
	v30 =	vsub.bf16 v35, v28;
	v28 =	vld.idx.msk [tilespmem:v36+s12+$0x0], $0xffff  }
.LBB2_4:
0x57: {  	p0 =	sne.s32 s26, $0x1;
	v31 =	vadd.bf16 v32, v31;
	v32 =	vmul.bf16 v33, v33;
	v29 =	vadd.bf16 v2, v29;
	v33 =	vld.idx.msk [tilespmem:v27+s11+$0x0], $0xffff  }
0x58: {  	v34 =	vor.u32 v4, v19;
	v21 =	vsub.bf16 v21, v23;
	v23 =	vld.idx.msk [tilespmem:v27+s12+$0x0], $0xffff  }
0x59: {  	v30 =	vadd.bf16 v2, v30;
	v27 =	vld.idx.msk [tilespmem:v24+s11+$0x0], $0xffff;
	v31 =	vadd.bf16 v32, v31;
	v29 =	vmul.bf16 v29, v29  }
0x5a: {  	v32 =	vor.u32 v5, v19;
	v20 =	vsub.bf16 v20, v26;
	v24 =	vld.idx.msk [tilespmem:v24+s12+$0x0], $0xffff  }
0x5b: {  	v21 =	vadd.bf16 v2, v21;
	v30 =	vmul.bf16 v30, v30;
	v26 =	vld.idx.msk [tilespmem:v25+s11+$0x0], $0xffff;
	v29 =	vadd.bf16 v29, v31  }
0x5c: {  	v31 =	vor.u32 v6, v19;
	v22 =	vsub.bf16 v22, v28;
	v25 =	vld.idx.msk [tilespmem:v25+s12+$0x0], $0xffff  }
0x5d: {  	v21 =	vmul.bf16 v21, v21;
	v20 =	vadd.bf16 v2, v20;
	v28 =	vld.idx.msk [tilespmem:v34+s11+$0x0], $0xffff;
	v29 =	vadd.bf16 v30, v29  }
0x5e: {  	v23 =	vsub.bf16 v33, v23;
	v30 =	vld.idx.msk [tilespmem:v34+s12+$0x0], $0xffff;
	v34 =	vor.u32 v7, v19  }
0x5f: {  	v20 =	vmul.bf16 v20, v20;
	v22 =	vadd.bf16 v2, v22;
	v33 =	vld.idx.msk [tilespmem:v32+s11+$0x0], $0xffff;
	v21 =	vadd.bf16 v21, v29  }
0x60: {  	v24 =	vsub.bf16 v27, v24;
	v29 =	vor.u32 v9, v19;
	v27 =	vld.idx.msk [tilespmem:v32+s12+$0x0], $0xffff  }
0x61: {  	v32 =	vld.idx.msk [tilespmem:v31+s11+$0x0], $0xffff;
	v20 =	vadd.bf16 v20, v21;
	v21 =	vmul.bf16 v22, v22;
	v22 =	vadd.bf16 v2, v23  }
0x62: {  	v23 =	vsub.bf16 v26, v25;
	v26 =	vor.u32 v10, v19;
	v25 =	vld.idx.msk [tilespmem:v31+s12+$0x0], $0xffff  }
0x63: {  	v24 =	vadd.bf16 v2, v24;
	v31 =	vld.idx.msk [tilespmem:v34+s11+$0x0], $0xffff;
	v20 =	vadd.bf16 v21, v20;
	v21 =	vmul.bf16 v22, v22  }
0x64: {  	v22 =	vsub.bf16 v28, v30;
	v30 =	vor.u32 v8, v19;
	v28 =	vld.idx.msk [tilespmem:v34+s12+$0x0], $0xffff  }
0x65: {  	v24 =	vmul.bf16 v24, v24;
	v23 =	vadd.bf16 v2, v23;
	v34 =	vld.idx.msk [tilespmem:v29+s11+$0x0], $0xffff;
	v20 =	vadd.bf16 v21, v20  }
0x66: {  	v21 =	vsub.bf16 v33, v27;
	v27 =	vld.idx.msk [tilespmem:v29+s12+$0x0], $0xffff;
	v29 =	vor.u32 v11, v19  }
0x67: {  	v23 =	vmul.bf16 v23, v23;
	v22 =	vadd.bf16 v2, v22;
	v20 =	vadd.bf16 v24, v20;
	v24 =	vld.idx.msk [tilespmem:v26+s11+$0x0], $0xffff  }
0x68: {  	v25 =	vsub.bf16 v32, v25;
	v32 =	vor.u32 v12, v19;
	v26 =	vld.idx.msk [tilespmem:v26+s12+$0x0], $0xffff  }
0x69: {  	v22 =	vmul.bf16 v22, v22;
	v21 =	vadd.bf16 v2, v21;
	v20 =	vadd.bf16 v23, v20;
	v23 =	vld.idx.msk [tilespmem:v30+s11+$0x0], $0xffff  }
0x6a: {  	v28 =	vsub.bf16 v31, v28;
	v31 =	vor.u32 v13, v19;
	v30 =	vld.idx.msk [tilespmem:v30+s12+$0x0], $0xffff  }
0x6b: {  	v21 =	vmul.bf16 v21, v21;
	v20 =	vadd.bf16 v22, v20;
	v22 =	vadd.bf16 v2, v25;
	v25 =	vld.idx.msk [tilespmem:v29+s11+$0x0], $0xffff  }
0x6c: {  	v33 =	vor.u32 v14, v19;
	v27 =	vsub.bf16 v34, v27;
	v29 =	vld.idx.msk [tilespmem:v29+s12+$0x0], $0xffff  }
0x6d: {  	v20 =	vadd.bf16 v21, v20;
	v21 =	vmul.bf16 v22, v22;
	v22 =	vadd.bf16 v2, v28;
	v28 =	vld.idx.msk [tilespmem:v32+s11+$0x0], $0xffff  }
0x6e: {  	v24 =	vsub.bf16 v24, v26;
	v26 =	vld.idx.msk [tilespmem:v32+s12+$0x0], $0xffff;
	v32 =	vor.u32 v15, v19  }
0x6f: {  	v20 =	vadd.bf16 v21, v20;
	v21 =	vmul.bf16 v22, v22;
	v22 =	vadd.bf16 v2, v27;
	v34 =	vld.idx.msk [tilespmem:v31+s11+$0x0], $0xffff  }
0x70: {  	v36 =	vor.u32 v16, v19;
	v30 =	vsub.bf16 v23, v30;
	v35 =	vld.idx.msk [tilespmem:v31+s12+$0x0], $0xffff  }
0x71: {  	v24 =	vadd.bf16 v2, v24;
	v20 =	vadd.bf16 v21, v20;
	v22 =	vmul.bf16 v22, v22;
	v21 =	vld.idx.msk [tilespmem:v33+s11+$0x0], $0xffff  }
.Ltmp0:
0x72: {  	v27 =	vor.u32 v17, v19;
	v19 =	vadd.s32 $0x10, v19;
	v25 =	vsub.bf16 v25, v29;
	v23 =	vld.idx.msk [tilespmem:v33+s12+$0x0], $0xffff;
	(pc) =	sbr.rel @p0 .LBB2_4-.Ltmp0, $4  }
0x73: {  	v31 =	vmul.bf16 v24, v24;
	v30 =	vadd.bf16 v2, v30;
	v22 =	vadd.bf16 v22, v20;
	v20 =	vld.idx.msk [tilespmem:v32+s11+$0x0], $0xffff  }
0x74: {  	v24 =	vor.u32 v0, v19;
	v29 =	vsub.bf16 v28, v26;
	v26 =	vld.idx.msk [tilespmem:v32+s12+$0x0], $0xffff  }
0x75: {  	v33 =	vadd.bf16 v2, v25;
	v32 =	vmul.bf16 v30, v30;
	v31 =	vadd.bf16 v31, v22;
	v22 =	vld.idx.msk [tilespmem:v36+s11+$0x0], $0xffff  }
0x76: {  	s26 =	sadd.s32 $0xFFFFFFFF, s26;
	v25 =	vor.u32 v3, v19;
	v30 =	vsub.bf16 v34, v35;
	v28 =	vld.idx.msk [tilespmem:v36+s12+$0x0], $0xffff  }
0x77: {  	_ =	sdelay $0x2  }
0x78: {  	v31 =	vadd.bf16 v32, v31;
	v57 =	vmul.bf16 v33, v33;
	v29 =	vadd.bf16 v2, v29  }
0x79: {  	v58 =	vld.idx.msk [tilespmem:v27+s11+$0x0], $0xffff;
	v34 =	vor.u32 v4, v19;
	v21 =	vsub.bf16 v21, v23  }
0x7a: {  	v59 =	vld.idx.msk [tilespmem:v27+s12+$0x0], $0xffff;
	v30 =	vadd.bf16 v2, v30;
	v60 =	vadd.bf16 v57, v31;
	v29 =	vmul.bf16 v29, v29  }
0x7b: {  	v61 =	vld.idx.msk [tilespmem:v24+s11+$0x0], $0xffff;
	v62 =	vor.u32 v5, v19;
	v20 =	vsub.bf16 v20, v26  }
0x7c: {  	v63 =	vld.idx.msk [tilespmem:v24+s12+$0x0], $0xffff;
	v21 =	vadd.bf16 v2, v21;
	v37 =	vmul.bf16 v30, v30;
	v36 =	vadd.bf16 v29, v60  }
0x7d: {  	v38 =	vld.idx.msk [tilespmem:v25+s11+$0x0], $0xffff;
	v39 =	vor.u32 v6, v19;
	v22 =	vsub.bf16 v22, v28  }
0x7e: {  	v40 =	vld.idx.msk [tilespmem:v25+s12+$0x0], $0xffff;
	v21 =	vmul.bf16 v21, v21;
	v20 =	vadd.bf16 v2, v20;
	v26 =	vadd.bf16 v37, v36  }
0x7f: {  	v42 =	vor.u32 v7, v19;
	v41 =	vld.idx.msk [tilespmem:v34+s11+$0x0], $0xffff;
	v23 =	vsub.bf16 v58, v59  }
0x80: {  	v43 =	vld.idx.msk [tilespmem:v34+s12+$0x0], $0xffff;
	v20 =	vmul.bf16 v20, v20;
	v22 =	vadd.bf16 v2, v22;
	v21 =	vadd.bf16 v21, v26  }
0x81: {  	v45 =	vor.u32 v9, v19;
	v44 =	vld.idx.msk [tilespmem:v62+s11+$0x0], $0xffff;
	v24 =	vsub.bf16 v61, v63  }
0x82: {  	v32 =	vld.idx.msk [tilespmem:v62+s12+$0x0], $0xffff;
	v47 =	vadd.bf16 v2, v23;
	v46 =	vmul.bf16 v22, v22;
	v20 =	vadd.bf16 v20, v21  }
0x83: {  	v49 =	vor.u32 v10, v19;
	v48 =	vld.idx.msk [tilespmem:v39+s11+$0x0], $0xffff;
	v25 =	vsub.bf16 v38, v40  }
0x84: {  	v30 =	vld.idx.msk [tilespmem:v39+s12+$0x0], $0xffff;
	v24 =	vadd.bf16 v2, v24;
	v50 =	vmul.bf16 v47, v47;
	v20 =	vadd.bf16 v46, v20  }
0x85: {  	v52 =	vor.u32 v8, v19;
	v51 =	vld.idx.msk [tilespmem:v42+s11+$0x0], $0xffff;
	v25 =	vadd.bf16 v2, v25  }
0x86: {  	v28 =	vld.idx.msk [tilespmem:v42+s12+$0x0], $0xffff;
	v24 =	vmul.bf16 v24, v24;
	v27 =	vsub.bf16 v41, v43;
	v20 =	vadd.bf16 v50, v20  }
0x87: {  	v54 =	vor.u32 v11, v19;
	v53 =	vld.idx.msk [tilespmem:v45+s11+$0x0], $0xffff;
	v26 =	vsub.bf16 v44, v32  }
0x88: {  	v31 =	vld.idx.msk [tilespmem:v45+s12+$0x0], $0xffff;
	v55 =	vmul.bf16 v25, v25;
	v56 =	vadd.bf16 v2, v27;
	v20 =	vadd.bf16 v24, v20  }
0x89: {  	v57 =	vld.idx.msk [tilespmem:v49+s11+$0x0], $0xffff;
	v58 =	vor.u32 v12, v19;
	v23 =	vsub.bf16 v48, v30  }
0x8a: {  	v29 =	vld.idx.msk [tilespmem:v49+s12+$0x0], $0xffff;
	v60 =	vadd.bf16 v2, v26;
	v59 =	vmul.bf16 v56, v56;
	v20 =	vadd.bf16 v55, v20  }
0x8b: {  	v61 =	vld.idx.msk [tilespmem:v52+s11+$0x0], $0xffff;
	v62 =	vor.u32 v13, v19;
	v22 =	vsub.bf16 v51, v28  }
0x8c: {  	v33 =	vld.idx.msk [tilespmem:v52+s12+$0x0], $0xffff;
	v23 =	vadd.bf16 v2, v23;
	v63 =	vmul.bf16 v60, v60;
	v20 =	vadd.bf16 v59, v20  }
0x8d: {  	v36 =	vld.idx.msk [tilespmem:v54+s11+$0x0], $0xffff;
	v37 =	vor.u32 v14, v19;
	v21 =	vsub.bf16 v53, v31  }
0x8e: {  	v32 =	vld.idx.msk [tilespmem:v54+s12+$0x0], $0xffff;
	v22 =	vadd.bf16 v2, v22;
	v23 =	vmul.bf16 v23, v23;
	v20 =	vadd.bf16 v63, v20  }
0x8f: {  	v39 =	vor.u32 v15, v19;
	v38 =	vld.idx.msk [tilespmem:v58+s11+$0x0], $0xffff;
	v27 =	vsub.bf16 v57, v29  }
0x90: {  	v30 =	vld.idx.msk [tilespmem:v58+s12+$0x0], $0xffff;
	v21 =	vadd.bf16 v2, v21;
	v22 =	vmul.bf16 v22, v22;
	v20 =	vadd.bf16 v23, v20  }
0x91: {  	v40 =	vld.idx.msk [tilespmem:v62+s11+$0x0], $0xffff;
	v41 =	vor.u32 v16, v19;
	v26 =	vsub.bf16 v61, v33  }
0x92: {  	v28 =	vld.idx.msk [tilespmem:v62+s12+$0x0], $0xffff;
	v21 =	vmul.bf16 v21, v21;
	v42 =	vadd.bf16 v2, v27;
	v20 =	vadd.bf16 v22, v20  }
0x93: {  	v19 =	vor.u32 v17, v19;
	v43 =	vld.idx.msk [tilespmem:v37+s11+$0x0], $0xffff;
	v45 =	vadd.bf16 v2, v26  }
0x94: {  	v31 =	vld.idx.msk [tilespmem:v37+s12+$0x0], $0xffff;
	v25 =	vsub.bf16 v36, v32;
	v44 =	vmul.bf16 v42, v42;
	v20 =	vadd.bf16 v21, v20  }
0x95: {  	v46 =	vld.idx.msk [tilespmem:v39+s11+$0x0], $0xffff;
	v24 =	vsub.bf16 v38, v30  }
0x96: {  	v29 =	vld.idx.msk [tilespmem:v39+s12+$0x0], $0xffff;
	v47 =	vmul.bf16 v45, v45;
	v48 =	vadd.bf16 v2, v25;
	v20 =	vadd.bf16 v44, v20  }
0x97: {  	v49 =	vld.idx.msk [tilespmem:v41+s11+$0x0], $0xffff;
	v52 =	vadd.bf16 v2, v24  }
0x98: {  	v50 =	vld.idx.msk [tilespmem:v41+s12+$0x0], $0xffff;
	v51 =	vmul.bf16 v48, v48;
	v23 =	vsub.bf16 v40, v28;
	v20 =	vadd.bf16 v47, v20  }
0x99: {  	v53 =	vld.idx.msk [tilespmem:v19+s11+$0x0], $0xffff;
	v27 =	vsub.bf16 v43, v31  }
0x9a: {  	v19 =	vld.idx.msk [tilespmem:v19+s12+$0x0], $0xffff;
	v54 =	vmul.bf16 v52, v52;
	v55 =	vadd.bf16 v2, v23;
	v20 =	vadd.bf16 v51, v20  }
0x9b: {  	v56 =	vsub.bf16 v46, v29  }
0x9c: {  	v58 =	vadd.bf16 v2, v27;
	v57 =	vmul.bf16 v55, v55;
	v20 =	vadd.bf16 v54, v20  }
0x9d: {  	v60 =	vadd.bf16 v2, v56  }
0x9e: {  	v25 =	vsub.bf16 v49, v50;
	v59 =	vmul.bf16 v58, v58;
	v20 =	vadd.bf16 v57, v20  }
0x9f: {  	v19 =	vsub.bf16 v53, v19  }
0xa0: {  	v61 =	vmul.bf16 v60, v60;
	v62 =	vadd.bf16 v2, v25;
	v20 =	vadd.bf16 v59, v20;
	_ =	sdelay $0x1  }
0xa1: {  	v19 =	vadd.bf16 v2, v19;
	v63 =	vmul.bf16 v62, v62;
	v20 =	vadd.bf16 v61, v20;
	_ =	sdelay $0x1  }
0xa2: {  	v19 =	vmul.bf16 v19, v19;
	v20 =	vadd.bf16 v63, v20  }
0xa3: {  	s24 =	sadd.s32 $0x1, s24  }
0xa4: {  	p0 =	sne.s32 s24, $0x8;
	v19 =	vadd.bf16 v19, v20  }
.Ltmp1:
0xa5: {  	_ = 	snop;
	(pc) =	sbr.rel @p0 .LBB2_3-.Ltmp1, $3  }
0xa6: {  	v20 =	vunpack.i.u.bf16.f32 v19;
	v19 =	vunpack.i.l.bf16.f32 v19  }
0xa7: {  	v19 =	vadd.f32 v19, v20;
	_ =	sdelay $0x1  }
0xa8: {  	[tilespmem:v18+s25+$0x0 ss:$0x1] =	vst.idx.msk $0xffff, v19  }
0xa9: {  	s24 =	sadd.s32 $0x100, s23  }
0xaa: {  	[tilespmem:s11], [sflag:$0x1] =	stream.indirect.gather [hbm4b:s3+s10], $0x80, s24, s10, $0xb8;
	[tilespmem:$0x13A98] =	vst v63  }
0xab: {  	s31 =	sadd.s32 $0x1488, s23  }
0xac: {  	[tilespmem:s12], [sflag:$0x2] =	stream.indirect.gather [hbm4b:s3+s10], $0x80, s31, s10, $0xb8;
	[tilespmem:$0x13A98] =	vst v63  }
0xad: {  	_ =	swait.ge [sflag:s18], $0x4000  }
0xae: {  	[sflag:s18] =	ssyncset.done $0x0  }
0xaf: {  	[sflag:s18] =	ssyncadd.s32 $0xFFFFC000  }
0xb0: {  	_ =	swait.ge [sflag:s19], $0x4000  }
0xb1: {  	s25 =	sadd.s32 $0x12790, s23;
	[sflag:s19] =	ssyncset.done $0x0  }
0xb2: {  	s24 =	simm.s32 $0x0;
	v18 =	vmov s25;
	[sflag:s19] =	ssyncadd.s32 $0xFFFFC000  }
.LBB2_7:
0xb3: {  	s25 =	sshll.u32 s24, $0x4  }
0xb4: {  	v19 =	vmov s25  }
0xb5: {  	v19 =	vshll.u32 v19, $0x7  }
0xb6: {  	v22 =	vor.u32 v1, v19  }
0xb7: {  	v19 =	vor.u32 v0, v22;
	_ =	sdelay $0x1  }
0xb8: {  	v20 =	vor.u32 v3, v22;
	_ =	sdelay $0x1  }
0xb9: {  	v21 =	vor.u32 v4, v22  }
0xba: {  	v23 =	vld.idx.msk [tilespmem:v19+s13+$0x0], $0xffff  }
0xbb: {  	v24 =	vor.u32 v5, v22;
	v19 =	vld.idx.msk [tilespmem:v19+s15+$0x0], $0xffff  }
0xbc: {  	v25 =	vld.idx.msk [tilespmem:v20+s13+$0x0], $0xffff  }
0xbd: {  	v26 =	vor.u32 v6, v22;
	v20 =	vld.idx.msk [tilespmem:v20+s15+$0x0], $0xffff  }
0xbe: {  	v27 =	vld.idx.msk [tilespmem:v21+s13+$0x0], $0xffff  }
0xbf: {  	v28 =	vor.u32 v7, v22;
	v21 =	vld.idx.msk [tilespmem:v21+s15+$0x0], $0xffff  }
0xc0: {  	v29 =	vld.idx.msk [tilespmem:v24+s13+$0x0], $0xffff  }
0xc1: {  	v30 =	vor.u32 v9, v22;
	v24 =	vld.idx.msk [tilespmem:v24+s15+$0x0], $0xffff  }
0xc2: {  	v19 =	vsub.bf16 v23, v19;
	v23 =	vld.idx.msk [tilespmem:v26+s13+$0x0], $0xffff  }
0xc3: {  	v26 =	vld.idx.msk [tilespmem:v26+s15+$0x0], $0xffff  }
0xc4: {  	v31 =	vor.u32 v10, v22;
	v20 =	vsub.bf16 v25, v20;
	v25 =	vld.idx.msk [tilespmem:v28+s13+$0x0], $0xffff  }
0xc5: {  	v28 =	vld.idx.msk [tilespmem:v28+s15+$0x0], $0xffff;
	v19 =	vadd.bf16 v2, v19  }
0xc6: {  	v32 =	vor.u32 v8, v22;
	v21 =	vsub.bf16 v27, v21;
	v27 =	vld.idx.msk [tilespmem:v30+s13+$0x0], $0xffff;
	v24 =	vsub.bf16 v29, v24  }
0xc7: {  	v29 =	vld.idx.msk [tilespmem:v30+s15+$0x0], $0xffff;
	v30 =	vor.u32 v11, v22;
	v20 =	vadd.bf16 v2, v20;
	v19 =	vmul.bf16 v19, v19  }
0xc8: {  	v33 =	vimm.bf16 $0.0e+00  }
0xc9: {  	v60 =	vld.idx.msk [tilespmem:v31+s13+$0x0], $0xffff;
	v21 =	vadd.bf16 v2, v21;
	v20 =	vmul.bf16 v20, v20;
	v19 =	vadd.bf16 v19, v33  }
0xca: {  	v23 =	vsub.bf16 v23, v26;
	v26 =	vld.idx.msk [tilespmem:v31+s15+$0x0], $0xffff;
	v31 =	vor.u32 v12, v22;
	v25 =	vsub.bf16 v25, v28  }
0xcb: {  	v28 =	vld.idx.msk [tilespmem:v32+s15+$0x0], $0xffff;
	v19 =	vadd.bf16 v20, v19;
	v20 =	vmul.bf16 v21, v21;
	v21 =	vadd.bf16 v2, v24  }
0xcc: {  	v61 =	vor.u32 v13, v22;
	v34 =	vld.idx.msk [tilespmem:v30+s13+$0x0], $0xffff  }
0xcd: {  	v24 =	vld.idx.msk [tilespmem:v32+s13+$0x0], $0xffff;
	v19 =	vadd.bf16 v20, v19;
	v20 =	vmul.bf16 v21, v21;
	v21 =	vadd.bf16 v2, v23  }
0xce: {  	v23 =	vsub.bf16 v27, v29;
	v27 =	vld.idx.msk [tilespmem:v30+s15+$0x0], $0xffff;
	v29 =	vor.u32 v14, v22  }
0xcf: {  	v30 =	vld.idx.msk [tilespmem:v31+s15+$0x0], $0xffff;
	v19 =	vadd.bf16 v20, v19;
	v20 =	vmul.bf16 v21, v21;
	v21 =	vadd.bf16 v2, v25  }
0xd0: {  	v36 =	vor.u32 v16, v22;
	v26 =	vsub.bf16 v60, v26;
	v25 =	vld.idx.msk [tilespmem:v31+s13+$0x0], $0xffff;
	v31 =	vor.u32 v15, v22  }
0xd1: {  	v35 =	vld.idx.msk [tilespmem:v61+s13+$0x0], $0xffff;
	v19 =	vadd.bf16 v20, v19;
	v20 =	vmul.bf16 v21, v21;
	v21 =	vadd.bf16 v2, v23  }
0xd2: {  	v26 =	vadd.bf16 v2, v26;
	v24 =	vsub.bf16 v24, v28;
	v28 =	vld.idx.msk [tilespmem:v61+s15+$0x0], $0xffff  }
0xd3: {  	v23 =	vld.idx.msk [tilespmem:v29+s15+$0x0], $0xffff;
	v20 =	vadd.bf16 v20, v19;
	v62 =	vmul.bf16 v21, v21  }
0xd4: {  	v63 =	vmul.bf16 v26, v26;
	v34 =	vsub.bf16 v34, v27;
	v27 =	vor.u32 v17, v22;
	v21 =	vld.idx.msk [tilespmem:v29+s13+$0x0], $0xffff  }
0xd5: {  	v37 =	vadd.bf16 v2, v24;
	v19 =	vadd.s32 $0x10, v22;
	v22 =	vld.idx.msk [tilespmem:v36+s13+$0x0], $0xffff;
	v32 =	vadd.bf16 v62, v20  }
0xd6: {  	v24 =	vor.u32 v0, v19;
	v26 =	vld.idx.msk [tilespmem:v31+s15+$0x0], $0xffff;
	v29 =	vsub.bf16 v25, v30  }
0xd7: {  	v33 =	vadd.bf16 v2, v34;
	v20 =	vld.idx.msk [tilespmem:v31+s13+$0x0], $0xffff;
	v31 =	vadd.bf16 v63, v32;
	v32 =	vmul.bf16 v37, v37  }
0xd8: {  	s26 =	simm.s32 $0x6;
	v25 =	vor.u32 v3, v19;
	v30 =	vsub.bf16 v35, v28;
	v28 =	vld.idx.msk [tilespmem:v36+s15+$0x0], $0xffff  }
.LBB2_8:
0xd9: {  	p0 =	sne.s32 s26, $0x1;
	v31 =	vadd.bf16 v32, v31;
	v32 =	vmul.bf16 v33, v33;
	v29 =	vadd.bf16 v2, v29;
	v33 =	vld.idx.msk [tilespmem:v27+s13+$0x0], $0xffff  }
0xda: {  	v34 =	vor.u32 v4, v19;
	v21 =	vsub.bf16 v21, v23;
	v23 =	vld.idx.msk [tilespmem:v27+s15+$0x0], $0xffff  }
0xdb: {  	v30 =	vadd.bf16 v2, v30;
	v27 =	vld.idx.msk [tilespmem:v24+s13+$0x0], $0xffff;
	v31 =	vadd.bf16 v32, v31;
	v29 =	vmul.bf16 v29, v29  }
0xdc: {  	v32 =	vor.u32 v5, v19;
	v20 =	vsub.bf16 v20, v26;
	v24 =	vld.idx.msk [tilespmem:v24+s15+$0x0], $0xffff  }
0xdd: {  	v21 =	vadd.bf16 v2, v21;
	v30 =	vmul.bf16 v30, v30;
	v26 =	vld.idx.msk [tilespmem:v25+s13+$0x0], $0xffff;
	v29 =	vadd.bf16 v29, v31  }
0xde: {  	v31 =	vor.u32 v6, v19;
	v22 =	vsub.bf16 v22, v28;
	v25 =	vld.idx.msk [tilespmem:v25+s15+$0x0], $0xffff  }
0xdf: {  	v21 =	vmul.bf16 v21, v21;
	v20 =	vadd.bf16 v2, v20;
	v28 =	vld.idx.msk [tilespmem:v34+s13+$0x0], $0xffff;
	v29 =	vadd.bf16 v30, v29  }
0xe0: {  	v23 =	vsub.bf16 v33, v23;
	v30 =	vld.idx.msk [tilespmem:v34+s15+$0x0], $0xffff;
	v34 =	vor.u32 v7, v19  }
0xe1: {  	v20 =	vmul.bf16 v20, v20;
	v22 =	vadd.bf16 v2, v22;
	v33 =	vld.idx.msk [tilespmem:v32+s13+$0x0], $0xffff;
	v21 =	vadd.bf16 v21, v29  }
0xe2: {  	v24 =	vsub.bf16 v27, v24;
	v29 =	vor.u32 v9, v19;
	v27 =	vld.idx.msk [tilespmem:v32+s15+$0x0], $0xffff  }
0xe3: {  	v32 =	vld.idx.msk [tilespmem:v31+s13+$0x0], $0xffff;
	v20 =	vadd.bf16 v20, v21;
	v21 =	vmul.bf16 v22, v22;
	v22 =	vadd.bf16 v2, v23  }
0xe4: {  	v23 =	vsub.bf16 v26, v25;
	v26 =	vor.u32 v10, v19;
	v25 =	vld.idx.msk [tilespmem:v31+s15+$0x0], $0xffff  }
0xe5: {  	v24 =	vadd.bf16 v2, v24;
	v31 =	vld.idx.msk [tilespmem:v34+s13+$0x0], $0xffff;
	v20 =	vadd.bf16 v21, v20;
	v21 =	vmul.bf16 v22, v22  }
0xe6: {  	v22 =	vsub.bf16 v28, v30;
	v30 =	vor.u32 v8, v19;
	v28 =	vld.idx.msk [tilespmem:v34+s15+$0x0], $0xffff  }
0xe7: {  	v24 =	vmul.bf16 v24, v24;
	v23 =	vadd.bf16 v2, v23;
	v34 =	vld.idx.msk [tilespmem:v29+s13+$0x0], $0xffff;
	v20 =	vadd.bf16 v21, v20  }
0xe8: {  	v21 =	vsub.bf16 v33, v27;
	v27 =	vld.idx.msk [tilespmem:v29+s15+$0x0], $0xffff;
	v29 =	vor.u32 v11, v19  }
0xe9: {  	v23 =	vmul.bf16 v23, v23;
	v22 =	vadd.bf16 v2, v22;
	v20 =	vadd.bf16 v24, v20;
	v24 =	vld.idx.msk [tilespmem:v26+s13+$0x0], $0xffff  }
0xea: {  	v25 =	vsub.bf16 v32, v25;
	v32 =	vor.u32 v12, v19;
	v26 =	vld.idx.msk [tilespmem:v26+s15+$0x0], $0xffff  }
0xeb: {  	v22 =	vmul.bf16 v22, v22;
	v21 =	vadd.bf16 v2, v21;
	v20 =	vadd.bf16 v23, v20;
	v23 =	vld.idx.msk [tilespmem:v30+s13+$0x0], $0xffff  }
0xec: {  	v28 =	vsub.bf16 v31, v28;
	v31 =	vor.u32 v13, v19;
	v30 =	vld.idx.msk [tilespmem:v30+s15+$0x0], $0xffff  }
0xed: {  	v21 =	vmul.bf16 v21, v21;
	v20 =	vadd.bf16 v22, v20;
	v22 =	vadd.bf16 v2, v25;
	v25 =	vld.idx.msk [tilespmem:v29+s13+$0x0], $0xffff  }
0xee: {  	v33 =	vor.u32 v14, v19;
	v27 =	vsub.bf16 v34, v27;
	v29 =	vld.idx.msk [tilespmem:v29+s15+$0x0], $0xffff  }
0xef: {  	v20 =	vadd.bf16 v21, v20;
	v21 =	vmul.bf16 v22, v22;
	v22 =	vadd.bf16 v2, v28;
	v28 =	vld.idx.msk [tilespmem:v32+s13+$0x0], $0xffff  }
0xf0: {  	v24 =	vsub.bf16 v24, v26;
	v26 =	vld.idx.msk [tilespmem:v32+s15+$0x0], $0xffff;
	v32 =	vor.u32 v15, v19  }
0xf1: {  	v20 =	vadd.bf16 v21, v20;
	v21 =	vmul.bf16 v22, v22;
	v22 =	vadd.bf16 v2, v27;
	v34 =	vld.idx.msk [tilespmem:v31+s13+$0x0], $0xffff  }
0xf2: {  	v36 =	vor.u32 v16, v19;
	v30 =	vsub.bf16 v23, v30;
	v35 =	vld.idx.msk [tilespmem:v31+s15+$0x0], $0xffff  }
0xf3: {  	v24 =	vadd.bf16 v2, v24;
	v20 =	vadd.bf16 v21, v20;
	v22 =	vmul.bf16 v22, v22;
	v21 =	vld.idx.msk [tilespmem:v33+s13+$0x0], $0xffff  }
.Ltmp2:
0xf4: {  	v27 =	vor.u32 v17, v19;
	v19 =	vadd.s32 $0x10, v19;
	v25 =	vsub.bf16 v25, v29;
	v23 =	vld.idx.msk [tilespmem:v33+s15+$0x0], $0xffff;
	(pc) =	sbr.rel @p0 .LBB2_8-.Ltmp2, $4  }
0xf5: {  	v31 =	vmul.bf16 v24, v24;
	v30 =	vadd.bf16 v2, v30;
	v22 =	vadd.bf16 v22, v20;
	v20 =	vld.idx.msk [tilespmem:v32+s13+$0x0], $0xffff  }
0xf6: {  	v24 =	vor.u32 v0, v19;
	v29 =	vsub.bf16 v28, v26;
	v26 =	vld.idx.msk [tilespmem:v32+s15+$0x0], $0xffff  }
0xf7: {  	v33 =	vadd.bf16 v2, v25;
	v32 =	vmul.bf16 v30, v30;
	v31 =	vadd.bf16 v31, v22;
	v22 =	vld.idx.msk [tilespmem:v36+s13+$0x0], $0xffff  }
0xf8: {  	s26 =	sadd.s32 $0xFFFFFFFF, s26;
	v25 =	vor.u32 v3, v19;
	v30 =	vsub.bf16 v34, v35;
	v28 =	vld.idx.msk [tilespmem:v36+s15+$0x0], $0xffff  }
0xf9: {  	_ =	sdelay $0x2  }
0xfa: {  	v31 =	vadd.bf16 v32, v31;
	v57 =	vmul.bf16 v33, v33;
	v29 =	vadd.bf16 v2, v29  }
0xfb: {  	v58 =	vld.idx.msk [tilespmem:v27+s13+$0x0], $0xffff;
	v34 =	vor.u32 v4, v19;
	v21 =	vsub.bf16 v21, v23  }
0xfc: {  	v59 =	vld.idx.msk [tilespmem:v27+s15+$0x0], $0xffff;
	v30 =	vadd.bf16 v2, v30;
	v60 =	vadd.bf16 v57, v31;
	v29 =	vmul.bf16 v29, v29  }
0xfd: {  	v61 =	vld.idx.msk [tilespmem:v24+s13+$0x0], $0xffff;
	v62 =	vor.u32 v5, v19;
	v20 =	vsub.bf16 v20, v26  }
0xfe: {  	v63 =	vld.idx.msk [tilespmem:v24+s15+$0x0], $0xffff;
	v21 =	vadd.bf16 v2, v21;
	v37 =	vmul.bf16 v30, v30;
	v36 =	vadd.bf16 v29, v60  }
0xff: {  	v38 =	vld.idx.msk [tilespmem:v25+s13+$0x0], $0xffff;
	v39 =	vor.u32 v6, v19;
	v22 =	vsub.bf16 v22, v28  }
0x100: {  	v40 =	vld.idx.msk [tilespmem:v25+s15+$0x0], $0xffff;
	v21 =	vmul.bf16 v21, v21;
	v20 =	vadd.bf16 v2, v20;
	v26 =	vadd.bf16 v37, v36  }
0x101: {  	v42 =	vor.u32 v7, v19;
	v41 =	vld.idx.msk [tilespmem:v34+s13+$0x0], $0xffff;
	v23 =	vsub.bf16 v58, v59  }
0x102: {  	v43 =	vld.idx.msk [tilespmem:v34+s15+$0x0], $0xffff;
	v20 =	vmul.bf16 v20, v20;
	v22 =	vadd.bf16 v2, v22;
	v21 =	vadd.bf16 v21, v26  }
0x103: {  	v45 =	vor.u32 v9, v19;
	v44 =	vld.idx.msk [tilespmem:v62+s13+$0x0], $0xffff;
	v24 =	vsub.bf16 v61, v63  }
0x104: {  	v32 =	vld.idx.msk [tilespmem:v62+s15+$0x0], $0xffff;
	v47 =	vadd.bf16 v2, v23;
	v46 =	vmul.bf16 v22, v22;
	v20 =	vadd.bf16 v20, v21  }
0x105: {  	v49 =	vor.u32 v10, v19;
	v48 =	vld.idx.msk [tilespmem:v39+s13+$0x0], $0xffff;
	v25 =	vsub.bf16 v38, v40  }
0x106: {  	v30 =	vld.idx.msk [tilespmem:v39+s15+$0x0], $0xffff;
	v24 =	vadd.bf16 v2, v24;
	v50 =	vmul.bf16 v47, v47;
	v20 =	vadd.bf16 v46, v20  }
0x107: {  	v52 =	vor.u32 v8, v19;
	v51 =	vld.idx.msk [tilespmem:v42+s13+$0x0], $0xffff;
	v25 =	vadd.bf16 v2, v25  }
0x108: {  	v28 =	vld.idx.msk [tilespmem:v42+s15+$0x0], $0xffff;
	v24 =	vmul.bf16 v24, v24;
	v27 =	vsub.bf16 v41, v43;
	v20 =	vadd.bf16 v50, v20  }
0x109: {  	v54 =	vor.u32 v11, v19;
	v53 =	vld.idx.msk [tilespmem:v45+s13+$0x0], $0xffff;
	v26 =	vsub.bf16 v44, v32  }
0x10a: {  	v31 =	vld.idx.msk [tilespmem:v45+s15+$0x0], $0xffff;
	v55 =	vmul.bf16 v25, v25;
	v56 =	vadd.bf16 v2, v27;
	v20 =	vadd.bf16 v24, v20  }
0x10b: {  	v57 =	vld.idx.msk [tilespmem:v49+s13+$0x0], $0xffff;
	v58 =	vor.u32 v12, v19;
	v23 =	vsub.bf16 v48, v30  }
0x10c: {  	v29 =	vld.idx.msk [tilespmem:v49+s15+$0x0], $0xffff;
	v60 =	vadd.bf16 v2, v26;
	v59 =	vmul.bf16 v56, v56;
	v20 =	vadd.bf16 v55, v20  }
0x10d: {  	v61 =	vld.idx.msk [tilespmem:v52+s13+$0x0], $0xffff;
	v62 =	vor.u32 v13, v19;
	v22 =	vsub.bf16 v51, v28  }
0x10e: {  	v33 =	vld.idx.msk [tilespmem:v52+s15+$0x0], $0xffff;
	v23 =	vadd.bf16 v2, v23;
	v63 =	vmul.bf16 v60, v60;
	v20 =	vadd.bf16 v59, v20  }
0x10f: {  	v36 =	vld.idx.msk [tilespmem:v54+s13+$0x0], $0xffff;
	v37 =	vor.u32 v14, v19;
	v21 =	vsub.bf16 v53, v31  }
0x110: {  	v32 =	vld.idx.msk [tilespmem:v54+s15+$0x0], $0xffff;
	v22 =	vadd.bf16 v2, v22;
	v23 =	vmul.bf16 v23, v23;
	v20 =	vadd.bf16 v63, v20  }
0x111: {  	v39 =	vor.u32 v15, v19;
	v38 =	vld.idx.msk [tilespmem:v58+s13+$0x0], $0xffff;
	v27 =	vsub.bf16 v57, v29  }
0x112: {  	v30 =	vld.idx.msk [tilespmem:v58+s15+$0x0], $0xffff;
	v21 =	vadd.bf16 v2, v21;
	v22 =	vmul.bf16 v22, v22;
	v20 =	vadd.bf16 v23, v20  }
0x113: {  	v40 =	vld.idx.msk [tilespmem:v62+s13+$0x0], $0xffff;
	v41 =	vor.u32 v16, v19;
	v26 =	vsub.bf16 v61, v33  }
0x114: {  	v28 =	vld.idx.msk [tilespmem:v62+s15+$0x0], $0xffff;
	v21 =	vmul.bf16 v21, v21;
	v42 =	vadd.bf16 v2, v27;
	v20 =	vadd.bf16 v22, v20  }
0x115: {  	v19 =	vor.u32 v17, v19;
	v43 =	vld.idx.msk [tilespmem:v37+s13+$0x0], $0xffff;
	v45 =	vadd.bf16 v2, v26  }
0x116: {  	v31 =	vld.idx.msk [tilespmem:v37+s15+$0x0], $0xffff;
	v25 =	vsub.bf16 v36, v32;
	v44 =	vmul.bf16 v42, v42;
	v20 =	vadd.bf16 v21, v20  }
0x117: {  	v46 =	vld.idx.msk [tilespmem:v39+s13+$0x0], $0xffff;
	v24 =	vsub.bf16 v38, v30  }
0x118: {  	v29 =	vld.idx.msk [tilespmem:v39+s15+$0x0], $0xffff;
	v47 =	vmul.bf16 v45, v45;
	v48 =	vadd.bf16 v2, v25;
	v20 =	vadd.bf16 v44, v20  }
0x119: {  	v49 =	vld.idx.msk [tilespmem:v41+s13+$0x0], $0xffff;
	v52 =	vadd.bf16 v2, v24  }
0x11a: {  	v50 =	vld.idx.msk [tilespmem:v41+s15+$0x0], $0xffff;
	v51 =	vmul.bf16 v48, v48;
	v23 =	vsub.bf16 v40, v28;
	v20 =	vadd.bf16 v47, v20  }
0x11b: {  	v53 =	vld.idx.msk [tilespmem:v19+s13+$0x0], $0xffff;
	v27 =	vsub.bf16 v43, v31  }
0x11c: {  	v19 =	vld.idx.msk [tilespmem:v19+s15+$0x0], $0xffff;
	v54 =	vmul.bf16 v52, v52;
	v55 =	vadd.bf16 v2, v23;
	v20 =	vadd.bf16 v51, v20  }
0x11d: {  	v56 =	vsub.bf16 v46, v29  }
0x11e: {  	v58 =	vadd.bf16 v2, v27;
	v57 =	vmul.bf16 v55, v55;
	v20 =	vadd.bf16 v54, v20  }
0x11f: {  	v60 =	vadd.bf16 v2, v56  }
0x120: {  	v25 =	vsub.bf16 v49, v50;
	v59 =	vmul.bf16 v58, v58;
	v20 =	vadd.bf16 v57, v20  }
0x121: {  	v19 =	vsub.bf16 v53, v19  }
0x122: {  	v61 =	vmul.bf16 v60, v60;
	v62 =	vadd.bf16 v2, v25;
	v20 =	vadd.bf16 v59, v20;
	_ =	sdelay $0x1  }
0x123: {  	v19 =	vadd.bf16 v2, v19;
	v63 =	vmul.bf16 v62, v62;
	v20 =	vadd.bf16 v61, v20;
	_ =	sdelay $0x1  }
0x124: {  	v19 =	vmul.bf16 v19, v19;
	v20 =	vadd.bf16 v63, v20  }
0x125: {  	s24 =	sadd.s32 $0x1, s24  }
0x126: {  	p0 =	sne.s32 s24, $0x8;
	v19 =	vadd.bf16 v19, v20  }
.Ltmp3:
0x127: {  	_ = 	snop;
	(pc) =	sbr.rel @p0 .LBB2_7-.Ltmp3, $3  }
0x128: {  	v20 =	vunpack.i.u.bf16.f32 v19;
	v19 =	vunpack.i.l.bf16.f32 v19  }
0x129: {  	v19 =	vadd.f32 v19, v20;
	_ =	sdelay $0x1  }
0x12a: {  	[tilespmem:v18+s25+$0x0 ss:$0x1] =	vst.idx.msk $0xffff, v19  }
0x12b: {  	s22 =	sadd.s32 $0x1, s22  }
0x12c: {  	p0 =	sne.s32 s22, $0x13  }
.Ltmp4:
0x12d: {  	s23 =	smin.u32 s23, $0x1188;
	(pc) =	sbr.rel @p0 .LBB2_2-.Ltmp4, $4  }
0x12e: {  	s24 =	sadd.s32 $0x180, s23  }
0x12f: {  	[tilespmem:s13], [sflag:$0x3] =	stream.indirect.gather [hbm4b:s3+s10], $0x80, s24, s10, $0xb8;
	[tilespmem:$0x13A98] =	vst v63  }
0x130: {  	s23 =	sadd.s32 $0x1508, s23  }
0x131: {  	[tilespmem:s15], [sflag:$0x4] =	stream.indirect.gather [hbm4b:s3+s10], $0x80, s23, s10, $0xb8;
	[tilespmem:$0x13A98] =	vst v63  }
0x132: {  	_ =	swait.ge [sflag:s16], $0x4000  }
0x133: {  	[sflag:s16] =	ssyncset.done $0x0  }
0x134: {  	[sflag:s16] =	ssyncadd.s32 $0xFFFFC000  }
0x135: {  	_ =	swait.ge [sflag:s17], $0x4000  }
0x136: {  	[sflag:s17] =	ssyncset.done $0x0  }
0x137: {  	s22 =	simm.s32 $0x0;
	[sflag:s17] =	ssyncadd.s32 $0xFFFFC000  }
.LBB2_12:
0x138: {  	s23 =	sshll.u32 s22, $0x4  }
0x139: {  	v18 =	vmov s23  }
0x13a: {  	v18 =	vshll.u32 v18, $0x7  }
0x13b: {  	v21 =	vor.u32 v1, v18  }
0x13c: {  	v18 =	vor.u32 v0, v21;
	_ =	sdelay $0x1  }
0x13d: {  	v19 =	vor.u32 v3, v21;
	_ =	sdelay $0x1  }
0x13e: {  	v20 =	vor.u32 v4, v21  }
0x13f: {  	v22 =	vld.idx.msk [tilespmem:v18+s11+$0x0], $0xffff  }
0x140: {  	v23 =	vor.u32 v5, v21;
	v18 =	vld.idx.msk [tilespmem:v18+s12+$0x0], $0xffff  }
0x141: {  	v24 =	vld.idx.msk [tilespmem:v19+s11+$0x0], $0xffff  }
0x142: {  	v25 =	vor.u32 v6, v21;
	v19 =	vld.idx.msk [tilespmem:v19+s12+$0x0], $0xffff  }
0x143: {  	v26 =	vld.idx.msk [tilespmem:v20+s11+$0x0], $0xffff  }
0x144: {  	v27 =	vor.u32 v7, v21;
	v20 =	vld.idx.msk [tilespmem:v20+s12+$0x0], $0xffff  }
0x145: {  	v28 =	vld.idx.msk [tilespmem:v23+s11+$0x0], $0xffff  }
0x146: {  	v23 =	vld.idx.msk [tilespmem:v23+s12+$0x0], $0xffff  }
0x147: {  	v29 =	vor.u32 v9, v21;
	v18 =	vsub.bf16 v22, v18;
	v22 =	vld.idx.msk [tilespmem:v25+s11+$0x0], $0xffff  }
0x148: {  	v25 =	vld.idx.msk [tilespmem:v25+s12+$0x0], $0xffff  }
0x149: {  	v30 =	vor.u32 v10, v21;
	v19 =	vsub.bf16 v24, v19;
	v24 =	vld.idx.msk [tilespmem:v27+s11+$0x0], $0xffff  }
0x14a: {  	v27 =	vld.idx.msk [tilespmem:v27+s12+$0x0], $0xffff;
	v18 =	vadd.bf16 v2, v18  }
0x14b: {  	v31 =	vor.u32 v8, v21  }
0x14c: {  	v20 =	vsub.bf16 v26, v20;
	v26 =	vld.idx.msk [tilespmem:v29+s11+$0x0], $0xffff;
	v19 =	vadd.bf16 v2, v19;
	v18 =	vmul.bf16 v18, v18  }
0x14d: {  	v32 =	vimm.bf16 $0.0e+00;
	v23 =	vsub.bf16 v28, v23;
	v28 =	vld.idx.msk [tilespmem:v29+s12+$0x0], $0xffff;
	v29 =	vor.u32 v11, v21  }
0x14e: {  	v62 =	vld.idx.msk [tilespmem:v30+s11+$0x0], $0xffff;
	v20 =	vadd.bf16 v2, v20;
	v19 =	vmul.bf16 v19, v19;
	v18 =	vadd.bf16 v18, v32  }
0x14f: {  	v22 =	vsub.bf16 v22, v25;
	v25 =	vld.idx.msk [tilespmem:v30+s12+$0x0], $0xffff;
	v30 =	vor.u32 v12, v21;
	v24 =	vsub.bf16 v24, v27  }
0x150: {  	v27 =	vld.idx.msk [tilespmem:v31+s12+$0x0], $0xffff;
	v18 =	vadd.bf16 v19, v18;
	v19 =	vmul.bf16 v20, v20;
	v20 =	vadd.bf16 v2, v23  }
0x151: {  	v23 =	vld.idx.msk [tilespmem:v31+s11+$0x0], $0xffff;
	v31 =	vor.u32 v13, v21  }
0x152: {  	v33 =	vld.idx.msk [tilespmem:v29+s11+$0x0], $0xffff;
	v18 =	vadd.bf16 v19, v18;
	v19 =	vmul.bf16 v20, v20;
	v20 =	vadd.bf16 v2, v22  }
0x153: {  	v22 =	vsub.bf16 v26, v28;
	v26 =	vld.idx.msk [tilespmem:v29+s12+$0x0], $0xffff;
	v28 =	vor.u32 v14, v21  }
0x154: {  	v29 =	vld.idx.msk [tilespmem:v30+s12+$0x0], $0xffff;
	v18 =	vadd.bf16 v19, v18;
	v19 =	vmul.bf16 v20, v20;
	v20 =	vadd.bf16 v2, v24  }
0x155: {  	v35 =	vor.u32 v16, v21;
	v25 =	vsub.bf16 v62, v25;
	v24 =	vld.idx.msk [tilespmem:v30+s11+$0x0], $0xffff;
	v30 =	vor.u32 v15, v21  }
0x156: {  	v34 =	vld.idx.msk [tilespmem:v31+s11+$0x0], $0xffff;
	v18 =	vadd.bf16 v19, v18;
	v19 =	vmul.bf16 v20, v20;
	v20 =	vadd.bf16 v2, v22  }
0x157: {  	v25 =	vadd.bf16 v2, v25;
	v23 =	vsub.bf16 v23, v27;
	v27 =	vld.idx.msk [tilespmem:v31+s12+$0x0], $0xffff  }
0x158: {  	v22 =	vld.idx.msk [tilespmem:v28+s12+$0x0], $0xffff;
	v19 =	vadd.bf16 v19, v18;
	v31 =	vmul.bf16 v20, v20  }
0x159: {  	v63 =	vmul.bf16 v25, v25;
	v33 =	vsub.bf16 v33, v26;
	v26 =	vor.u32 v17, v21;
	v20 =	vld.idx.msk [tilespmem:v28+s11+$0x0], $0xffff  }
0x15a: {  	v36 =	vadd.bf16 v2, v23;
	v18 =	vadd.s32 $0x10, v21;
	v21 =	vld.idx.msk [tilespmem:v35+s11+$0x0], $0xffff;
	v31 =	vadd.bf16 v31, v19  }
0x15b: {  	v23 =	vor.u32 v0, v18;
	v25 =	vld.idx.msk [tilespmem:v30+s12+$0x0], $0xffff;
	v28 =	vsub.bf16 v24, v29  }
0x15c: {  	v32 =	vadd.bf16 v2, v33;
	v19 =	vld.idx.msk [tilespmem:v30+s11+$0x0], $0xffff;
	v30 =	vadd.bf16 v63, v31;
	v31 =	vmul.bf16 v36, v36  }
0x15d: {  	s24 =	simm.s32 $0x6;
	v24 =	vor.u32 v3, v18;
	v29 =	vsub.bf16 v34, v27;
	v27 =	vld.idx.msk [tilespmem:v35+s12+$0x0], $0xffff  }
.LBB2_13:
0x15e: {  	p0 =	sne.s32 s24, $0x1;
	v30 =	vadd.bf16 v31, v30;
	v31 =	vmul.bf16 v32, v32;
	v28 =	vadd.bf16 v2, v28;
	v32 =	vld.idx.msk [tilespmem:v26+s11+$0x0], $0xffff  }
0x15f: {  	v33 =	vor.u32 v4, v18;
	v20 =	vsub.bf16 v20, v22;
	v22 =	vld.idx.msk [tilespmem:v26+s12+$0x0], $0xffff  }
0x160: {  	v29 =	vadd.bf16 v2, v29;
	v26 =	vld.idx.msk [tilespmem:v23+s11+$0x0], $0xffff;
	v30 =	vadd.bf16 v31, v30;
	v28 =	vmul.bf16 v28, v28  }
0x161: {  	v31 =	vor.u32 v5, v18;
	v19 =	vsub.bf16 v19, v25;
	v23 =	vld.idx.msk [tilespmem:v23+s12+$0x0], $0xffff  }
0x162: {  	v20 =	vadd.bf16 v2, v20;
	v29 =	vmul.bf16 v29, v29;
	v25 =	vld.idx.msk [tilespmem:v24+s11+$0x0], $0xffff;
	v28 =	vadd.bf16 v28, v30  }
0x163: {  	v30 =	vor.u32 v6, v18;
	v21 =	vsub.bf16 v21, v27;
	v24 =	vld.idx.msk [tilespmem:v24+s12+$0x0], $0xffff  }
0x164: {  	v20 =	vmul.bf16 v20, v20;
	v19 =	vadd.bf16 v2, v19;
	v27 =	vld.idx.msk [tilespmem:v33+s11+$0x0], $0xffff;
	v28 =	vadd.bf16 v29, v28  }
0x165: {  	v22 =	vsub.bf16 v32, v22;
	v29 =	vld.idx.msk [tilespmem:v33+s12+$0x0], $0xffff;
	v33 =	vor.u32 v7, v18  }
0x166: {  	v19 =	vmul.bf16 v19, v19;
	v21 =	vadd.bf16 v2, v21;
	v32 =	vld.idx.msk [tilespmem:v31+s11+$0x0], $0xffff;
	v20 =	vadd.bf16 v20, v28  }
0x167: {  	v23 =	vsub.bf16 v26, v23;
	v28 =	vor.u32 v9, v18;
	v26 =	vld.idx.msk [tilespmem:v31+s12+$0x0], $0xffff  }
0x168: {  	v31 =	vld.idx.msk [tilespmem:v30+s11+$0x0], $0xffff;
	v19 =	vadd.bf16 v19, v20;
	v20 =	vmul.bf16 v21, v21;
	v21 =	vadd.bf16 v2, v22  }
0x169: {  	v22 =	vsub.bf16 v25, v24;
	v25 =	vor.u32 v10, v18;
	v24 =	vld.idx.msk [tilespmem:v30+s12+$0x0], $0xffff  }
0x16a: {  	v23 =	vadd.bf16 v2, v23;
	v30 =	vld.idx.msk [tilespmem:v33+s11+$0x0], $0xffff;
	v19 =	vadd.bf16 v20, v19;
	v20 =	vmul.bf16 v21, v21  }
0x16b: {  	v21 =	vsub.bf16 v27, v29;
	v29 =	vor.u32 v8, v18;
	v27 =	vld.idx.msk [tilespmem:v33+s12+$0x0], $0xffff  }
0x16c: {  	v23 =	vmul.bf16 v23, v23;
	v22 =	vadd.bf16 v2, v22;
	v33 =	vld.idx.msk [tilespmem:v28+s11+$0x0], $0xffff;
	v19 =	vadd.bf16 v20, v19  }
0x16d: {  	v20 =	vsub.bf16 v32, v26;
	v26 =	vld.idx.msk [tilespmem:v28+s12+$0x0], $0xffff;
	v28 =	vor.u32 v11, v18  }
0x16e: {  	v22 =	vmul.bf16 v22, v22;
	v21 =	vadd.bf16 v2, v21;
	v19 =	vadd.bf16 v23, v19;
	v23 =	vld.idx.msk [tilespmem:v25+s11+$0x0], $0xffff  }
0x16f: {  	v24 =	vsub.bf16 v31, v24;
	v31 =	vor.u32 v12, v18;
	v25 =	vld.idx.msk [tilespmem:v25+s12+$0x0], $0xffff  }
0x170: {  	v21 =	vmul.bf16 v21, v21;
	v20 =	vadd.bf16 v2, v20;
	v19 =	vadd.bf16 v22, v19;
	v22 =	vld.idx.msk [tilespmem:v29+s11+$0x0], $0xffff  }
0x171: {  	v27 =	vsub.bf16 v30, v27;
	v30 =	vor.u32 v13, v18;
	v29 =	vld.idx.msk [tilespmem:v29+s12+$0x0], $0xffff  }
0x172: {  	v20 =	vmul.bf16 v20, v20;
	v19 =	vadd.bf16 v21, v19;
	v21 =	vadd.bf16 v2, v24;
	v24 =	vld.idx.msk [tilespmem:v28+s11+$0x0], $0xffff  }
0x173: {  	v32 =	vor.u32 v14, v18;
	v26 =	vsub.bf16 v33, v26;
	v28 =	vld.idx.msk [tilespmem:v28+s12+$0x0], $0xffff  }
0x174: {  	v19 =	vadd.bf16 v20, v19;
	v20 =	vmul.bf16 v21, v21;
	v21 =	vadd.bf16 v2, v27;
	v27 =	vld.idx.msk [tilespmem:v31+s11+$0x0], $0xffff  }
0x175: {  	v23 =	vsub.bf16 v23, v25;
	v25 =	vld.idx.msk [tilespmem:v31+s12+$0x0], $0xffff;
	v31 =	vor.u32 v15, v18  }
0x176: {  	v19 =	vadd.bf16 v20, v19;
	v20 =	vmul.bf16 v21, v21;
	v21 =	vadd.bf16 v2, v26;
	v33 =	vld.idx.msk [tilespmem:v30+s11+$0x0], $0xffff  }
0x177: {  	v35 =	vor.u32 v16, v18;
	v29 =	vsub.bf16 v22, v29;
	v34 =	vld.idx.msk [tilespmem:v30+s12+$0x0], $0xffff  }
0x178: {  	v23 =	vadd.bf16 v2, v23;
	v19 =	vadd.bf16 v20, v19;
	v21 =	vmul.bf16 v21, v21;
	v20 =	vld.idx.msk [tilespmem:v32+s11+$0x0], $0xffff  }
.Ltmp5:
0x179: {  	v26 =	vor.u32 v17, v18;
	v18 =	vadd.s32 $0x10, v18;
	v24 =	vsub.bf16 v24, v28;
	v22 =	vld.idx.msk [tilespmem:v32+s12+$0x0], $0xffff;
	(pc) =	sbr.rel @p0 .LBB2_13-.Ltmp5, $4  }
0x17a: {  	v30 =	vmul.bf16 v23, v23;
	v29 =	vadd.bf16 v2, v29;
	v21 =	vadd.bf16 v21, v19;
	v19 =	vld.idx.msk [tilespmem:v31+s11+$0x0], $0xffff  }
0x17b: {  	v23 =	vor.u32 v0, v18;
	v28 =	vsub.bf16 v27, v25;
	v25 =	vld.idx.msk [tilespmem:v31+s12+$0x0], $0xffff  }
0x17c: {  	v32 =	vadd.bf16 v2, v24;
	v31 =	vmul.bf16 v29, v29;
	v30 =	vadd.bf16 v30, v21;
	v21 =	vld.idx.msk [tilespmem:v35+s11+$0x0], $0xffff  }
0x17d: {  	s24 =	sadd.s32 $0xFFFFFFFF, s24;
	v24 =	vor.u32 v3, v18;
	v29 =	vsub.bf16 v33, v34;
	v27 =	vld.idx.msk [tilespmem:v35+s12+$0x0], $0xffff  }
0x17e: {  	_ =	sdelay $0x2  }
0x17f: {  	v30 =	vadd.bf16 v31, v30;
	v58 =	vmul.bf16 v32, v32;
	v28 =	vadd.bf16 v2, v28  }
0x180: {  	v59 =	vld.idx.msk [tilespmem:v26+s11+$0x0], $0xffff;
	v33 =	vor.u32 v4, v18;
	v20 =	vsub.bf16 v20, v22  }
0x181: {  	v60 =	vld.idx.msk [tilespmem:v26+s12+$0x0], $0xffff;
	v29 =	vadd.bf16 v2, v29;
	v61 =	vadd.bf16 v58, v30;
	v28 =	vmul.bf16 v28, v28  }
0x182: {  	v62 =	vld.idx.msk [tilespmem:v23+s11+$0x0], $0xffff;
	v63 =	vor.u32 v5, v18;
	v19 =	vsub.bf16 v19, v25  }
0x183: {  	v36 =	vld.idx.msk [tilespmem:v23+s12+$0x0], $0xffff;
	v20 =	vadd.bf16 v2, v20;
	v38 =	vmul.bf16 v29, v29;
	v37 =	vadd.bf16 v28, v61  }
0x184: {  	v39 =	vld.idx.msk [tilespmem:v24+s11+$0x0], $0xffff;
	v40 =	vor.u32 v6, v18;
	v21 =	vsub.bf16 v21, v27  }
0x185: {  	v41 =	vld.idx.msk [tilespmem:v24+s12+$0x0], $0xffff;
	v20 =	vmul.bf16 v20, v20;
	v19 =	vadd.bf16 v2, v19;
	v25 =	vadd.bf16 v38, v37  }
0x186: {  	v43 =	vor.u32 v7, v18;
	v42 =	vld.idx.msk [tilespmem:v33+s11+$0x0], $0xffff;
	v22 =	vsub.bf16 v59, v60  }
0x187: {  	v44 =	vld.idx.msk [tilespmem:v33+s12+$0x0], $0xffff;
	v19 =	vmul.bf16 v19, v19;
	v21 =	vadd.bf16 v2, v21;
	v20 =	vadd.bf16 v20, v25  }
0x188: {  	v46 =	vor.u32 v9, v18;
	v45 =	vld.idx.msk [tilespmem:v63+s11+$0x0], $0xffff;
	v23 =	vsub.bf16 v62, v36  }
0x189: {  	v31 =	vld.idx.msk [tilespmem:v63+s12+$0x0], $0xffff;
	v48 =	vadd.bf16 v2, v22;
	v47 =	vmul.bf16 v21, v21;
	v19 =	vadd.bf16 v19, v20  }
0x18a: {  	v50 =	vor.u32 v10, v18;
	v49 =	vld.idx.msk [tilespmem:v40+s11+$0x0], $0xffff;
	v24 =	vsub.bf16 v39, v41  }
0x18b: {  	v29 =	vld.idx.msk [tilespmem:v40+s12+$0x0], $0xffff;
	v23 =	vadd.bf16 v2, v23;
	v51 =	vmul.bf16 v48, v48;
	v19 =	vadd.bf16 v47, v19  }
0x18c: {  	v53 =	vor.u32 v8, v18;
	v52 =	vld.idx.msk [tilespmem:v43+s11+$0x0], $0xffff;
	v24 =	vadd.bf16 v2, v24  }
0x18d: {  	v27 =	vld.idx.msk [tilespmem:v43+s12+$0x0], $0xffff;
	v23 =	vmul.bf16 v23, v23;
	v26 =	vsub.bf16 v42, v44;
	v19 =	vadd.bf16 v51, v19  }
0x18e: {  	v55 =	vor.u32 v11, v18;
	v54 =	vld.idx.msk [tilespmem:v46+s11+$0x0], $0xffff;
	v25 =	vsub.bf16 v45, v31  }
0x18f: {  	v30 =	vld.idx.msk [tilespmem:v46+s12+$0x0], $0xffff;
	v56 =	vmul.bf16 v24, v24;
	v57 =	vadd.bf16 v2, v26;
	v19 =	vadd.bf16 v23, v19  }
0x190: {  	v58 =	vld.idx.msk [tilespmem:v50+s11+$0x0], $0xffff;
	v59 =	vor.u32 v12, v18;
	v22 =	vsub.bf16 v49, v29  }
0x191: {  	v28 =	vld.idx.msk [tilespmem:v50+s12+$0x0], $0xffff;
	v61 =	vadd.bf16 v2, v25;
	v60 =	vmul.bf16 v57, v57;
	v19 =	vadd.bf16 v56, v19  }
0x192: {  	v62 =	vld.idx.msk [tilespmem:v53+s11+$0x0], $0xffff;
	v63 =	vor.u32 v13, v18;
	v21 =	vsub.bf16 v52, v27  }
0x193: {  	v32 =	vld.idx.msk [tilespmem:v53+s12+$0x0], $0xffff;
	v22 =	vadd.bf16 v2, v22;
	v35 =	vmul.bf16 v61, v61;
	v19 =	vadd.bf16 v60, v19  }
0x194: {  	v36 =	vld.idx.msk [tilespmem:v55+s11+$0x0], $0xffff;
	v37 =	vor.u32 v14, v18;
	v20 =	vsub.bf16 v54, v30  }
0x195: {  	v31 =	vld.idx.msk [tilespmem:v55+s12+$0x0], $0xffff;
	v21 =	vadd.bf16 v2, v21;
	v22 =	vmul.bf16 v22, v22;
	v19 =	vadd.bf16 v35, v19  }
0x196: {  	v39 =	vor.u32 v15, v18;
	v38 =	vld.idx.msk [tilespmem:v59+s11+$0x0], $0xffff;
	v26 =	vsub.bf16 v58, v28  }
0x197: {  	v29 =	vld.idx.msk [tilespmem:v59+s12+$0x0], $0xffff;
	v20 =	vadd.bf16 v2, v20;
	v21 =	vmul.bf16 v21, v21;
	v19 =	vadd.bf16 v22, v19  }
0x198: {  	v41 =	vor.u32 v16, v18;
	v40 =	vld.idx.msk [tilespmem:v63+s11+$0x0], $0xffff;
	v25 =	vsub.bf16 v62, v32  }
0x199: {  	v27 =	vld.idx.msk [tilespmem:v63+s12+$0x0], $0xffff;
	v20 =	vmul.bf16 v20, v20;
	v42 =	vadd.bf16 v2, v26;
	v19 =	vadd.bf16 v21, v19  }
0x19a: {  	v18 =	vor.u32 v17, v18;
	v43 =	vld.idx.msk [tilespmem:v37+s11+$0x0], $0xffff;
	v45 =	vadd.bf16 v2, v25  }
0x19b: {  	v30 =	vld.idx.msk [tilespmem:v37+s12+$0x0], $0xffff;
	v24 =	vsub.bf16 v36, v31;
	v44 =	vmul.bf16 v42, v42;
	v19 =	vadd.bf16 v20, v19  }
0x19c: {  	v46 =	vld.idx.msk [tilespmem:v39+s11+$0x0], $0xffff;
	v23 =	vsub.bf16 v38, v29  }
0x19d: {  	v28 =	vld.idx.msk [tilespmem:v39+s12+$0x0], $0xffff;
	v47 =	vmul.bf16 v45, v45;
	v48 =	vadd.bf16 v2, v24;
	v19 =	vadd.bf16 v44, v19  }
0x19e: {  	v49 =	vld.idx.msk [tilespmem:v41+s11+$0x0], $0xffff;
	v52 =	vadd.bf16 v2, v23  }
0x19f: {  	v50 =	vld.idx.msk [tilespmem:v41+s12+$0x0], $0xffff;
	v51 =	vmul.bf16 v48, v48;
	v22 =	vsub.bf16 v40, v27;
	v19 =	vadd.bf16 v47, v19  }
0x1a0: {  	v53 =	vld.idx.msk [tilespmem:v18+s11+$0x0], $0xffff;
	v26 =	vsub.bf16 v43, v30  }
0x1a1: {  	v18 =	vld.idx.msk [tilespmem:v18+s12+$0x0], $0xffff;
	v54 =	vmul.bf16 v52, v52;
	v55 =	vadd.bf16 v2, v22;
	v19 =	vadd.bf16 v51, v19  }
0x1a2: {  	v56 =	vsub.bf16 v46, v28  }
0x1a3: {  	v58 =	vadd.bf16 v2, v26;
	v57 =	vmul.bf16 v55, v55;
	v19 =	vadd.bf16 v54, v19  }
0x1a4: {  	v24 =	vsub.bf16 v49, v50  }
0x1a5: {  	v59 =	vmul.bf16 v58, v58;
	v60 =	vadd.bf16 v2, v56;
	v19 =	vadd.bf16 v57, v19  }
0x1a6: {  	v18 =	vsub.bf16 v53, v18  }
0x1a7: {  	v62 =	vadd.bf16 v2, v24;
	v61 =	vmul.bf16 v60, v60;
	v19 =	vadd.bf16 v59, v19;
	_ =	sdelay $0x1  }
0x1a8: {  	v18 =	vadd.bf16 v2, v18;
	v63 =	vmul.bf16 v62, v62;
	v19 =	vadd.bf16 v61, v19;
	_ =	sdelay $0x1  }
0x1a9: {  	v18 =	vmul.bf16 v18, v18;
	v19 =	vadd.bf16 v63, v19  }
0x1aa: {  	s22 =	sadd.s32 $0x1, s22  }
0x1ab: {  	p0 =	sne.s32 s22, $0x8;
	v18 =	vadd.bf16 v18, v19  }
.Ltmp6:
0x1ac: {  	_ = 	snop;
	(pc) =	sbr.rel @p0 .LBB2_12-.Ltmp6, $3  }
0x1ad: {  	v19 =	vunpack.i.u.bf16.f32 v18;
	v18 =	vunpack.i.l.bf16.f32 v18  }
0x1ae: {  	v18 =	vadd.f32 v18, v19;
	_ =	sdelay $0x1  }
0x1af: {  	[tilespmem:s23+$0x13A10] =	vst v18  }
0x1b0: {  	_ =	swait.ge [sflag:s18], $0x4000  }
0x1b1: {  	[sflag:s18] =	ssyncset.done $0x0  }
0x1b2: {  	[sflag:s18] =	ssyncadd.s32 $0xFFFFC000  }
0x1b3: {  	_ =	swait.ge [sflag:s19], $0x4000  }
0x1b4: {  	[sflag:s19] =	ssyncset.done $0x0  }
0x1b5: {  	s22 =	simm.s32 $0x0;
	[sflag:s19] =	ssyncadd.s32 $0xFFFFC000  }
.LBB2_16:
0x1b6: {  	s23 =	sshll.u32 s22, $0x4  }
0x1b7: {  	v18 =	vmov s23  }
0x1b8: {  	v18 =	vshll.u32 v18, $0x7  }
0x1b9: {  	v21 =	vor.u32 v1, v18  }
0x1ba: {  	v18 =	vor.u32 v0, v21;
	_ =	sdelay $0x1  }
0x1bb: {  	v19 =	vor.u32 v3, v21;
	_ =	sdelay $0x1  }
0x1bc: {  	v20 =	vor.u32 v4, v21  }
0x1bd: {  	v22 =	vld.idx.msk [tilespmem:v18+s13+$0x0], $0xffff  }
0x1be: {  	v23 =	vor.u32 v5, v21;
	v18 =	vld.idx.msk [tilespmem:v18+s15+$0x0], $0xffff  }
0x1bf: {  	v24 =	vld.idx.msk [tilespmem:v19+s13+$0x0], $0xffff  }
0x1c0: {  	v25 =	vor.u32 v6, v21;
	v19 =	vld.idx.msk [tilespmem:v19+s15+$0x0], $0xffff  }
0x1c1: {  	v26 =	vld.idx.msk [tilespmem:v20+s13+$0x0], $0xffff  }
0x1c2: {  	v27 =	vor.u32 v7, v21;
	v20 =	vld.idx.msk [tilespmem:v20+s15+$0x0], $0xffff  }
0x1c3: {  	v28 =	vld.idx.msk [tilespmem:v23+s13+$0x0], $0xffff  }
0x1c4: {  	v23 =	vld.idx.msk [tilespmem:v23+s15+$0x0], $0xffff  }
0x1c5: {  	v29 =	vor.u32 v9, v21;
	v18 =	vsub.bf16 v22, v18;
	v22 =	vld.idx.msk [tilespmem:v25+s13+$0x0], $0xffff  }
0x1c6: {  	v25 =	vld.idx.msk [tilespmem:v25+s15+$0x0], $0xffff  }
0x1c7: {  	v30 =	vor.u32 v10, v21;
	v19 =	vsub.bf16 v24, v19;
	v24 =	vld.idx.msk [tilespmem:v27+s13+$0x0], $0xffff  }
0x1c8: {  	v27 =	vld.idx.msk [tilespmem:v27+s15+$0x0], $0xffff;
	v18 =	vadd.bf16 v2, v18  }
0x1c9: {  	v31 =	vor.u32 v8, v21  }
0x1ca: {  	v20 =	vsub.bf16 v26, v20;
	v26 =	vld.idx.msk [tilespmem:v29+s13+$0x0], $0xffff;
	v19 =	vadd.bf16 v2, v19;
	v18 =	vmul.bf16 v18, v18  }
0x1cb: {  	v32 =	vimm.bf16 $0.0e+00;
	v23 =	vsub.bf16 v28, v23;
	v28 =	vld.idx.msk [tilespmem:v29+s15+$0x0], $0xffff;
	v29 =	vor.u32 v11, v21  }
0x1cc: {  	v62 =	vld.idx.msk [tilespmem:v30+s13+$0x0], $0xffff;
	v20 =	vadd.bf16 v2, v20;
	v19 =	vmul.bf16 v19, v19;
	v18 =	vadd.bf16 v18, v32  }
0x1cd: {  	v22 =	vsub.bf16 v22, v25;
	v25 =	vld.idx.msk [tilespmem:v30+s15+$0x0], $0xffff;
	v30 =	vor.u32 v12, v21;
	v24 =	vsub.bf16 v24, v27  }
0x1ce: {  	v27 =	vld.idx.msk [tilespmem:v31+s15+$0x0], $0xffff;
	v18 =	vadd.bf16 v19, v18;
	v19 =	vmul.bf16 v20, v20;
	v20 =	vadd.bf16 v2, v23  }
0x1cf: {  	v23 =	vld.idx.msk [tilespmem:v31+s13+$0x0], $0xffff;
	v31 =	vor.u32 v13, v21  }
0x1d0: {  	v33 =	vld.idx.msk [tilespmem:v29+s13+$0x0], $0xffff;
	v18 =	vadd.bf16 v19, v18;
	v19 =	vmul.bf16 v20, v20;
	v20 =	vadd.bf16 v2, v22  }
0x1d1: {  	v22 =	vsub.bf16 v26, v28;
	v26 =	vld.idx.msk [tilespmem:v29+s15+$0x0], $0xffff;
	v28 =	vor.u32 v14, v21  }
0x1d2: {  	v29 =	vld.idx.msk [tilespmem:v30+s15+$0x0], $0xffff;
	v18 =	vadd.bf16 v19, v18;
	v19 =	vmul.bf16 v20, v20;
	v20 =	vadd.bf16 v2, v24  }
0x1d3: {  	v35 =	vor.u32 v16, v21;
	v25 =	vsub.bf16 v62, v25;
	v24 =	vld.idx.msk [tilespmem:v30+s13+$0x0], $0xffff;
	v30 =	vor.u32 v15, v21  }
0x1d4: {  	v34 =	vld.idx.msk [tilespmem:v31+s13+$0x0], $0xffff;
	v18 =	vadd.bf16 v19, v18;
	v19 =	vmul.bf16 v20, v20;
	v20 =	vadd.bf16 v2, v22  }
0x1d5: {  	v25 =	vadd.bf16 v2, v25;
	v23 =	vsub.bf16 v23, v27;
	v27 =	vld.idx.msk [tilespmem:v31+s15+$0x0], $0xffff  }
0x1d6: {  	v22 =	vld.idx.msk [tilespmem:v28+s15+$0x0], $0xffff;
	v19 =	vadd.bf16 v19, v18;
	v31 =	vmul.bf16 v20, v20  }
0x1d7: {  	v63 =	vmul.bf16 v25, v25;
	v33 =	vsub.bf16 v33, v26;
	v26 =	vor.u32 v17, v21;
	v20 =	vld.idx.msk [tilespmem:v28+s13+$0x0], $0xffff  }
0x1d8: {  	v36 =	vadd.bf16 v2, v23;
	v18 =	vadd.s32 $0x10, v21;
	v21 =	vld.idx.msk [tilespmem:v35+s13+$0x0], $0xffff;
	v31 =	vadd.bf16 v31, v19  }
0x1d9: {  	v23 =	vor.u32 v0, v18;
	v25 =	vld.idx.msk [tilespmem:v30+s15+$0x0], $0xffff;
	v28 =	vsub.bf16 v24, v29  }
0x1da: {  	v32 =	vadd.bf16 v2, v33;
	v19 =	vld.idx.msk [tilespmem:v30+s13+$0x0], $0xffff;
	v30 =	vadd.bf16 v63, v31;
	v31 =	vmul.bf16 v36, v36  }
0x1db: {  	s24 =	simm.s32 $0x6;
	v24 =	vor.u32 v3, v18;
	v29 =	vsub.bf16 v34, v27;
	v27 =	vld.idx.msk [tilespmem:v35+s15+$0x0], $0xffff  }
.LBB2_17:
0x1dc: {  	p0 =	sne.s32 s24, $0x1;
	v30 =	vadd.bf16 v31, v30;
	v31 =	vmul.bf16 v32, v32;
	v28 =	vadd.bf16 v2, v28;
	v32 =	vld.idx.msk [tilespmem:v26+s13+$0x0], $0xffff  }
0x1dd: {  	v33 =	vor.u32 v4, v18;
	v20 =	vsub.bf16 v20, v22;
	v22 =	vld.idx.msk [tilespmem:v26+s15+$0x0], $0xffff  }
0x1de: {  	v29 =	vadd.bf16 v2, v29;
	v26 =	vld.idx.msk [tilespmem:v23+s13+$0x0], $0xffff;
	v30 =	vadd.bf16 v31, v30;
	v28 =	vmul.bf16 v28, v28  }
0x1df: {  	v31 =	vor.u32 v5, v18;
	v19 =	vsub.bf16 v19, v25;
	v23 =	vld.idx.msk [tilespmem:v23+s15+$0x0], $0xffff  }
0x1e0: {  	v20 =	vadd.bf16 v2, v20;
	v29 =	vmul.bf16 v29, v29;
	v25 =	vld.idx.msk [tilespmem:v24+s13+$0x0], $0xffff;
	v28 =	vadd.bf16 v28, v30  }
0x1e1: {  	v30 =	vor.u32 v6, v18;
	v21 =	vsub.bf16 v21, v27;
	v24 =	vld.idx.msk [tilespmem:v24+s15+$0x0], $0xffff  }
0x1e2: {  	v20 =	vmul.bf16 v20, v20;
	v19 =	vadd.bf16 v2, v19;
	v27 =	vld.idx.msk [tilespmem:v33+s13+$0x0], $0xffff;
	v28 =	vadd.bf16 v29, v28  }
0x1e3: {  	v22 =	vsub.bf16 v32, v22;
	v29 =	vld.idx.msk [tilespmem:v33+s15+$0x0], $0xffff;
	v33 =	vor.u32 v7, v18  }
0x1e4: {  	v19 =	vmul.bf16 v19, v19;
	v21 =	vadd.bf16 v2, v21;
	v32 =	vld.idx.msk [tilespmem:v31+s13+$0x0], $0xffff;
	v20 =	vadd.bf16 v20, v28  }
0x1e5: {  	v23 =	vsub.bf16 v26, v23;
	v28 =	vor.u32 v9, v18;
	v26 =	vld.idx.msk [tilespmem:v31+s15+$0x0], $0xffff  }
0x1e6: {  	v31 =	vld.idx.msk [tilespmem:v30+s13+$0x0], $0xffff;
	v19 =	vadd.bf16 v19, v20;
	v20 =	vmul.bf16 v21, v21;
	v21 =	vadd.bf16 v2, v22  }
0x1e7: {  	v22 =	vsub.bf16 v25, v24;
	v25 =	vor.u32 v10, v18;
	v24 =	vld.idx.msk [tilespmem:v30+s15+$0x0], $0xffff  }
0x1e8: {  	v23 =	vadd.bf16 v2, v23;
	v30 =	vld.idx.msk [tilespmem:v33+s13+$0x0], $0xffff;
	v19 =	vadd.bf16 v20, v19;
	v20 =	vmul.bf16 v21, v21  }
0x1e9: {  	v21 =	vsub.bf16 v27, v29;
	v29 =	vor.u32 v8, v18;
	v27 =	vld.idx.msk [tilespmem:v33+s15+$0x0], $0xffff  }
0x1ea: {  	v23 =	vmul.bf16 v23, v23;
	v22 =	vadd.bf16 v2, v22;
	v33 =	vld.idx.msk [tilespmem:v28+s13+$0x0], $0xffff;
	v19 =	vadd.bf16 v20, v19  }
0x1eb: {  	v20 =	vsub.bf16 v32, v26;
	v26 =	vld.idx.msk [tilespmem:v28+s15+$0x0], $0xffff;
	v28 =	vor.u32 v11, v18  }
0x1ec: {  	v22 =	vmul.bf16 v22, v22;
	v21 =	vadd.bf16 v2, v21;
	v19 =	vadd.bf16 v23, v19;
	v23 =	vld.idx.msk [tilespmem:v25+s13+$0x0], $0xffff  }
0x1ed: {  	v24 =	vsub.bf16 v31, v24;
	v31 =	vor.u32 v12, v18;
	v25 =	vld.idx.msk [tilespmem:v25+s15+$0x0], $0xffff  }
0x1ee: {  	v21 =	vmul.bf16 v21, v21;
	v20 =	vadd.bf16 v2, v20;
	v19 =	vadd.bf16 v22, v19;
	v22 =	vld.idx.msk [tilespmem:v29+s13+$0x0], $0xffff  }
0x1ef: {  	v27 =	vsub.bf16 v30, v27;
	v30 =	vor.u32 v13, v18;
	v29 =	vld.idx.msk [tilespmem:v29+s15+$0x0], $0xffff  }
0x1f0: {  	v20 =	vmul.bf16 v20, v20;
	v19 =	vadd.bf16 v21, v19;
	v21 =	vadd.bf16 v2, v24;
	v24 =	vld.idx.msk [tilespmem:v28+s13+$0x0], $0xffff  }
0x1f1: {  	v32 =	vor.u32 v14, v18;
	v26 =	vsub.bf16 v33, v26;
	v28 =	vld.idx.msk [tilespmem:v28+s15+$0x0], $0xffff  }
0x1f2: {  	v19 =	vadd.bf16 v20, v19;
	v20 =	vmul.bf16 v21, v21;
	v21 =	vadd.bf16 v2, v27;
	v27 =	vld.idx.msk [tilespmem:v31+s13+$0x0], $0xffff  }
0x1f3: {  	v23 =	vsub.bf16 v23, v25;
	v25 =	vld.idx.msk [tilespmem:v31+s15+$0x0], $0xffff;
	v31 =	vor.u32 v15, v18  }
0x1f4: {  	v19 =	vadd.bf16 v20, v19;
	v20 =	vmul.bf16 v21, v21;
	v21 =	vadd.bf16 v2, v26;
	v33 =	vld.idx.msk [tilespmem:v30+s13+$0x0], $0xffff  }
0x1f5: {  	v35 =	vor.u32 v16, v18;
	v29 =	vsub.bf16 v22, v29;
	v34 =	vld.idx.msk [tilespmem:v30+s15+$0x0], $0xffff  }
0x1f6: {  	v23 =	vadd.bf16 v2, v23;
	v19 =	vadd.bf16 v20, v19;
	v21 =	vmul.bf16 v21, v21;
	v20 =	vld.idx.msk [tilespmem:v32+s13+$0x0], $0xffff  }
.Ltmp7:
0x1f7: {  	v26 =	vor.u32 v17, v18;
	v18 =	vadd.s32 $0x10, v18;
	v24 =	vsub.bf16 v24, v28;
	v22 =	vld.idx.msk [tilespmem:v32+s15+$0x0], $0xffff;
	(pc) =	sbr.rel @p0 .LBB2_17-.Ltmp7, $4  }
0x1f8: {  	v30 =	vmul.bf16 v23, v23;
	v29 =	vadd.bf16 v2, v29;
	v21 =	vadd.bf16 v21, v19;
	v19 =	vld.idx.msk [tilespmem:v31+s13+$0x0], $0xffff  }
0x1f9: {  	v23 =	vor.u32 v0, v18;
	v28 =	vsub.bf16 v27, v25;
	v25 =	vld.idx.msk [tilespmem:v31+s15+$0x0], $0xffff  }
0x1fa: {  	v32 =	vadd.bf16 v2, v24;
	v31 =	vmul.bf16 v29, v29;
	v30 =	vadd.bf16 v30, v21;
	v21 =	vld.idx.msk [tilespmem:v35+s13+$0x0], $0xffff  }
0x1fb: {  	s24 =	sadd.s32 $0xFFFFFFFF, s24;
	v24 =	vor.u32 v3, v18;
	v29 =	vsub.bf16 v33, v34;
	v27 =	vld.idx.msk [tilespmem:v35+s15+$0x0], $0xffff  }
0x1fc: {  	_ =	sdelay $0x2  }
0x1fd: {  	v30 =	vadd.bf16 v31, v30;
	v58 =	vmul.bf16 v32, v32;
	v28 =	vadd.bf16 v2, v28  }
0x1fe: {  	v59 =	vld.idx.msk [tilespmem:v26+s13+$0x0], $0xffff;
	v33 =	vor.u32 v4, v18;
	v20 =	vsub.bf16 v20, v22  }
0x1ff: {  	v60 =	vld.idx.msk [tilespmem:v26+s15+$0x0], $0xffff;
	v29 =	vadd.bf16 v2, v29;
	v61 =	vadd.bf16 v58, v30;
	v28 =	vmul.bf16 v28, v28  }
0x200: {  	v62 =	vld.idx.msk [tilespmem:v23+s13+$0x0], $0xffff;
	v63 =	vor.u32 v5, v18;
	v19 =	vsub.bf16 v19, v25  }
0x201: {  	v36 =	vld.idx.msk [tilespmem:v23+s15+$0x0], $0xffff;
	v20 =	vadd.bf16 v2, v20;
	v38 =	vmul.bf16 v29, v29;
	v37 =	vadd.bf16 v28, v61  }
0x202: {  	v39 =	vld.idx.msk [tilespmem:v24+s13+$0x0], $0xffff;
	v40 =	vor.u32 v6, v18;
	v21 =	vsub.bf16 v21, v27  }
0x203: {  	v41 =	vld.idx.msk [tilespmem:v24+s15+$0x0], $0xffff;
	v20 =	vmul.bf16 v20, v20;
	v19 =	vadd.bf16 v2, v19;
	v25 =	vadd.bf16 v38, v37  }
0x204: {  	v43 =	vor.u32 v7, v18;
	v42 =	vld.idx.msk [tilespmem:v33+s13+$0x0], $0xffff;
	v22 =	vsub.bf16 v59, v60  }
0x205: {  	v44 =	vld.idx.msk [tilespmem:v33+s15+$0x0], $0xffff;
	v19 =	vmul.bf16 v19, v19;
	v21 =	vadd.bf16 v2, v21;
	v20 =	vadd.bf16 v20, v25  }
0x206: {  	v46 =	vor.u32 v9, v18;
	v45 =	vld.idx.msk [tilespmem:v63+s13+$0x0], $0xffff;
	v23 =	vsub.bf16 v62, v36  }
0x207: {  	v31 =	vld.idx.msk [tilespmem:v63+s15+$0x0], $0xffff;
	v48 =	vadd.bf16 v2, v22;
	v47 =	vmul.bf16 v21, v21;
	v19 =	vadd.bf16 v19, v20  }
0x208: {  	v50 =	vor.u32 v10, v18;
	v49 =	vld.idx.msk [tilespmem:v40+s13+$0x0], $0xffff;
	v24 =	vsub.bf16 v39, v41  }
0x209: {  	v29 =	vld.idx.msk [tilespmem:v40+s15+$0x0], $0xffff;
	v23 =	vadd.bf16 v2, v23;
	v51 =	vmul.bf16 v48, v48;
	v19 =	vadd.bf16 v47, v19  }
0x20a: {  	v53 =	vor.u32 v8, v18;
	v52 =	vld.idx.msk [tilespmem:v43+s13+$0x0], $0xffff;
	v24 =	vadd.bf16 v2, v24  }
0x20b: {  	v27 =	vld.idx.msk [tilespmem:v43+s15+$0x0], $0xffff;
	v23 =	vmul.bf16 v23, v23;
	v26 =	vsub.bf16 v42, v44;
	v19 =	vadd.bf16 v51, v19  }
0x20c: {  	v55 =	vor.u32 v11, v18;
	v54 =	vld.idx.msk [tilespmem:v46+s13+$0x0], $0xffff;
	v25 =	vsub.bf16 v45, v31  }
0x20d: {  	v30 =	vld.idx.msk [tilespmem:v46+s15+$0x0], $0xffff;
	v56 =	vmul.bf16 v24, v24;
	v57 =	vadd.bf16 v2, v26;
	v19 =	vadd.bf16 v23, v19  }
0x20e: {  	v58 =	vld.idx.msk [tilespmem:v50+s13+$0x0], $0xffff;
	v59 =	vor.u32 v12, v18;
	v22 =	vsub.bf16 v49, v29  }
0x20f: {  	v28 =	vld.idx.msk [tilespmem:v50+s15+$0x0], $0xffff;
	v61 =	vadd.bf16 v2, v25;
	v60 =	vmul.bf16 v57, v57;
	v19 =	vadd.bf16 v56, v19  }
0x210: {  	v62 =	vld.idx.msk [tilespmem:v53+s13+$0x0], $0xffff;
	v63 =	vor.u32 v13, v18;
	v21 =	vsub.bf16 v52, v27  }
0x211: {  	v32 =	vld.idx.msk [tilespmem:v53+s15+$0x0], $0xffff;
	v22 =	vadd.bf16 v2, v22;
	v35 =	vmul.bf16 v61, v61;
	v19 =	vadd.bf16 v60, v19  }
0x212: {  	v36 =	vld.idx.msk [tilespmem:v55+s13+$0x0], $0xffff;
	v37 =	vor.u32 v14, v18;
	v20 =	vsub.bf16 v54, v30  }
0x213: {  	v31 =	vld.idx.msk [tilespmem:v55+s15+$0x0], $0xffff;
	v21 =	vadd.bf16 v2, v21;
	v22 =	vmul.bf16 v22, v22;
	v19 =	vadd.bf16 v35, v19  }
0x214: {  	v39 =	vor.u32 v15, v18;
	v38 =	vld.idx.msk [tilespmem:v59+s13+$0x0], $0xffff;
	v26 =	vsub.bf16 v58, v28  }
0x215: {  	v29 =	vld.idx.msk [tilespmem:v59+s15+$0x0], $0xffff;
	v20 =	vadd.bf16 v2, v20;
	v21 =	vmul.bf16 v21, v21;
	v19 =	vadd.bf16 v22, v19  }
0x216: {  	v41 =	vor.u32 v16, v18;
	v40 =	vld.idx.msk [tilespmem:v63+s13+$0x0], $0xffff;
	v25 =	vsub.bf16 v62, v32  }
0x217: {  	v27 =	vld.idx.msk [tilespmem:v63+s15+$0x0], $0xffff;
	v20 =	vmul.bf16 v20, v20;
	v42 =	vadd.bf16 v2, v26;
	v19 =	vadd.bf16 v21, v19  }
0x218: {  	v18 =	vor.u32 v17, v18;
	v43 =	vld.idx.msk [tilespmem:v37+s13+$0x0], $0xffff;
	v45 =	vadd.bf16 v2, v25  }
0x219: {  	v30 =	vld.idx.msk [tilespmem:v37+s15+$0x0], $0xffff;
	v24 =	vsub.bf16 v36, v31;
	v44 =	vmul.bf16 v42, v42;
	v19 =	vadd.bf16 v20, v19  }
0x21a: {  	v46 =	vld.idx.msk [tilespmem:v39+s13+$0x0], $0xffff;
	v23 =	vsub.bf16 v38, v29  }
0x21b: {  	v28 =	vld.idx.msk [tilespmem:v39+s15+$0x0], $0xffff;
	v47 =	vmul.bf16 v45, v45;
	v48 =	vadd.bf16 v2, v24;
	v19 =	vadd.bf16 v44, v19  }
0x21c: {  	v49 =	vld.idx.msk [tilespmem:v41+s13+$0x0], $0xffff;
	v52 =	vadd.bf16 v2, v23  }
0x21d: {  	v50 =	vld.idx.msk [tilespmem:v41+s15+$0x0], $0xffff;
	v51 =	vmul.bf16 v48, v48;
	v22 =	vsub.bf16 v40, v27;
	v19 =	vadd.bf16 v47, v19  }
0x21e: {  	v53 =	vld.idx.msk [tilespmem:v18+s13+$0x0], $0xffff;
	v26 =	vsub.bf16 v43, v30  }
0x21f: {  	v18 =	vld.idx.msk [tilespmem:v18+s15+$0x0], $0xffff;
	v54 =	vmul.bf16 v52, v52;
	v55 =	vadd.bf16 v2, v22;
	v19 =	vadd.bf16 v51, v19  }
0x220: {  	v56 =	vsub.bf16 v46, v28  }
0x221: {  	v58 =	vadd.bf16 v2, v26;
	v57 =	vmul.bf16 v55, v55;
	v19 =	vadd.bf16 v54, v19  }
0x222: {  	v24 =	vsub.bf16 v49, v50  }
0x223: {  	v59 =	vmul.bf16 v58, v58;
	v60 =	vadd.bf16 v2, v56;
	v19 =	vadd.bf16 v57, v19  }
0x224: {  	v18 =	vsub.bf16 v53, v18  }
0x225: {  	v62 =	vadd.bf16 v2, v24;
	v61 =	vmul.bf16 v60, v60;
	v19 =	vadd.bf16 v59, v19;
	_ =	sdelay $0x1  }
0x226: {  	v18 =	vadd.bf16 v2, v18;
	v63 =	vmul.bf16 v62, v62;
	v19 =	vadd.bf16 v61, v19;
	_ =	sdelay $0x1  }
0x227: {  	v18 =	vmul.bf16 v18, v18;
	v19 =	vadd.bf16 v63, v19  }
0x228: {  	s22 =	sadd.s32 $0x1, s22  }
0x229: {  	p0 =	sne.s32 s22, $0x8;
	v18 =	vadd.bf16 v18, v19  }
.Ltmp8:
0x22a: {  	_ = 	snop;
	(pc) =	sbr.rel @p0 .LBB2_16-.Ltmp8, $3  }
0x22b: {  	v19 =	vunpack.i.u.bf16.f32 v18;
	v18 =	vunpack.i.l.bf16.f32 v18  }
0x22c: {  	v18 =	vadd.f32 v18, v19;
	_ =	sdelay $0x1  }
0x22d: {  	[tilespmem:s23+$0x13A18] =	vst v18  }
0x22e: {  	s21 =	sadd.s32 $0x1, s21  }
0x22f: {  	p0 =	sne.s32 s21, s7  }
.Ltmp9:
0x230: {  	_ = 	snop;
	(pc) =	sbr.rel @p0 .LBB2_1-.Ltmp9, $4  }
0x231: {  	[hbm4b:s6+s2] =	stream.linear.scatter [tilespmem:s20], [sflag:$0x5], $0x1388, $0x38;
	[tilespmem:$0x13A98] =	vst v63  }
0x232: {  	_ =	swait.ge [sflag:s8], $0x1388  }
0x233: {  	[sflag:s8] =	ssyncset.done $0x0  }
0x234: {  	[sflag:s8] =	ssyncadd.s32 $0xFFFFEC78  }
0x235: {  	_ =	sfence.sel $0x180000  }
0x236: {  	[bflag:$0x0] =	sbarrier.arrive $0xFFFF  }
0x237: {  	p0 =	sne.s32 s0, $0x0;
	_ =	strace $0x90000047  }
0x238: {  	s0 =	sadd.s32 @!p0 $0x100000, s1;
	[bflag:$0x2] =	sbarrier.arrive $0xFFFF  }
0x239: {  	[sflag:s0] =	ssyncadd.tile.s32 @!p0 $0x1;
	_ =	shalt  }
.Lfunc_end2:
_tile_overlayer_lowered:
.L_overlay_start_2:
0x23a: {  	(tag) =	ssettag $0x2  }
0x23b: {  	s0 =	rddreg [dreg:$0x0];
	s2 =	stileid.u32  }
0x23c: {  	s1 =	rddreg [dreg:$0x1];
	p0 =	sne.s32 s2, $0x0  }
0x23d: {  	s3 =	rddreg [dreg:$0x2];
	[bflag:$0x3] =	sbarrier.arrive $0xFFFF;
	s2 =	simm.s32 @!p0 $0x1C05  }
0x23e: {  	[timem:s3], [sflag:s2] =	dma.local @!p0 [hbm:s0], s1  }
0x23f: {  	s0 =	simm.s32 @!p0 $0x5  }
0x240: {  	_ =	swait.ge @!p0 [sflag:s0], s1  }
0x241: {  	s1 =	ssub.s32 @!p0 $0x0, s1;
	[sflag:s0] =	ssyncset.done @!p0 $0x0  }
0x242: {  	[sflag:s0] =	ssyncadd.s32 @!p0 s1  }
0x243: {  	[bflag:$0x3] =	sbarrier.arrive $0xFFFF  }
0x244: {  	_ =	shalt  }

</sc_bundles>
